<compile_context>
chip_gen: v7x
topology: tpu7x:2x2x1
jax: 0.10.2.dev20260603
libtpu: 0.0.44.dev20260713+nightly
codegen_flags: <defaults>
</compile_context>

<pallas_src>
import functools

import jax
import jax.numpy as jnp
from jax import lax
from jax.experimental import pallas as pl
from jax.experimental.pallas import tpu as pltpu
from jax.experimental.pallas import tpu_sc as plsc

N = 10000
E = 320000
IN_F = 128
HID = 256
OUT_G = 128
NG = 64

HR = 5000
NPH = 5120
NTR = NPH - HR
CHUNK = 128
NCH = 2560
EPAD = NCH * CHUNK
NTILES = 16
KLOC = NCH // NTILES
RPT = NPH // NTILES
BM = 1000
NBLK = N // BM


def _make_segsum(npass):
    mesh = plsc.VectorSubcoreMesh(core_axis_name="c", subcore_axis_name="s",
                                  num_cores=2, num_subcores=16)

    @functools.partial(
        pl.kernel,
        out_type=jax.ShapeDtypeStruct((2 * npass, NPH, 128), jnp.float32),
        mesh=mesh,
        scratch_types=[
            pltpu.VMEM((KLOC, CHUNK), jnp.int32),
            pltpu.VMEM((KLOC, CHUNK), jnp.int32),
            pltpu.VMEM((16,), jnp.int32),
            pltpu.VMEM((CHUNK, 128), jnp.float32),
            pltpu.VMEM((CHUNK, 128), jnp.float32),
            pltpu.VMEM_SHARED((NPH, 128), jnp.float32),
            pltpu.SemaphoreType.DMA,
            pltpu.SemaphoreType.DMA,
        ],
    )
    def seg(table, srcs, dsts, counts, zrows, out, src_l, dst_l, cnt_l,
            buf0, buf1, acc, sem0, sem1):
        cid = lax.axis_index("c")
        sid = lax.axis_index("s")
        pltpu.sync_copy(dsts.at[cid, pl.ds(sid * KLOC, KLOC)], dst_l)
        pltpu.sync_copy(counts, cnt_l)
        cv = cnt_l[...]
        nch = jnp.where(cid == 0, cv[0], cv[1])
        kc = (nch + 15 - sid) // 16
        for q in range(npass):
            grp = cid * npass + q
            pltpu.sync_copy(zrows, buf0)
            pltpu.sync_copy(buf0, acc.at[pl.ds(sid * RPT, CHUNK)])
            pltpu.sync_copy(buf0, acc.at[pl.ds(sid * RPT + CHUNK, CHUNK)])
            pltpu.sync_copy(buf0.at[pl.ds(0, RPT - 2 * CHUNK)],
                            acc.at[pl.ds(sid * RPT + 2 * CHUNK,
                                         RPT - 2 * CHUNK)])
            pltpu.sync_copy(srcs.at[cid, pl.ds(q * NCH + sid * KLOC, KLOC)],
                            src_l)
            plsc.subcore_barrier()

            @pl.when(kc > 0)
            def _():
                pltpu.async_copy(table.at[src_l.at[0]], buf0, sem0)

            @pl.when(kc > 1)
            def _():
                pltpu.async_copy(table.at[src_l.at[1]], buf1, sem1)

            def body(j, carry):
                i0 = 2 * j
                pltpu.make_async_copy(table.at[src_l.at[i0]], buf0,
                                      sem0).wait()
                pltpu.sync_copy(buf0, acc.at[dst_l.at[i0]], add=True)

                @pl.when(i0 + 2 < kc)
                def _():
                    pltpu.async_copy(table.at[src_l.at[i0 + 2]], buf0, sem0)

                @pl.when(i0 + 1 < kc)
                def _():
                    pltpu.make_async_copy(table.at[src_l.at[i0 + 1]], buf1,
                                          sem1).wait()
                    pltpu.sync_copy(buf1, acc.at[dst_l.at[i0 + 1]],
                                    add=True)

                    @pl.when(i0 + 3 < kc)
                    def _():
                        pltpu.async_copy(table.at[src_l.at[i0 + 3]], buf1,
                                         sem1)

                return carry

            lax.fori_loop(0, (kc + 1) // 2, body, 0)
            plsc.subcore_barrier()
            pltpu.sync_copy(acc.at[pl.ds(sid * RPT, RPT)],
                            out.at[grp, pl.ds(sid * RPT, RPT)])

    return seg


_SEGSUM_CACHE = {}


def _segsum(npass, *args):
    if npass not in _SEGSUM_CACHE:
        _SEGSUM_CACHE[npass] = _make_segsum(npass)
    return _SEGSUM_CACHE[npass](*args)


def _combine1(a1, x, Wn, Ws, b):

    def body(a_ref, x_ref, wn, ws, b_ref, ha, hb):
        h = jnp.dot(a_ref[0], wn[...], preferred_element_type=jnp.float32)
        h += jnp.dot(x_ref[...], ws[...], preferred_element_type=jnp.float32)
        h += b_ref[...]
        h = jnp.maximum(h, 0.0)
        ha[...] = h[:, :128]
        hb[...] = h[:, 128:]

    return pl.pallas_call(
        body,
        grid=(NBLK,),
        in_specs=[
            pl.BlockSpec((1, BM, 128), lambda i: (i // 5, i % 5, 0)),
            pl.BlockSpec((BM, IN_F), lambda i: (i, 0)),
            pl.BlockSpec((IN_F, HID), lambda i: (0, 0)),
            pl.BlockSpec((IN_F, HID), lambda i: (0, 0)),
            pl.BlockSpec((1, HID), lambda i: (0, 0)),
        ],
        out_specs=[pl.BlockSpec((BM, 128), lambda i: (i, 0))] * 2,
        out_shape=[jax.ShapeDtypeStruct((N, 128), jnp.float32)] * 2,
    )(a1, x, Wn, Ws, b)


def _combine2(a2, h1a, h1b, Wn, Ws, b, batch3):

    def body(a20, a21, ha, hb, wn0, wn1, ws0, ws1, b_ref, bat, sums, cnts):
        i = pl.program_id(0)
        h = jnp.dot(a20[0], wn0[...], preferred_element_type=jnp.float32)
        h += jnp.dot(a21[0], wn1[...], preferred_element_type=jnp.float32)
        h += jnp.dot(ha[...], ws0[...], preferred_element_type=jnp.float32)
        h += jnp.dot(hb[...], ws1[...], preferred_element_type=jnp.float32)
        h += b_ref[...]
        h = jnp.maximum(h, 0.0)
        bv = bat[0, 0, :]
        oh = (lax.broadcasted_iota(jnp.int32, (NG, BM), 0)
              == bv[None, :]).astype(jnp.float32)
        ps = jnp.dot(oh, h, preferred_element_type=jnp.float32)
        pc = jnp.sum(oh, axis=1, keepdims=True)

        @pl.when(i == 0)
        def _():
            sums[...] = jnp.zeros((NG, HID), jnp.float32)
            cnts[...] = jnp.zeros((NG, 128), jnp.float32)

        sums[...] += ps
        cnts[...] += jnp.broadcast_to(pc, (NG, 128))

    return pl.pallas_call(
        body,
        grid=(NBLK,),
        in_specs=[
            pl.BlockSpec((1, BM, 128), lambda i: (2 * (i // 5), i % 5, 0)),
            pl.BlockSpec((1, BM, 128), lambda i: (2 * (i // 5) + 1, i % 5, 0)),
            pl.BlockSpec((BM, 128), lambda i: (i, 0)),
            pl.BlockSpec((BM, 128), lambda i: (i, 0)),
            pl.BlockSpec((128, HID), lambda i: (0, 0)),
            pl.BlockSpec((128, HID), lambda i: (1, 0)),
            pl.BlockSpec((128, HID), lambda i: (0, 0)),
            pl.BlockSpec((128, HID), lambda i: (1, 0)),
            pl.BlockSpec((1, HID), lambda i: (0, 0)),
            pl.BlockSpec((1, 1, BM), lambda i: (i, 0, 0)),
        ],
        out_specs=[
            pl.BlockSpec((NG, HID), lambda i: (0, 0)),
            pl.BlockSpec((NG, 128), lambda i: (0, 0)),
        ],
        out_shape=[
            jax.ShapeDtypeStruct((NG, HID), jnp.float32),
            jax.ShapeDtypeStruct((NG, 128), jnp.float32),
        ],
    )(a2, a2, h1a, h1b, Wn, Wn, Ws, Ws, b, batch3)


def _head(sums, cnts, W1, b1, W2, b2):

    def body(s_ref, c_ref, w1, b1_ref, w2, b2_ref, y):
        c = jnp.maximum(c_ref[:, 0:1], 1.0)
        pool = s_ref[...] / c
        t = jnp.dot(pool, w1[...], preferred_element_type=jnp.float32)
        t = jnp.maximum(t + b1_ref[...], 0.0)
        y[...] = jnp.dot(t, w2[...],
                         preferred_element_type=jnp.float32) + b2_ref[...]

    return pl.pallas_call(
        body,
        out_shape=jax.ShapeDtypeStruct((NG, OUT_G), jnp.float32),
    )(sums, cnts, W1, b1, W2, b2)


def kernel(x, edge_index, batch, g1_Wn, g1_Ws, g1_b, g2_Wn, g2_Ws, g2_b,
           head_W1, head_b1, head_W2, head_b2):
    src = edge_index[0].astype(jnp.int32)
    dst = edge_index[1].astype(jnp.int32)
    iota = jnp.arange(E, dtype=jnp.int32)
    maskA = dst < HR
    posA = jnp.cumsum(maskA.astype(jnp.int32)) - 1
    posB = iota - posA - 1
    nA = posA[-1] + 1
    idx = jnp.where(maskA, posA, EPAD + posB)
    vals = src * 8192 + jnp.where(maskA, dst, dst - HR)
    trash2 = HR + (jnp.arange(2 * EPAD, dtype=jnp.int32) % NTR)
    delta = jnp.zeros((2 * EPAD,), jnp.int32).at[idx].add(
        vals - (HR + idx % NTR))
    packed = trash2 + delta
    srcP = packed // 8192
    dstP = packed % 8192

    def il(a):
        return (a.reshape(KLOC, NTILES, CHUNK).transpose(1, 0, 2)
                .reshape(NCH, CHUNK))

    srcA, srcB = il(srcP[:EPAD]), il(srcP[EPAD:])
    dsts = jnp.stack([il(dstP[:EPAD]), il(dstP[EPAD:])])
    srcs1 = jnp.stack([srcA, srcB])
    srcs2 = jnp.stack([jnp.concatenate([srcA, srcA + N]),
                       jnp.concatenate([srcB, srcB + N])])
    nchA = (nA + CHUNK - 1) // CHUNK
    nchB = (E - nA + CHUNK - 1) // CHUNK
    counts = (jnp.zeros((16,), jnp.int32).at[0].set(nchA).at[1].set(nchB))
    z128 = jnp.zeros((CHUNK, 128), jnp.float32)

    a1 = _segsum(1, x, srcs1, dsts, counts, z128)
    h1a, h1b = _combine1(a1, x, g1_Wn, g1_Ws, g1_b.reshape(1, HID))
    t2 = jnp.concatenate([h1a, h1b], axis=0)
    a2 = _segsum(2, t2, srcs2, dsts, counts, z128)
    sums, cnts = _combine2(a2, h1a, h1b, g2_Wn, g2_Ws,
                           g2_b.reshape(1, HID),
                           batch.astype(jnp.int32).reshape(NBLK, 1, BM))
    return _head(sums, cnts, head_W1, head_b1.reshape(1, HID),
                 head_W2, head_b2.reshape(1, OUT_G))

# --- scband reference (transcript-rebuilt; emitter-appended) ---
"""Pipeline reference for scband-gnn-81501299409353 (READ-ONLY COPY).

The authoritative reference and input builder live on the scoring server;
editing this copy changes nothing except your own understanding.
"""

import jax, jax.numpy as jnp
import numpy as np

N_NODES = 10000
N_EDGES = 320000
IN_F = 128
HID = 256
OUT_G = 128
N_GRAPHS = 64


def setup_inputs(seed: int = 0) -> dict:
    key = jax.random.key(seed)
    ks = jax.random.split(key, 16)
    x = jax.random.normal(ks[0], (N_NODES, IN_F), dtype=jnp.float32)
    edge_index = jax.random.randint(ks[1], (2, N_EDGES), 0, N_NODES, dtype=jnp.int64)
    batch = jnp.sort(jax.random.randint(ks[2], (N_NODES,), 0, N_GRAPHS, dtype=jnp.int64))
    def glorot(k, fan_in, fan_out):
        s = jnp.sqrt(6.0 / (fan_in + fan_out))
        return jax.random.uniform(k, (fan_in, fan_out), dtype=jnp.float32, minval=-s, maxval=s)
    g1_Wn = glorot(ks[3], IN_F, HID)
    g1_Ws = glorot(ks[4], IN_F, HID)
    g1_b = jnp.zeros((HID,), dtype=jnp.float32)
    g2_Wn = glorot(ks[5], HID, HID)
    g2_Ws = glorot(ks[6], HID, HID)
    g2_b = jnp.zeros((HID,), dtype=jnp.float32)
    head_W1 = glorot(ks[7], HID, HID)
    head_b1 = jnp.zeros((HID,), dtype=jnp.float32)
    head_W2 = glorot(ks[8], HID, OUT_G)
    head_b2 = jnp.zeros((OUT_G,), dtype=jnp.float32)
    return {"x": x, "edge_index": edge_index, "batch": batch,
            "g1_Wn": g1_Wn, "g1_Ws": g1_Ws, "g1_b": g1_b,
            "g2_Wn": g2_Wn, "g2_Ws": g2_Ws, "g2_b": g2_b,
            "head_W1": head_W1, "head_b1": head_b1,
            "head_W2": head_W2, "head_b2": head_b2}


def _graph_conv(x, edge_index, Wn, Ws, b):
    # PyG-style GraphConv: out_i = Ws^T x_i + Wn^T (sum_{j in N(i)} x_j) + b
    src = edge_index[0]
    dst = edge_index[1]
    msg = jnp.take(x, src, axis=0)
    agg = jax.ops.segment_sum(msg, dst, num_segments=x.shape[0])
    return agg @ Wn + x @ Ws + b


def _global_mean_pool(h, batch, num_graphs):
    sums = jax.ops.segment_sum(h, batch, num_segments=num_graphs)
    counts = jax.ops.segment_sum(jnp.ones((h.shape[0],), dtype=h.dtype), batch, num_segments=num_graphs)
    return sums / jnp.clip(counts, 1.0)[:, None]


def reference(x, edge_index, batch, g1_Wn, g1_Ws, g1_b, g2_Wn, g2_Ws, g2_b, head_W1, head_b1, head_W2, head_b2):
    h = jax.nn.relu(_graph_conv(x, edge_index, g1_Wn, g1_Ws, g1_b))
    h = jax.nn.relu(_graph_conv(h, edge_index, g2_Wn, g2_Ws, g2_b))
    h_pool = _global_mean_pool(h, batch, N_GRAPHS)
    y = jax.nn.relu(h_pool @ head_W1 + head_b1)
    y_global = y @ head_W2 + head_b2
    return y_global

if __name__ == "__main__":
    import jax
    _d = setup_inputs()
    print(jax.jit(kernel)(*tuple(_d.values())))

</pallas_src>

<mosaic_0001>
#map = affine_map<(d0, d1) -> (0, 0)>
#map1 = affine_map<(d0, d1) -> (0, 0, 0)>
#map2 = affine_map<(d0, d1) -> (0)>
module attributes {stable_mosaic.version = 14 : i64} {
  func.func @seg(%arg0: i32, %arg1: i32, %arg2: memref<20000x128xf32, #tpu.memory_space<hbm>>, %arg3: memref<2x5120x128xi32, #tpu.memory_space<hbm>>, %arg4: memref<2x2560x128xi32, #tpu.memory_space<hbm>>, %arg5: memref<16xi32, #tpu.memory_space<hbm>>, %arg6: memref<128x128xf32, #tpu.memory_space<hbm>>, %arg7: memref<4x5120x128xf32, #tpu.memory_space<hbm>>, %arg8: memref<160x128xi32, #tpu.memory_space<vmem>>, %arg9: memref<160x128xi32, #tpu.memory_space<vmem>>, %arg10: memref<16xi32, #tpu.memory_space<vmem>>, %arg11: memref<128x128xf32, #tpu.memory_space<vmem>>, %arg12: memref<128x128xf32, #tpu.memory_space<vmem>>, %arg13: memref<5120x128xf32, #tpu.memory_space<vmem_shared>>, %arg14: memref<!tpu.dma_semaphore, #tpu.memory_space<semaphore_mem>>, %arg15: memref<!tpu.dma_semaphore, #tpu.memory_space<semaphore_mem>>) attributes {dimension_semantics = [#tpu.dimension_semantics<core_parallel>, #tpu.dimension_semantics<subcore_parallel>], iteration_bounds = array<i64: 2, 16>, scalar_prefetch = 0 : i64, scratch_operands = 8 : i64, tpu.core_type = #tpu.core_type<sc_vector_subcore>, window_params = [{transform_indices = #map}, {transform_indices = #map1}, {transform_indices = #map1}, {transform_indices = #map2}, {transform_indices = #map}, {transform_indices = #map1}]} {
    %mul3A = arith.constant 160 : i32
    %mul3A_0 = arith.muli %arg1, %mul3A : i32
    "tpu.region"() ({
      %run_scoped3A = tpu.sem_alloc : memref<!tpu.dma_semaphore, #tpu.memory_space<semaphore_mem>>
      %dma_start3A = arith.constant 0 : i32
      %dma_start3A_160 = tpu.memref_slice %arg4[%arg0, %mul3A_0, %dma_start3A] : memref<2x2560x128xi32, #tpu.memory_space<hbm>> -> memref<1x160x128xi32, #tpu.memory_space<hbm>>
      %dma_start3A_161 = tpu.memref_squeeze %dma_start3A_160 : memref<1x160x128xi32, #tpu.memory_space<hbm>> -> memref<160x128xi32, #tpu.memory_space<hbm>>
      %dma_start3A_162 = arith.constant 0 : i32
      %dma_start3A_163 = tpu.memref_slice %arg4[%arg0, %mul3A_0, %dma_start3A_162] : memref<2x2560x128xi32, #tpu.memory_space<hbm>> -> memref<1x160x128xi32, #tpu.memory_space<hbm>>
      %dma_start3A_164 = tpu.memref_squeeze %dma_start3A_163 : memref<1x160x128xi32, #tpu.memory_space<hbm>> -> memref<160x128xi32, #tpu.memory_space<hbm>>
      tpu.enqueue_dma source(%dma_start3A_164 : memref<160x128xi32, #tpu.memory_space<hbm>>) target(%arg9 : memref<160x128xi32, #tpu.memory_space<vmem>>) target_semaphore(%run_scoped3A : memref<!tpu.dma_semaphore, #tpu.memory_space<semaphore_mem>>)
      %dma_wait3A = arith.constant 0 : i32
      %dma_wait3A_165 = tpu.memref_slice %arg4[%arg0, %mul3A_0, %dma_wait3A] : memref<2x2560x128xi32, #tpu.memory_space<hbm>> -> memref<1x160x128xi32, #tpu.memory_space<hbm>>
      %dma_wait3A_166 = tpu.memref_squeeze %dma_wait3A_165 : memref<1x160x128xi32, #tpu.memory_space<hbm>> -> memref<160x128xi32, #tpu.memory_space<hbm>>
      %dma_wait3A_167 = arith.constant 0 : i32
      %dma_wait3A_168 = tpu.memref_slice %arg4[%arg0, %mul3A_0, %dma_wait3A_167] : memref<2x2560x128xi32, #tpu.memory_space<hbm>> -> memref<1x160x128xi32, #tpu.memory_space<hbm>>
      %dma_wait3A_169 = tpu.memref_squeeze %dma_wait3A_168 : memref<1x160x128xi32, #tpu.memory_space<hbm>> -> memref<160x128xi32, #tpu.memory_space<hbm>>
      tpu.wait_dma2 semaphore(%run_scoped3A : memref<!tpu.dma_semaphore, #tpu.memory_space<semaphore_mem>>) src(%dma_wait3A_169 : memref<160x128xi32, #tpu.memory_space<hbm>>) dst(%arg9 : memref<160x128xi32, #tpu.memory_space<vmem>>)
      tpu.yield
    }) : () -> ()
    "tpu.region"() ({
      %run_scoped3A = tpu.sem_alloc : memref<!tpu.dma_semaphore, #tpu.memory_space<semaphore_mem>>
      tpu.enqueue_dma source(%arg5 : memref<16xi32, #tpu.memory_space<hbm>>) target(%arg10 : memref<16xi32, #tpu.memory_space<vmem>>) target_semaphore(%run_scoped3A : memref<!tpu.dma_semaphore, #tpu.memory_space<semaphore_mem>>)
      tpu.wait_dma2 semaphore(%run_scoped3A : memref<!tpu.dma_semaphore, #tpu.memory_space<semaphore_mem>>) src(%arg5 : memref<16xi32, #tpu.memory_space<hbm>>) dst(%arg10 : memref<16xi32, #tpu.memory_space<vmem>>)
      tpu.yield
    }) : () -> ()
    %get3A = arith.constant 0 : index
    %get3A_1 = tpu.vector_load %arg10[%get3A] {strides = array<i32>} : memref<16xi32, #tpu.memory_space<vmem>>, vector<16xi32>,
    %get3A_2 = vector.shape_cast %get3A_1 : vector<16xi32> to vector<16xi32>
    %eq3A = arith.constant 0 : i32
    %eq3A_3 = arith.cmpi eq, %arg0, %eq3A : i32
    %slice3A = vector.extract_strided_slice %get3A_2 {offsets = [0], sizes = [1], strides = [1]} : vector<16xi32> to vector<1xi32>
    %squeeze3A = vector.extract %slice3A[0] : i32 from vector<1xi32>
    %slice3A_4 = vector.extract_strided_slice %get3A_2 {offsets = [1], sizes = [1], strides = [1]} : vector<16xi32> to vector<1xi32>
    %squeeze3A_5 = vector.extract %slice3A_4[0] : i32 from vector<1xi32>
    %select_n3A = arith.select %eq3A_3, %squeeze3A, %squeeze3A_5 : i32
    %add3A = arith.constant 15 : i32
    %add3A_6 = arith.addi %select_n3A, %add3A : i32
    %sub3A = arith.subi %add3A_6, %arg1 : i32
    %jit3A = arith.constant 16 : i32
    %div3A = arith.divsi %sub3A, %jit3A : i32
    %sign3A = arith.constant 0 : i32
    %sign3A_7 = arith.cmpi sgt, %sub3A, %sign3A : i32
    %sign3A_8 = arith.extui %sign3A_7 : i1 to i32
    %sign3A_9 = arith.constant 0 : i32
    %sign3A_10 = arith.cmpi slt, %sub3A, %sign3A_9 : i32
    %sign3A_11 = arith.extui %sign3A_10 : i1 to i32
    %sign3A_12 = arith.subi %sign3A_8, %sign3A_11 : i32
    %sign3A_13 = arith.constant 0 : i32
    %sign3A_14 = arith.cmpi sgt, %jit3A, %sign3A_13 : i32
    %sign3A_15 = arith.extui %sign3A_14 : i1 to i32
    %sign3A_16 = arith.constant 0 : i32
    %sign3A_17 = arith.cmpi slt, %jit3A, %sign3A_16 : i32
    %sign3A_18 = arith.extui %sign3A_17 : i1 to i32
    %sign3A_19 = arith.subi %sign3A_15, %sign3A_18 : i32
    %ne3A = arith.cmpi ne, %sign3A_12, %sign3A_19 : i32
    %rem3A = arith.remsi %sub3A, %jit3A : i32
    %ne3A_20 = arith.constant 0 : i32
    %ne3A_21 = arith.cmpi ne, %rem3A, %ne3A_20 : i32
    %and3A = arith.andi %ne3A, %ne3A_21 : i1
    %sub3A_22 = arith.constant 1 : i32
    %sub3A_23 = arith.subi %div3A, %sub3A_22 : i32
    %select_n3A_24 = arith.select %and3A, %sub3A_23, %div3A : i32
    %mul3A_25 = arith.constant 2 : i32
    %mul3A_26 = arith.muli %arg0, %mul3A_25 : i32
    %add3A_27 = arith.constant 0 : i32
    %add3A_28 = arith.addi %mul3A_26, %add3A_27 : i32
    "tpu.region"() ({
      %run_scoped3A = tpu.sem_alloc : memref<!tpu.dma_semaphore, #tpu.memory_space<semaphore_mem>>
      tpu.enqueue_dma source(%arg6 : memref<128x128xf32, #tpu.memory_space<hbm>>) target(%arg11 : memref<128x128xf32, #tpu.memory_space<vmem>>) target_semaphore(%run_scoped3A : memref<!tpu.dma_semaphore, #tpu.memory_space<semaphore_mem>>)
      tpu.wait_dma2 semaphore(%run_scoped3A : memref<!tpu.dma_semaphore, #tpu.memory_space<semaphore_mem>>) src(%arg6 : memref<128x128xf32, #tpu.memory_space<hbm>>) dst(%arg11 : memref<128x128xf32, #tpu.memory_space<vmem>>)
      tpu.yield
    }) : () -> ()
    %mul3A_29 = arith.constant 320 : i32
    %mul3A_30 = arith.muli %arg1, %mul3A_29 : i32
    "tpu.region"() ({
      %run_scoped3A = tpu.sem_alloc : memref<!tpu.dma_semaphore, #tpu.memory_space<semaphore_mem>>
      %dma_start3A = arith.constant 0 : i32
      %dma_start3A_160 = tpu.memref_slice %arg13[%mul3A_30, %dma_start3A] : memref<5120x128xf32, #tpu.memory_space<vmem_shared>> -> memref<128x128xf32, #tpu.memory_space<vmem_shared>>
      %dma_start3A_161 = arith.constant 0 : i32
      %dma_start3A_162 = tpu.memref_slice %arg13[%mul3A_30, %dma_start3A_161] : memref<5120x128xf32, #tpu.memory_space<vmem_shared>> -> memref<128x128xf32, #tpu.memory_space<vmem_shared>>
      tpu.enqueue_dma source(%arg11 : memref<128x128xf32, #tpu.memory_space<vmem>>) target(%dma_start3A_162 : memref<128x128xf32, #tpu.memory_space<vmem_shared>>) target_semaphore(%run_scoped3A : memref<!tpu.dma_semaphore, #tpu.memory_space<semaphore_mem>>)
      %dma_wait3A = arith.constant 0 : i32
      %dma_wait3A_163 = tpu.memref_slice %arg13[%mul3A_30, %dma_wait3A] : memref<5120x128xf32, #tpu.memory_space<vmem_shared>> -> memref<128x128xf32, #tpu.memory_space<vmem_shared>>
      %dma_wait3A_164 = arith.constant 0 : i32
      %dma_wait3A_165 = tpu.memref_slice %arg13[%mul3A_30, %dma_wait3A_164] : memref<5120x128xf32, #tpu.memory_space<vmem_shared>> -> memref<128x128xf32, #tpu.memory_space<vmem_shared>>
      tpu.wait_dma2 semaphore(%run_scoped3A : memref<!tpu.dma_semaphore, #tpu.memory_space<semaphore_mem>>) src(%arg11 : memref<128x128xf32, #tpu.memory_space<vmem>>) dst(%dma_wait3A_165 : memref<128x128xf32, #tpu.memory_space<vmem_shared>>)
      tpu.yield
    }) : () -> ()
    %mul3A_31 = arith.constant 320 : i32
    %mul3A_32 = arith.muli %arg1, %mul3A_31 : i32
    %add3A_33 = arith.constant 128 : i32
    %add3A_34 = arith.addi %mul3A_32, %add3A_33 : i32
    "tpu.region"() ({
      %run_scoped3A = tpu.sem_alloc : memref<!tpu.dma_semaphore, #tpu.memory_space<semaphore_mem>>
      %dma_start3A = arith.constant 0 : i32
      %dma_start3A_160 = tpu.memref_slice %arg13[%add3A_34, %dma_start3A] : memref<5120x128xf32, #tpu.memory_space<vmem_shared>> -> memref<128x128xf32, #tpu.memory_space<vmem_shared>>
      %dma_start3A_161 = arith.constant 0 : i32
      %dma_start3A_162 = tpu.memref_slice %arg13[%add3A_34, %dma_start3A_161] : memref<5120x128xf32, #tpu.memory_space<vmem_shared>> -> memref<128x128xf32, #tpu.memory_space<vmem_shared>>
      tpu.enqueue_dma source(%arg11 : memref<128x128xf32, #tpu.memory_space<vmem>>) target(%dma_start3A_162 : memref<128x128xf32, #tpu.memory_space<vmem_shared>>) target_semaphore(%run_scoped3A : memref<!tpu.dma_semaphore, #tpu.memory_space<semaphore_mem>>)
      %dma_wait3A = arith.constant 0 : i32
      %dma_wait3A_163 = tpu.memref_slice %arg13[%add3A_34, %dma_wait3A] : memref<5120x128xf32, #tpu.memory_space<vmem_shared>> -> memref<128x128xf32, #tpu.memory_space<vmem_shared>>
      %dma_wait3A_164 = arith.constant 0 : i32
      %dma_wait3A_165 = tpu.memref_slice %arg13[%add3A_34, %dma_wait3A_164] : memref<5120x128xf32, #tpu.memory_space<vmem_shared>> -> memref<128x128xf32, #tpu.memory_space<vmem_shared>>
      tpu.wait_dma2 semaphore(%run_scoped3A : memref<!tpu.dma_semaphore, #tpu.memory_space<semaphore_mem>>) src(%arg11 : memref<128x128xf32, #tpu.memory_space<vmem>>) dst(%dma_wait3A_165 : memref<128x128xf32, #tpu.memory_space<vmem_shared>>)
      tpu.yield
    }) : () -> ()
    %mul3A_35 = arith.constant 320 : i32
    %mul3A_36 = arith.muli %arg1, %mul3A_35 : i32
    %add3A_37 = arith.constant 256 : i32
    %add3A_38 = arith.addi %mul3A_36, %add3A_37 : i32
    "tpu.region"() ({
      %run_scoped3A = tpu.sem_alloc : memref<!tpu.dma_semaphore, #tpu.memory_space<semaphore_mem>>
      %dma_start3A = arith.constant 0 : i32
      %dma_start3A_160 = arith.constant 0 : i32
      %dma_start3A_161 = tpu.memref_slice %arg11[%dma_start3A, %dma_start3A_160] : memref<128x128xf32, #tpu.memory_space<vmem>> -> memref<64x128xf32, #tpu.memory_space<vmem>>
      %dma_start3A_162 = arith.constant 0 : i32
      %dma_start3A_163 = tpu.memref_slice %arg13[%add3A_38, %dma_start3A_162] : memref<5120x128xf32, #tpu.memory_space<vmem_shared>> -> memref<64x128xf32, #tpu.memory_space<vmem_shared>>
      %dma_start3A_164 = arith.constant 0 : i32
      %dma_start3A_165 = tpu.memref_slice %arg13[%add3A_38, %dma_start3A_164] : memref<5120x128xf32, #tpu.memory_space<vmem_shared>> -> memref<64x128xf32, #tpu.memory_space<vmem_shared>>
      %dma_start3A_166 = arith.constant 0 : i32
      %dma_start3A_167 = arith.constant 0 : i32
      %dma_start3A_168 = tpu.memref_slice %arg11[%dma_start3A_166, %dma_start3A_167] : memref<128x128xf32, #tpu.memory_space<vmem>> -> memref<64x128xf32, #tpu.memory_space<vmem>>
      tpu.enqueue_dma source(%dma_start3A_168 : memref<64x128xf32, #tpu.memory_space<vmem>>) target(%dma_start3A_165 : memref<64x128xf32, #tpu.memory_space<vmem_shared>>) target_semaphore(%run_scoped3A : memref<!tpu.dma_semaphore, #tpu.memory_space<semaphore_mem>>)
      %dma_wait3A = arith.constant 0 : i32
      %dma_wait3A_169 = arith.constant 0 : i32
      %dma_wait3A_170 = tpu.memref_slice %arg11[%dma_wait3A, %dma_wait3A_169] : memref<128x128xf32, #tpu.memory_space<vmem>> -> memref<64x128xf32, #tpu.memory_space<vmem>>
      %dma_wait3A_171 = arith.constant 0 : i32
      %dma_wait3A_172 = tpu.memref_slice %arg13[%add3A_38, %dma_wait3A_171] : memref<5120x128xf32, #tpu.memory_space<vmem_shared>> -> memref<64x128xf32, #tpu.memory_space<vmem_shared>>
      %dma_wait3A_173 = arith.constant 0 : i32
      %dma_wait3A_174 = tpu.memref_slice %arg13[%add3A_38, %dma_wait3A_173] : memref<5120x128xf32, #tpu.memory_space<vmem_shared>> -> memref<64x128xf32, #tpu.memory_space<vmem_shared>>
      %dma_wait3A_175 = arith.constant 0 : i32
      %dma_wait3A_176 = arith.constant 0 : i32
      %dma_wait3A_177 = tpu.memref_slice %arg11[%dma_wait3A_175, %dma_wait3A_176] : memref<128x128xf32, #tpu.memory_space<vmem>> -> memref<64x128xf32, #tpu.memory_space<vmem>>
      tpu.wait_dma2 semaphore(%run_scoped3A : memref<!tpu.dma_semaphore, #tpu.memory_space<semaphore_mem>>) src(%dma_wait3A_177 : memref<64x128xf32, #tpu.memory_space<vmem>>) dst(%dma_wait3A_174 : memref<64x128xf32, #tpu.memory_space<vmem_shared>>)
      tpu.yield
    }) : () -> ()
    %mul3A_39 = arith.constant 160 : i32
    %mul3A_40 = arith.muli %arg1, %mul3A_39 : i32
    %add3A_41 = arith.constant 0 : i32
    %add3A_42 = arith.addi %add3A_41, %mul3A_40 : i32
    "tpu.region"() ({
      %run_scoped3A = tpu.sem_alloc : memref<!tpu.dma_semaphore, #tpu.memory_space<semaphore_mem>>
      %dma_start3A = arith.constant 0 : i32
      %dma_start3A_160 = tpu.memref_slice %arg3[%arg0, %add3A_42, %dma_start3A] : memref<2x5120x128xi32, #tpu.memory_space<hbm>> -> memref<1x160x128xi32, #tpu.memory_space<hbm>>
      %dma_start3A_161 = tpu.memref_squeeze %dma_start3A_160 : memref<1x160x128xi32, #tpu.memory_space<hbm>> -> memref<160x128xi32, #tpu.memory_space<hbm>>
      %dma_start3A_162 = arith.constant 0 : i32
      %dma_start3A_163 = tpu.memref_slice %arg3[%arg0, %add3A_42, %dma_start3A_162] : memref<2x5120x128xi32, #tpu.memory_space<hbm>> -> memref<1x160x128xi32, #tpu.memory_space<hbm>>
      %dma_start3A_164 = tpu.memref_squeeze %dma_start3A_163 : memref<1x160x128xi32, #tpu.memory_space<hbm>> -> memref<160x128xi32, #tpu.memory_space<hbm>>
      tpu.enqueue_dma source(%dma_start3A_164 : memref<160x128xi32, #tpu.memory_space<hbm>>) target(%arg8 : memref<160x128xi32, #tpu.memory_space<vmem>>) target_semaphore(%run_scoped3A : memref<!tpu.dma_semaphore, #tpu.memory_space<semaphore_mem>>)
      %dma_wait3A = arith.constant 0 : i32
      %dma_wait3A_165 = tpu.memref_slice %arg3[%arg0, %add3A_42, %dma_wait3A] : memref<2x5120x128xi32, #tpu.memory_space<hbm>> -> memref<1x160x128xi32, #tpu.memory_space<hbm>>
      %dma_wait3A_166 = tpu.memref_squeeze %dma_wait3A_165 : memref<1x160x128xi32, #tpu.memory_space<hbm>> -> memref<160x128xi32, #tpu.memory_space<hbm>>
      %dma_wait3A_167 = arith.constant 0 : i32
      %dma_wait3A_168 = tpu.memref_slice %arg3[%arg0, %add3A_42, %dma_wait3A_167] : memref<2x5120x128xi32, #tpu.memory_space<hbm>> -> memref<1x160x128xi32, #tpu.memory_space<hbm>>
      %dma_wait3A_169 = tpu.memref_squeeze %dma_wait3A_168 : memref<1x160x128xi32, #tpu.memory_space<hbm>> -> memref<160x128xi32, #tpu.memory_space<hbm>>
      tpu.wait_dma2 semaphore(%run_scoped3A : memref<!tpu.dma_semaphore, #tpu.memory_space<semaphore_mem>>) src(%dma_wait3A_169 : memref<160x128xi32, #tpu.memory_space<hbm>>) dst(%arg8 : memref<160x128xi32, #tpu.memory_space<vmem>>)
      tpu.yield
    }) : () -> ()
    %barrier3A = arith.constant 0 : index
    tpu.barrier barrier_id(%barrier3A)
    %gt3A = arith.constant 0 : i32
    %gt3A_43 = arith.cmpi sgt, %select_n3A_24, %gt3A : i32
    %convert_element_type3A = arith.extui %gt3A_43 : i1 to i32
    %cond3A = arith.constant 0 : i32
    %cond3A_44 = arith.cmpi ne, %convert_element_type3A, %cond3A : i32
    scf.if %cond3A_44 {
      %dma_start3A = arith.constant 0 : i32
      %dma_start3A_160 = arith.constant 0 : i32
      %dma_start3A_161 = tpu.memref_slice %arg8[%dma_start3A, %dma_start3A_160] : memref<160x128xi32, #tpu.memory_space<vmem>> -> memref<1x128xi32, #tpu.memory_space<vmem>>
      %dma_start3A_162 = tpu.memref_squeeze %dma_start3A_161 : memref<1x128xi32, #tpu.memory_space<vmem>> -> memref<128xi32, #tpu.memory_space<vmem>>
      %dma_start3A_163 = arith.constant 0 : i32
      %dma_start3A_164 = arith.constant 0 : i32
      %dma_start3A_165 = tpu.memref_slice %arg2[%dma_start3A_163, %dma_start3A_164] : memref<20000x128xf32, #tpu.memory_space<hbm>> -> memref<20000x128xf32, #tpu.memory_space<hbm>>
      tpu.enqueue_indirect_dma source(%dma_start3A_165 : memref<20000x128xf32, #tpu.memory_space<hbm>>) target(%arg11 : memref<128x128xf32, #tpu.memory_space<vmem>>) offsets(%dma_start3A_162 : memref<128xi32, #tpu.memory_space<vmem>>) semaphore(%arg14 : memref<!tpu.dma_semaphore, #tpu.memory_space<semaphore_mem>>)
    } else {
    }
    %gt3A_45 = arith.constant 1 : i32
    %gt3A_46 = arith.cmpi sgt, %select_n3A_24, %gt3A_45 : i32
    %convert_element_type3A_47 = arith.extui %gt3A_46 : i1 to i32
    %cond3A_48 = arith.constant 0 : i32
    %cond3A_49 = arith.cmpi ne, %convert_element_type3A_47, %cond3A_48 : i32
    scf.if %cond3A_49 {
      %dma_start3A = arith.constant 1 : i32
      %dma_start3A_160 = arith.constant 0 : i32
      %dma_start3A_161 = tpu.memref_slice %arg8[%dma_start3A, %dma_start3A_160] : memref<160x128xi32, #tpu.memory_space<vmem>> -> memref<1x128xi32, #tpu.memory_space<vmem>>
      %dma_start3A_162 = tpu.memref_squeeze %dma_start3A_161 : memref<1x128xi32, #tpu.memory_space<vmem>> -> memref<128xi32, #tpu.memory_space<vmem>>
      %dma_start3A_163 = arith.constant 0 : i32
      %dma_start3A_164 = arith.constant 0 : i32
      %dma_start3A_165 = tpu.memref_slice %arg2[%dma_start3A_163, %dma_start3A_164] : memref<20000x128xf32, #tpu.memory_space<hbm>> -> memref<20000x128xf32, #tpu.memory_space<hbm>>
      tpu.enqueue_indirect_dma source(%dma_start3A_165 : memref<20000x128xf32, #tpu.memory_space<hbm>>) target(%arg12 : memref<128x128xf32, #tpu.memory_space<vmem>>) offsets(%dma_start3A_162 : memref<128xi32, #tpu.memory_space<vmem>>) semaphore(%arg15 : memref<!tpu.dma_semaphore, #tpu.memory_space<semaphore_mem>>)
    } else {
    }
    %add3A_50 = arith.constant 1 : i32
    %add3A_51 = arith.addi %select_n3A_24, %add3A_50 : i32
    %jit3A_52 = arith.constant 2 : i32
    %div3A_53 = arith.divsi %add3A_51, %jit3A_52 : i32
    %sign3A_54 = arith.constant 0 : i32
    %sign3A_55 = arith.cmpi sgt, %add3A_51, %sign3A_54 : i32
    %sign3A_56 = arith.extui %sign3A_55 : i1 to i32
    %sign3A_57 = arith.constant 0 : i32
    %sign3A_58 = arith.cmpi slt, %add3A_51, %sign3A_57 : i32
    %sign3A_59 = arith.extui %sign3A_58 : i1 to i32
    %sign3A_60 = arith.subi %sign3A_56, %sign3A_59 : i32
    %sign3A_61 = arith.constant 0 : i32
    %sign3A_62 = arith.cmpi sgt, %jit3A_52, %sign3A_61 : i32
    %sign3A_63 = arith.extui %sign3A_62 : i1 to i32
    %sign3A_64 = arith.constant 0 : i32
    %sign3A_65 = arith.cmpi slt, %jit3A_52, %sign3A_64 : i32
    %sign3A_66 = arith.extui %sign3A_65 : i1 to i32
    %sign3A_67 = arith.subi %sign3A_63, %sign3A_66 : i32
    %ne3A_68 = arith.cmpi ne, %sign3A_60, %sign3A_67 : i32
    %rem3A_69 = arith.remsi %add3A_51, %jit3A_52 : i32
    %ne3A_70 = arith.constant 0 : i32
    %ne3A_71 = arith.cmpi ne, %rem3A_69, %ne3A_70 : i32
    %and3A_72 = arith.andi %ne3A_68, %ne3A_71 : i1
    %sub3A_73 = arith.constant 1 : i32
    %sub3A_74 = arith.subi %div3A_53, %sub3A_73 : i32
    %select_n3A_75 = arith.select %and3A_72, %sub3A_74, %div3A_53 : i32
    %while3A = arith.constant 0 : i32
    %while3A_76 = arith.constant 0 : i32
    %while3A_77 = arith.subi %select_n3A_75, %while3A_76 : i32
    %while3A_78 = arith.addi %while3A_76, %while3A_77 : i32
    %while3A_79 = arith.constant 1 : i32
    %while3A_80 = arith.divsi %while3A_77, %while3A_79 : i32
    %while3A_81 = arith.muli %while3A_80, %while3A_79 : i32
    %while3A_82 = arith.addi %while3A_76, %while3A_81 : i32
    %while3A_83 = arith.constant 1 : i32
    scf.for %while3A_160 = %while3A_76 to %while3A_82 step %while3A_83  : i32 {
      %mul3A_161 = arith.constant 2 : i32
      %mul3A_162 = arith.muli %mul3A_161, %while3A_160 : i32
      %dma_wait3A = arith.constant 0 : i32
      %dma_wait3A_163 = tpu.memref_slice %arg8[%mul3A_162, %dma_wait3A] : memref<160x128xi32, #tpu.memory_space<vmem>> -> memref<1x128xi32, #tpu.memory_space<vmem>>
      %dma_wait3A_164 = tpu.memref_squeeze %dma_wait3A_163 : memref<1x128xi32, #tpu.memory_space<vmem>> -> memref<128xi32, #tpu.memory_space<vmem>>
      %dma_wait3A_165 = arith.constant 0 : i32
      %dma_wait3A_166 = arith.constant 0 : i32
      %dma_wait3A_167 = tpu.memref_slice %arg2[%dma_wait3A_165, %dma_wait3A_166] : memref<20000x128xf32, #tpu.memory_space<hbm>> -> memref<20000x128xf32, #tpu.memory_space<hbm>>
      tpu.wait_indirect_dma semaphore(%arg14 : memref<!tpu.dma_semaphore, #tpu.memory_space<semaphore_mem>>) src(%dma_wait3A_167 : memref<20000x128xf32, #tpu.memory_space<hbm>>) dst(%arg11 : memref<128x128xf32, #tpu.memory_space<vmem>>)
      "tpu.region"() ({
        %run_scoped3A = tpu.sem_alloc : memref<!tpu.dma_semaphore, #tpu.memory_space<semaphore_mem>>
        %dma_start3A = arith.constant 0 : i32
        %dma_start3A_179 = tpu.memref_slice %arg9[%mul3A_162, %dma_start3A] : memref<160x128xi32, #tpu.memory_space<vmem>> -> memref<1x128xi32, #tpu.memory_space<vmem>>
        %dma_start3A_180 = tpu.memref_squeeze %dma_start3A_179 : memref<1x128xi32, #tpu.memory_space<vmem>> -> memref<128xi32, #tpu.memory_space<vmem>>
        %dma_start3A_181 = arith.constant 0 : i32
        %dma_start3A_182 = arith.constant 0 : i32
        %dma_start3A_183 = tpu.memref_slice %arg13[%dma_start3A_181, %dma_start3A_182] : memref<5120x128xf32, #tpu.memory_space<vmem_shared>> -> memref<5120x128xf32, #tpu.memory_space<vmem_shared>>
        tpu.enqueue_indirect_dma source(%arg11 : memref<128x128xf32, #tpu.memory_space<vmem>>) target(%dma_start3A_183 : memref<5120x128xf32, #tpu.memory_space<vmem_shared>>) offsets(%dma_start3A_180 : memref<128xi32, #tpu.memory_space<vmem>>) semaphore(%run_scoped3A : memref<!tpu.dma_semaphore, #tpu.memory_space<semaphore_mem>>) {add = true}
        %dma_wait3A_184 = arith.constant 0 : i32
        %dma_wait3A_185 = tpu.memref_slice %arg9[%mul3A_162, %dma_wait3A_184] : memref<160x128xi32, #tpu.memory_space<vmem>> -> memref<1x128xi32, #tpu.memory_space<vmem>>
        %dma_wait3A_186 = tpu.memref_squeeze %dma_wait3A_185 : memref<1x128xi32, #tpu.memory_space<vmem>> -> memref<128xi32, #tpu.memory_space<vmem>>
        %dma_wait3A_187 = arith.constant 0 : i32
        %dma_wait3A_188 = arith.constant 0 : i32
        %dma_wait3A_189 = tpu.memref_slice %arg13[%dma_wait3A_187, %dma_wait3A_188] : memref<5120x128xf32, #tpu.memory_space<vmem_shared>> -> memref<5120x128xf32, #tpu.memory_space<vmem_shared>>
        tpu.wait_indirect_dma semaphore(%run_scoped3A : memref<!tpu.dma_semaphore, #tpu.memory_space<semaphore_mem>>) src(%arg11 : memref<128x128xf32, #tpu.memory_space<vmem>>) dst(%dma_wait3A_189 : memref<5120x128xf32, #tpu.memory_space<vmem_shared>>)
        tpu.yield
      }) : () -> ()
      %add3A_168 = arith.constant 2 : i32
      %add3A_169 = arith.addi %mul3A_162, %add3A_168 : i32
      %lt3A = arith.cmpi slt, %add3A_169, %select_n3A_24 : i32
      %convert_element_type3A_170 = arith.extui %lt3A : i1 to i32
      %cond3A_171 = arith.constant 0 : i32
      %cond3A_172 = arith.cmpi ne, %convert_element_type3A_170, %cond3A_171 : i32
      scf.if %cond3A_172 {
        %add3A_179 = arith.constant 2 : i32
        %add3A_180 = arith.addi %mul3A_162, %add3A_179 : i32
        %dma_start3A = arith.constant 0 : i32
        %dma_start3A_181 = tpu.memref_slice %arg8[%add3A_180, %dma_start3A] : memref<160x128xi32, #tpu.memory_space<vmem>> -> memref<1x128xi32, #tpu.memory_space<vmem>>
        %dma_start3A_182 = tpu.memref_squeeze %dma_start3A_181 : memref<1x128xi32, #tpu.memory_space<vmem>> -> memref<128xi32, #tpu.memory_space<vmem>>
        %dma_start3A_183 = arith.constant 0 : i32
        %dma_start3A_184 = arith.constant 0 : i32
        %dma_start3A_185 = tpu.memref_slice %arg2[%dma_start3A_183, %dma_start3A_184] : memref<20000x128xf32, #tpu.memory_space<hbm>> -> memref<20000x128xf32, #tpu.memory_space<hbm>>
        tpu.enqueue_indirect_dma source(%dma_start3A_185 : memref<20000x128xf32, #tpu.memory_space<hbm>>) target(%arg11 : memref<128x128xf32, #tpu.memory_space<vmem>>) offsets(%dma_start3A_182 : memref<128xi32, #tpu.memory_space<vmem>>) semaphore(%arg14 : memref<!tpu.dma_semaphore, #tpu.memory_space<semaphore_mem>>)
      } else {
      }
      %add3A_173 = arith.constant 1 : i32
      %add3A_174 = arith.addi %mul3A_162, %add3A_173 : i32
      %lt3A_175 = arith.cmpi slt, %add3A_174, %select_n3A_24 : i32
      %convert_element_type3A_176 = arith.extui %lt3A_175 : i1 to i32
      %cond3A_177 = arith.constant 0 : i32
      %cond3A_178 = arith.cmpi ne, %convert_element_type3A_176, %cond3A_177 : i32
      scf.if %cond3A_178 {
        %add3A_179 = arith.constant 1 : i32
        %add3A_180 = arith.addi %mul3A_162, %add3A_179 : i32
        %dma_wait3A_181 = arith.constant 0 : i32
        %dma_wait3A_182 = tpu.memref_slice %arg8[%add3A_180, %dma_wait3A_181] : memref<160x128xi32, #tpu.memory_space<vmem>> -> memref<1x128xi32, #tpu.memory_space<vmem>>
        %dma_wait3A_183 = tpu.memref_squeeze %dma_wait3A_182 : memref<1x128xi32, #tpu.memory_space<vmem>> -> memref<128xi32, #tpu.memory_space<vmem>>
        %dma_wait3A_184 = arith.constant 0 : i32
        %dma_wait3A_185 = arith.constant 0 : i32
        %dma_wait3A_186 = tpu.memref_slice %arg2[%dma_wait3A_184, %dma_wait3A_185] : memref<20000x128xf32, #tpu.memory_space<hbm>> -> memref<20000x128xf32, #tpu.memory_space<hbm>>
        tpu.wait_indirect_dma semaphore(%arg15 : memref<!tpu.dma_semaphore, #tpu.memory_space<semaphore_mem>>) src(%dma_wait3A_186 : memref<20000x128xf32, #tpu.memory_space<hbm>>) dst(%arg12 : memref<128x128xf32, #tpu.memory_space<vmem>>)
        %add3A_187 = arith.constant 1 : i32
        %add3A_188 = arith.addi %mul3A_162, %add3A_187 : i32
        "tpu.region"() ({
          %run_scoped3A = tpu.sem_alloc : memref<!tpu.dma_semaphore, #tpu.memory_space<semaphore_mem>>
          %dma_start3A = arith.constant 0 : i32
          %dma_start3A_195 = tpu.memref_slice %arg9[%add3A_188, %dma_start3A] : memref<160x128xi32, #tpu.memory_space<vmem>> -> memref<1x128xi32, #tpu.memory_space<vmem>>
          %dma_start3A_196 = tpu.memref_squeeze %dma_start3A_195 : memref<1x128xi32, #tpu.memory_space<vmem>> -> memref<128xi32, #tpu.memory_space<vmem>>
          %dma_start3A_197 = arith.constant 0 : i32
          %dma_start3A_198 = arith.constant 0 : i32
          %dma_start3A_199 = tpu.memref_slice %arg13[%dma_start3A_197, %dma_start3A_198] : memref<5120x128xf32, #tpu.memory_space<vmem_shared>> -> memref<5120x128xf32, #tpu.memory_space<vmem_shared>>
          tpu.enqueue_indirect_dma source(%arg12 : memref<128x128xf32, #tpu.memory_space<vmem>>) target(%dma_start3A_199 : memref<5120x128xf32, #tpu.memory_space<vmem_shared>>) offsets(%dma_start3A_196 : memref<128xi32, #tpu.memory_space<vmem>>) semaphore(%run_scoped3A : memref<!tpu.dma_semaphore, #tpu.memory_space<semaphore_mem>>) {add = true}
          %dma_wait3A_200 = arith.constant 0 : i32
          %dma_wait3A_201 = tpu.memref_slice %arg9[%add3A_188, %dma_wait3A_200] : memref<160x128xi32, #tpu.memory_space<vmem>> -> memref<1x128xi32, #tpu.memory_space<vmem>>
          %dma_wait3A_202 = tpu.memref_squeeze %dma_wait3A_201 : memref<1x128xi32, #tpu.memory_space<vmem>> -> memref<128xi32, #tpu.memory_space<vmem>>
          %dma_wait3A_203 = arith.constant 0 : i32
          %dma_wait3A_204 = arith.constant 0 : i32
          %dma_wait3A_205 = tpu.memref_slice %arg13[%dma_wait3A_203, %dma_wait3A_204] : memref<5120x128xf32, #tpu.memory_space<vmem_shared>> -> memref<5120x128xf32, #tpu.memory_space<vmem_shared>>
          tpu.wait_indirect_dma semaphore(%run_scoped3A : memref<!tpu.dma_semaphore, #tpu.memory_space<semaphore_mem>>) src(%arg12 : memref<128x128xf32, #tpu.memory_space<vmem>>) dst(%dma_wait3A_205 : memref<5120x128xf32, #tpu.memory_space<vmem_shared>>)
          tpu.yield
        }) : () -> ()
        %add3A_189 = arith.constant 3 : i32
        %add3A_190 = arith.addi %mul3A_162, %add3A_189 : i32
        %lt3A_191 = arith.cmpi slt, %add3A_190, %select_n3A_24 : i32
        %convert_element_type3A_192 = arith.extui %lt3A_191 : i1 to i32
        %cond3A_193 = arith.constant 0 : i32
        %cond3A_194 = arith.cmpi ne, %convert_element_type3A_192, %cond3A_193 : i32
        scf.if %cond3A_194 {
          %add3A_195 = arith.constant 3 : i32
          %add3A_196 = arith.addi %mul3A_162, %add3A_195 : i32
          %dma_start3A = arith.constant 0 : i32
          %dma_start3A_197 = tpu.memref_slice %arg8[%add3A_196, %dma_start3A] : memref<160x128xi32, #tpu.memory_space<vmem>> -> memref<1x128xi32, #tpu.memory_space<vmem>>
          %dma_start3A_198 = tpu.memref_squeeze %dma_start3A_197 : memref<1x128xi32, #tpu.memory_space<vmem>> -> memref<128xi32, #tpu.memory_space<vmem>>
          %dma_start3A_199 = arith.constant 0 : i32
          %dma_start3A_200 = arith.constant 0 : i32
          %dma_start3A_201 = tpu.memref_slice %arg2[%dma_start3A_199, %dma_start3A_200] : memref<20000x128xf32, #tpu.memory_space<hbm>> -> memref<20000x128xf32, #tpu.memory_space<hbm>>
          tpu.enqueue_indirect_dma source(%dma_start3A_201 : memref<20000x128xf32, #tpu.memory_space<hbm>>) target(%arg12 : memref<128x128xf32, #tpu.memory_space<vmem>>) offsets(%dma_start3A_198 : memref<128xi32, #tpu.memory_space<vmem>>) semaphore(%arg15 : memref<!tpu.dma_semaphore, #tpu.memory_space<semaphore_mem>>)
        } else {
        }
      } else {
      }
    }
    %while3A_84 = arith.constant 1 : i32
    scf.for %while3A_160 = %while3A_82 to %while3A_78 step %while3A_84  : i32 {
      %mul3A_161 = arith.constant 2 : i32
      %mul3A_162 = arith.muli %mul3A_161, %while3A_160 : i32
      %dma_wait3A = arith.constant 0 : i32
      %dma_wait3A_163 = tpu.memref_slice %arg8[%mul3A_162, %dma_wait3A] : memref<160x128xi32, #tpu.memory_space<vmem>> -> memref<1x128xi32, #tpu.memory_space<vmem>>
      %dma_wait3A_164 = tpu.memref_squeeze %dma_wait3A_163 : memref<1x128xi32, #tpu.memory_space<vmem>> -> memref<128xi32, #tpu.memory_space<vmem>>
      %dma_wait3A_165 = arith.constant 0 : i32
      %dma_wait3A_166 = arith.constant 0 : i32
      %dma_wait3A_167 = tpu.memref_slice %arg2[%dma_wait3A_165, %dma_wait3A_166] : memref<20000x128xf32, #tpu.memory_space<hbm>> -> memref<20000x128xf32, #tpu.memory_space<hbm>>
      tpu.wait_indirect_dma semaphore(%arg14 : memref<!tpu.dma_semaphore, #tpu.memory_space<semaphore_mem>>) src(%dma_wait3A_167 : memref<20000x128xf32, #tpu.memory_space<hbm>>) dst(%arg11 : memref<128x128xf32, #tpu.memory_space<vmem>>)
      "tpu.region"() ({
        %run_scoped3A = tpu.sem_alloc : memref<!tpu.dma_semaphore, #tpu.memory_space<semaphore_mem>>
        %dma_start3A = arith.constant 0 : i32
        %dma_start3A_179 = tpu.memref_slice %arg9[%mul3A_162, %dma_start3A] : memref<160x128xi32, #tpu.memory_space<vmem>> -> memref<1x128xi32, #tpu.memory_space<vmem>>
        %dma_start3A_180 = tpu.memref_squeeze %dma_start3A_179 : memref<1x128xi32, #tpu.memory_space<vmem>> -> memref<128xi32, #tpu.memory_space<vmem>>
        %dma_start3A_181 = arith.constant 0 : i32
        %dma_start3A_182 = arith.constant 0 : i32
        %dma_start3A_183 = tpu.memref_slice %arg13[%dma_start3A_181, %dma_start3A_182] : memref<5120x128xf32, #tpu.memory_space<vmem_shared>> -> memref<5120x128xf32, #tpu.memory_space<vmem_shared>>
        tpu.enqueue_indirect_dma source(%arg11 : memref<128x128xf32, #tpu.memory_space<vmem>>) target(%dma_start3A_183 : memref<5120x128xf32, #tpu.memory_space<vmem_shared>>) offsets(%dma_start3A_180 : memref<128xi32, #tpu.memory_space<vmem>>) semaphore(%run_scoped3A : memref<!tpu.dma_semaphore, #tpu.memory_space<semaphore_mem>>) {add = true}
        %dma_wait3A_184 = arith.constant 0 : i32
        %dma_wait3A_185 = tpu.memref_slice %arg9[%mul3A_162, %dma_wait3A_184] : memref<160x128xi32, #tpu.memory_space<vmem>> -> memref<1x128xi32, #tpu.memory_space<vmem>>
        %dma_wait3A_186 = tpu.memref_squeeze %dma_wait3A_185 : memref<1x128xi32, #tpu.memory_space<vmem>> -> memref<128xi32, #tpu.memory_space<vmem>>
        %dma_wait3A_187 = arith.constant 0 : i32
        %dma_wait3A_188 = arith.constant 0 : i32
        %dma_wait3A_189 = tpu.memref_slice %arg13[%dma_wait3A_187, %dma_wait3A_188] : memref<5120x128xf32, #tpu.memory_space<vmem_shared>> -> memref<5120x128xf32, #tpu.memory_space<vmem_shared>>
        tpu.wait_indirect_dma semaphore(%run_scoped3A : memref<!tpu.dma_semaphore, #tpu.memory_space<semaphore_mem>>) src(%arg11 : memref<128x128xf32, #tpu.memory_space<vmem>>) dst(%dma_wait3A_189 : memref<5120x128xf32, #tpu.memory_space<vmem_shared>>)
        tpu.yield
      }) : () -> ()
      %add3A_168 = arith.constant 2 : i32
      %add3A_169 = arith.addi %mul3A_162, %add3A_168 : i32
      %lt3A = arith.cmpi slt, %add3A_169, %select_n3A_24 : i32
      %convert_element_type3A_170 = arith.extui %lt3A : i1 to i32
      %cond3A_171 = arith.constant 0 : i32
      %cond3A_172 = arith.cmpi ne, %convert_element_type3A_170, %cond3A_171 : i32
      scf.if %cond3A_172 {
        %add3A_179 = arith.constant 2 : i32
        %add3A_180 = arith.addi %mul3A_162, %add3A_179 : i32
        %dma_start3A = arith.constant 0 : i32
        %dma_start3A_181 = tpu.memref_slice %arg8[%add3A_180, %dma_start3A] : memref<160x128xi32, #tpu.memory_space<vmem>> -> memref<1x128xi32, #tpu.memory_space<vmem>>
        %dma_start3A_182 = tpu.memref_squeeze %dma_start3A_181 : memref<1x128xi32, #tpu.memory_space<vmem>> -> memref<128xi32, #tpu.memory_space<vmem>>
        %dma_start3A_183 = arith.constant 0 : i32
        %dma_start3A_184 = arith.constant 0 : i32
        %dma_start3A_185 = tpu.memref_slice %arg2[%dma_start3A_183, %dma_start3A_184] : memref<20000x128xf32, #tpu.memory_space<hbm>> -> memref<20000x128xf32, #tpu.memory_space<hbm>>
        tpu.enqueue_indirect_dma source(%dma_start3A_185 : memref<20000x128xf32, #tpu.memory_space<hbm>>) target(%arg11 : memref<128x128xf32, #tpu.memory_space<vmem>>) offsets(%dma_start3A_182 : memref<128xi32, #tpu.memory_space<vmem>>) semaphore(%arg14 : memref<!tpu.dma_semaphore, #tpu.memory_space<semaphore_mem>>)
      } else {
      }
      %add3A_173 = arith.constant 1 : i32
      %add3A_174 = arith.addi %mul3A_162, %add3A_173 : i32
      %lt3A_175 = arith.cmpi slt, %add3A_174, %select_n3A_24 : i32
      %convert_element_type3A_176 = arith.extui %lt3A_175 : i1 to i32
      %cond3A_177 = arith.constant 0 : i32
      %cond3A_178 = arith.cmpi ne, %convert_element_type3A_176, %cond3A_177 : i32
      scf.if %cond3A_178 {
        %add3A_179 = arith.constant 1 : i32
        %add3A_180 = arith.addi %mul3A_162, %add3A_179 : i32
        %dma_wait3A_181 = arith.constant 0 : i32
        %dma_wait3A_182 = tpu.memref_slice %arg8[%add3A_180, %dma_wait3A_181] : memref<160x128xi32, #tpu.memory_space<vmem>> -> memref<1x128xi32, #tpu.memory_space<vmem>>
        %dma_wait3A_183 = tpu.memref_squeeze %dma_wait3A_182 : memref<1x128xi32, #tpu.memory_space<vmem>> -> memref<128xi32, #tpu.memory_space<vmem>>
        %dma_wait3A_184 = arith.constant 0 : i32
        %dma_wait3A_185 = arith.constant 0 : i32
        %dma_wait3A_186 = tpu.memref_slice %arg2[%dma_wait3A_184, %dma_wait3A_185] : memref<20000x128xf32, #tpu.memory_space<hbm>> -> memref<20000x128xf32, #tpu.memory_space<hbm>>
        tpu.wait_indirect_dma semaphore(%arg15 : memref<!tpu.dma_semaphore, #tpu.memory_space<semaphore_mem>>) src(%dma_wait3A_186 : memref<20000x128xf32, #tpu.memory_space<hbm>>) dst(%arg12 : memref<128x128xf32, #tpu.memory_space<vmem>>)
        %add3A_187 = arith.constant 1 : i32
        %add3A_188 = arith.addi %mul3A_162, %add3A_187 : i32
        "tpu.region"() ({
          %run_scoped3A = tpu.sem_alloc : memref<!tpu.dma_semaphore, #tpu.memory_space<semaphore_mem>>
          %dma_start3A = arith.constant 0 : i32
          %dma_start3A_195 = tpu.memref_slice %arg9[%add3A_188, %dma_start3A] : memref<160x128xi32, #tpu.memory_space<vmem>> -> memref<1x128xi32, #tpu.memory_space<vmem>>
          %dma_start3A_196 = tpu.memref_squeeze %dma_start3A_195 : memref<1x128xi32, #tpu.memory_space<vmem>> -> memref<128xi32, #tpu.memory_space<vmem>>
          %dma_start3A_197 = arith.constant 0 : i32
          %dma_start3A_198 = arith.constant 0 : i32
          %dma_start3A_199 = tpu.memref_slice %arg13[%dma_start3A_197, %dma_start3A_198] : memref<5120x128xf32, #tpu.memory_space<vmem_shared>> -> memref<5120x128xf32, #tpu.memory_space<vmem_shared>>
          tpu.enqueue_indirect_dma source(%arg12 : memref<128x128xf32, #tpu.memory_space<vmem>>) target(%dma_start3A_199 : memref<5120x128xf32, #tpu.memory_space<vmem_shared>>) offsets(%dma_start3A_196 : memref<128xi32, #tpu.memory_space<vmem>>) semaphore(%run_scoped3A : memref<!tpu.dma_semaphore, #tpu.memory_space<semaphore_mem>>) {add = true}
          %dma_wait3A_200 = arith.constant 0 : i32
          %dma_wait3A_201 = tpu.memref_slice %arg9[%add3A_188, %dma_wait3A_200] : memref<160x128xi32, #tpu.memory_space<vmem>> -> memref<1x128xi32, #tpu.memory_space<vmem>>
          %dma_wait3A_202 = tpu.memref_squeeze %dma_wait3A_201 : memref<1x128xi32, #tpu.memory_space<vmem>> -> memref<128xi32, #tpu.memory_space<vmem>>
          %dma_wait3A_203 = arith.constant 0 : i32
          %dma_wait3A_204 = arith.constant 0 : i32
          %dma_wait3A_205 = tpu.memref_slice %arg13[%dma_wait3A_203, %dma_wait3A_204] : memref<5120x128xf32, #tpu.memory_space<vmem_shared>> -> memref<5120x128xf32, #tpu.memory_space<vmem_shared>>
          tpu.wait_indirect_dma semaphore(%run_scoped3A : memref<!tpu.dma_semaphore, #tpu.memory_space<semaphore_mem>>) src(%arg12 : memref<128x128xf32, #tpu.memory_space<vmem>>) dst(%dma_wait3A_205 : memref<5120x128xf32, #tpu.memory_space<vmem_shared>>)
          tpu.yield
        }) : () -> ()
        %add3A_189 = arith.constant 3 : i32
        %add3A_190 = arith.addi %mul3A_162, %add3A_189 : i32
        %lt3A_191 = arith.cmpi slt, %add3A_190, %select_n3A_24 : i32
        %convert_element_type3A_192 = arith.extui %lt3A_191 : i1 to i32
        %cond3A_193 = arith.constant 0 : i32
        %cond3A_194 = arith.cmpi ne, %convert_element_type3A_192, %cond3A_193 : i32
        scf.if %cond3A_194 {
          %add3A_195 = arith.constant 3 : i32
          %add3A_196 = arith.addi %mul3A_162, %add3A_195 : i32
          %dma_start3A = arith.constant 0 : i32
          %dma_start3A_197 = tpu.memref_slice %arg8[%add3A_196, %dma_start3A] : memref<160x128xi32, #tpu.memory_space<vmem>> -> memref<1x128xi32, #tpu.memory_space<vmem>>
          %dma_start3A_198 = tpu.memref_squeeze %dma_start3A_197 : memref<1x128xi32, #tpu.memory_space<vmem>> -> memref<128xi32, #tpu.memory_space<vmem>>
          %dma_start3A_199 = arith.constant 0 : i32
          %dma_start3A_200 = arith.constant 0 : i32
          %dma_start3A_201 = tpu.memref_slice %arg2[%dma_start3A_199, %dma_start3A_200] : memref<20000x128xf32, #tpu.memory_space<hbm>> -> memref<20000x128xf32, #tpu.memory_space<hbm>>
          tpu.enqueue_indirect_dma source(%dma_start3A_201 : memref<20000x128xf32, #tpu.memory_space<hbm>>) target(%arg12 : memref<128x128xf32, #tpu.memory_space<vmem>>) offsets(%dma_start3A_198 : memref<128xi32, #tpu.memory_space<vmem>>) semaphore(%arg15 : memref<!tpu.dma_semaphore, #tpu.memory_space<semaphore_mem>>)
        } else {
        }
      } else {
      }
    }
    %barrier3A_85 = arith.constant 0 : index
    tpu.barrier barrier_id(%barrier3A_85)
    %mul3A_86 = arith.constant 320 : i32
    %mul3A_87 = arith.muli %arg1, %mul3A_86 : i32
    %mul3A_88 = arith.constant 320 : i32
    %mul3A_89 = arith.muli %arg1, %mul3A_88 : i32
    "tpu.region"() ({
      %run_scoped3A = tpu.sem_alloc : memref<!tpu.dma_semaphore, #tpu.memory_space<semaphore_mem>>
      %dma_start3A = arith.constant 0 : i32
      %dma_start3A_160 = tpu.memref_slice %arg7[%add3A_28, %mul3A_89, %dma_start3A] : memref<4x5120x128xf32, #tpu.memory_space<hbm>> -> memref<1x320x128xf32, #tpu.memory_space<hbm>>
      %dma_start3A_161 = tpu.memref_squeeze %dma_start3A_160 : memref<1x320x128xf32, #tpu.memory_space<hbm>> -> memref<320x128xf32, #tpu.memory_space<hbm>>
      %dma_start3A_162 = arith.constant 0 : i32
      %dma_start3A_163 = tpu.memref_slice %arg13[%mul3A_87, %dma_start3A_162] : memref<5120x128xf32, #tpu.memory_space<vmem_shared>> -> memref<320x128xf32, #tpu.memory_space<vmem_shared>>
      tpu.enqueue_dma source(%dma_start3A_163 : memref<320x128xf32, #tpu.memory_space<vmem_shared>>) target(%dma_start3A_161 : memref<320x128xf32, #tpu.memory_space<hbm>>) target_semaphore(%run_scoped3A : memref<!tpu.dma_semaphore, #tpu.memory_space<semaphore_mem>>)
      %dma_wait3A = arith.constant 0 : i32
      %dma_wait3A_164 = tpu.memref_slice %arg7[%add3A_28, %mul3A_89, %dma_wait3A] : memref<4x5120x128xf32, #tpu.memory_space<hbm>> -> memref<1x320x128xf32, #tpu.memory_space<hbm>>
      %dma_wait3A_165 = tpu.memref_squeeze %dma_wait3A_164 : memref<1x320x128xf32, #tpu.memory_space<hbm>> -> memref<320x128xf32, #tpu.memory_space<hbm>>
      %dma_wait3A_166 = arith.constant 0 : i32
      %dma_wait3A_167 = tpu.memref_slice %arg13[%mul3A_87, %dma_wait3A_166] : memref<5120x128xf32, #tpu.memory_space<vmem_shared>> -> memref<320x128xf32, #tpu.memory_space<vmem_shared>>
      tpu.wait_dma2 semaphore(%run_scoped3A : memref<!tpu.dma_semaphore, #tpu.memory_space<semaphore_mem>>) src(%dma_wait3A_167 : memref<320x128xf32, #tpu.memory_space<vmem_shared>>) dst(%dma_wait3A_165 : memref<320x128xf32, #tpu.memory_space<hbm>>)
      tpu.yield
    }) : () -> ()
    %mul3A_90 = arith.constant 2 : i32
    %mul3A_91 = arith.muli %arg0, %mul3A_90 : i32
    %add3A_92 = arith.constant 1 : i32
    %add3A_93 = arith.addi %mul3A_91, %add3A_92 : i32
    "tpu.region"() ({
      %run_scoped3A = tpu.sem_alloc : memref<!tpu.dma_semaphore, #tpu.memory_space<semaphore_mem>>
      tpu.enqueue_dma source(%arg6 : memref<128x128xf32, #tpu.memory_space<hbm>>) target(%arg11 : memref<128x128xf32, #tpu.memory_space<vmem>>) target_semaphore(%run_scoped3A : memref<!tpu.dma_semaphore, #tpu.memory_space<semaphore_mem>>)
      tpu.wait_dma2 semaphore(%run_scoped3A : memref<!tpu.dma_semaphore, #tpu.memory_space<semaphore_mem>>) src(%arg6 : memref<128x128xf32, #tpu.memory_space<hbm>>) dst(%arg11 : memref<128x128xf32, #tpu.memory_space<vmem>>)
      tpu.yield
    }) : () -> ()
    %mul3A_94 = arith.constant 320 : i32
    %mul3A_95 = arith.muli %arg1, %mul3A_94 : i32
    "tpu.region"() ({
      %run_scoped3A = tpu.sem_alloc : memref<!tpu.dma_semaphore, #tpu.memory_space<semaphore_mem>>
      %dma_start3A = arith.constant 0 : i32
      %dma_start3A_160 = tpu.memref_slice %arg13[%mul3A_95, %dma_start3A] : memref<5120x128xf32, #tpu.memory_space<vmem_shared>> -> memref<128x128xf32, #tpu.memory_space<vmem_shared>>
      %dma_start3A_161 = arith.constant 0 : i32
      %dma_start3A_162 = tpu.memref_slice %arg13[%mul3A_95, %dma_start3A_161] : memref<5120x128xf32, #tpu.memory_space<vmem_shared>> -> memref<128x128xf32, #tpu.memory_space<vmem_shared>>
      tpu.enqueue_dma source(%arg11 : memref<128x128xf32, #tpu.memory_space<vmem>>) target(%dma_start3A_162 : memref<128x128xf32, #tpu.memory_space<vmem_shared>>) target_semaphore(%run_scoped3A : memref<!tpu.dma_semaphore, #tpu.memory_space<semaphore_mem>>)
      %dma_wait3A = arith.constant 0 : i32
      %dma_wait3A_163 = tpu.memref_slice %arg13[%mul3A_95, %dma_wait3A] : memref<5120x128xf32, #tpu.memory_space<vmem_shared>> -> memref<128x128xf32, #tpu.memory_space<vmem_shared>>
      %dma_wait3A_164 = arith.constant 0 : i32
      %dma_wait3A_165 = tpu.memref_slice %arg13[%mul3A_95, %dma_wait3A_164] : memref<5120x128xf32, #tpu.memory_space<vmem_shared>> -> memref<128x128xf32, #tpu.memory_space<vmem_shared>>
      tpu.wait_dma2 semaphore(%run_scoped3A : memref<!tpu.dma_semaphore, #tpu.memory_space<semaphore_mem>>) src(%arg11 : memref<128x128xf32, #tpu.memory_space<vmem>>) dst(%dma_wait3A_165 : memref<128x128xf32, #tpu.memory_space<vmem_shared>>)
      tpu.yield
    }) : () -> ()
    %mul3A_96 = arith.constant 320 : i32
    %mul3A_97 = arith.muli %arg1, %mul3A_96 : i32
    %add3A_98 = arith.constant 128 : i32
    %add3A_99 = arith.addi %mul3A_97, %add3A_98 : i32
    "tpu.region"() ({
      %run_scoped3A = tpu.sem_alloc : memref<!tpu.dma_semaphore, #tpu.memory_space<semaphore_mem>>
      %dma_start3A = arith.constant 0 : i32
      %dma_start3A_160 = tpu.memref_slice %arg13[%add3A_99, %dma_start3A] : memref<5120x128xf32, #tpu.memory_space<vmem_shared>> -> memref<128x128xf32, #tpu.memory_space<vmem_shared>>
      %dma_start3A_161 = arith.constant 0 : i32
      %dma_start3A_162 = tpu.memref_slice %arg13[%add3A_99, %dma_start3A_161] : memref<5120x128xf32, #tpu.memory_space<vmem_shared>> -> memref<128x128xf32, #tpu.memory_space<vmem_shared>>
      tpu.enqueue_dma source(%arg11 : memref<128x128xf32, #tpu.memory_space<vmem>>) target(%dma_start3A_162 : memref<128x128xf32, #tpu.memory_space<vmem_shared>>) target_semaphore(%run_scoped3A : memref<!tpu.dma_semaphore, #tpu.memory_space<semaphore_mem>>)
      %dma_wait3A = arith.constant 0 : i32
      %dma_wait3A_163 = tpu.memref_slice %arg13[%add3A_99, %dma_wait3A] : memref<5120x128xf32, #tpu.memory_space<vmem_shared>> -> memref<128x128xf32, #tpu.memory_space<vmem_shared>>
      %dma_wait3A_164 = arith.constant 0 : i32
      %dma_wait3A_165 = tpu.memref_slice %arg13[%add3A_99, %dma_wait3A_164] : memref<5120x128xf32, #tpu.memory_space<vmem_shared>> -> memref<128x128xf32, #tpu.memory_space<vmem_shared>>
      tpu.wait_dma2 semaphore(%run_scoped3A : memref<!tpu.dma_semaphore, #tpu.memory_space<semaphore_mem>>) src(%arg11 : memref<128x128xf32, #tpu.memory_space<vmem>>) dst(%dma_wait3A_165 : memref<128x128xf32, #tpu.memory_space<vmem_shared>>)
      tpu.yield
    }) : () -> ()
    %mul3A_100 = arith.constant 320 : i32
    %mul3A_101 = arith.muli %arg1, %mul3A_100 : i32
    %add3A_102 = arith.constant 256 : i32
    %add3A_103 = arith.addi %mul3A_101, %add3A_102 : i32
    "tpu.region"() ({
      %run_scoped3A = tpu.sem_alloc : memref<!tpu.dma_semaphore, #tpu.memory_space<semaphore_mem>>
      %dma_start3A = arith.constant 0 : i32
      %dma_start3A_160 = arith.constant 0 : i32
      %dma_start3A_161 = tpu.memref_slice %arg11[%dma_start3A, %dma_start3A_160] : memref<128x128xf32, #tpu.memory_space<vmem>> -> memref<64x128xf32, #tpu.memory_space<vmem>>
      %dma_start3A_162 = arith.constant 0 : i32
      %dma_start3A_163 = tpu.memref_slice %arg13[%add3A_103, %dma_start3A_162] : memref<5120x128xf32, #tpu.memory_space<vmem_shared>> -> memref<64x128xf32, #tpu.memory_space<vmem_shared>>
      %dma_start3A_164 = arith.constant 0 : i32
      %dma_start3A_165 = tpu.memref_slice %arg13[%add3A_103, %dma_start3A_164] : memref<5120x128xf32, #tpu.memory_space<vmem_shared>> -> memref<64x128xf32, #tpu.memory_space<vmem_shared>>
      %dma_start3A_166 = arith.constant 0 : i32
      %dma_start3A_167 = arith.constant 0 : i32
      %dma_start3A_168 = tpu.memref_slice %arg11[%dma_start3A_166, %dma_start3A_167] : memref<128x128xf32, #tpu.memory_space<vmem>> -> memref<64x128xf32, #tpu.memory_space<vmem>>
      tpu.enqueue_dma source(%dma_start3A_168 : memref<64x128xf32, #tpu.memory_space<vmem>>) target(%dma_start3A_165 : memref<64x128xf32, #tpu.memory_space<vmem_shared>>) target_semaphore(%run_scoped3A : memref<!tpu.dma_semaphore, #tpu.memory_space<semaphore_mem>>)
      %dma_wait3A = arith.constant 0 : i32
      %dma_wait3A_169 = arith.constant 0 : i32
      %dma_wait3A_170 = tpu.memref_slice %arg11[%dma_wait3A, %dma_wait3A_169] : memref<128x128xf32, #tpu.memory_space<vmem>> -> memref<64x128xf32, #tpu.memory_space<vmem>>
      %dma_wait3A_171 = arith.constant 0 : i32
      %dma_wait3A_172 = tpu.memref_slice %arg13[%add3A_103, %dma_wait3A_171] : memref<5120x128xf32, #tpu.memory_space<vmem_shared>> -> memref<64x128xf32, #tpu.memory_space<vmem_shared>>
      %dma_wait3A_173 = arith.constant 0 : i32
      %dma_wait3A_174 = tpu.memref_slice %arg13[%add3A_103, %dma_wait3A_173] : memref<5120x128xf32, #tpu.memory_space<vmem_shared>> -> memref<64x128xf32, #tpu.memory_space<vmem_shared>>
      %dma_wait3A_175 = arith.constant 0 : i32
      %dma_wait3A_176 = arith.constant 0 : i32
      %dma_wait3A_177 = tpu.memref_slice %arg11[%dma_wait3A_175, %dma_wait3A_176] : memref<128x128xf32, #tpu.memory_space<vmem>> -> memref<64x128xf32, #tpu.memory_space<vmem>>
      tpu.wait_dma2 semaphore(%run_scoped3A : memref<!tpu.dma_semaphore, #tpu.memory_space<semaphore_mem>>) src(%dma_wait3A_177 : memref<64x128xf32, #tpu.memory_space<vmem>>) dst(%dma_wait3A_174 : memref<64x128xf32, #tpu.memory_space<vmem_shared>>)
      tpu.yield
    }) : () -> ()
    %mul3A_104 = arith.constant 160 : i32
    %mul3A_105 = arith.muli %arg1, %mul3A_104 : i32
    %add3A_106 = arith.constant 2560 : i32
    %add3A_107 = arith.addi %add3A_106, %mul3A_105 : i32
    "tpu.region"() ({
      %run_scoped3A = tpu.sem_alloc : memref<!tpu.dma_semaphore, #tpu.memory_space<semaphore_mem>>
      %dma_start3A = arith.constant 0 : i32
      %dma_start3A_160 = tpu.memref_slice %arg3[%arg0, %add3A_107, %dma_start3A] : memref<2x5120x128xi32, #tpu.memory_space<hbm>> -> memref<1x160x128xi32, #tpu.memory_space<hbm>>
      %dma_start3A_161 = tpu.memref_squeeze %dma_start3A_160 : memref<1x160x128xi32, #tpu.memory_space<hbm>> -> memref<160x128xi32, #tpu.memory_space<hbm>>
      %dma_start3A_162 = arith.constant 0 : i32
      %dma_start3A_163 = tpu.memref_slice %arg3[%arg0, %add3A_107, %dma_start3A_162] : memref<2x5120x128xi32, #tpu.memory_space<hbm>> -> memref<1x160x128xi32, #tpu.memory_space<hbm>>
      %dma_start3A_164 = tpu.memref_squeeze %dma_start3A_163 : memref<1x160x128xi32, #tpu.memory_space<hbm>> -> memref<160x128xi32, #tpu.memory_space<hbm>>
      tpu.enqueue_dma source(%dma_start3A_164 : memref<160x128xi32, #tpu.memory_space<hbm>>) target(%arg8 : memref<160x128xi32, #tpu.memory_space<vmem>>) target_semaphore(%run_scoped3A : memref<!tpu.dma_semaphore, #tpu.memory_space<semaphore_mem>>)
      %dma_wait3A = arith.constant 0 : i32
      %dma_wait3A_165 = tpu.memref_slice %arg3[%arg0, %add3A_107, %dma_wait3A] : memref<2x5120x128xi32, #tpu.memory_space<hbm>> -> memref<1x160x128xi32, #tpu.memory_space<hbm>>
      %dma_wait3A_166 = tpu.memref_squeeze %dma_wait3A_165 : memref<1x160x128xi32, #tpu.memory_space<hbm>> -> memref<160x128xi32, #tpu.memory_space<hbm>>
      %dma_wait3A_167 = arith.constant 0 : i32
      %dma_wait3A_168 = tpu.memref_slice %arg3[%arg0, %add3A_107, %dma_wait3A_167] : memref<2x5120x128xi32, #tpu.memory_space<hbm>> -> memref<1x160x128xi32, #tpu.memory_space<hbm>>
      %dma_wait3A_169 = tpu.memref_squeeze %dma_wait3A_168 : memref<1x160x128xi32, #tpu.memory_space<hbm>> -> memref<160x128xi32, #tpu.memory_space<hbm>>
      tpu.wait_dma2 semaphore(%run_scoped3A : memref<!tpu.dma_semaphore, #tpu.memory_space<semaphore_mem>>) src(%dma_wait3A_169 : memref<160x128xi32, #tpu.memory_space<hbm>>) dst(%arg8 : memref<160x128xi32, #tpu.memory_space<vmem>>)
      tpu.yield
    }) : () -> ()
    %barrier3A_108 = arith.constant 0 : index
    tpu.barrier barrier_id(%barrier3A_108)
    %gt3A_109 = arith.constant 0 : i32
    %gt3A_110 = arith.cmpi sgt, %select_n3A_24, %gt3A_109 : i32
    %convert_element_type3A_111 = arith.extui %gt3A_110 : i1 to i32
    %cond3A_112 = arith.constant 0 : i32
    %cond3A_113 = arith.cmpi ne, %convert_element_type3A_111, %cond3A_112 : i32
    scf.if %cond3A_113 {
      %dma_start3A = arith.constant 0 : i32
      %dma_start3A_160 = arith.constant 0 : i32
      %dma_start3A_161 = tpu.memref_slice %arg8[%dma_start3A, %dma_start3A_160] : memref<160x128xi32, #tpu.memory_space<vmem>> -> memref<1x128xi32, #tpu.memory_space<vmem>>
      %dma_start3A_162 = tpu.memref_squeeze %dma_start3A_161 : memref<1x128xi32, #tpu.memory_space<vmem>> -> memref<128xi32, #tpu.memory_space<vmem>>
      %dma_start3A_163 = arith.constant 0 : i32
      %dma_start3A_164 = arith.constant 0 : i32
      %dma_start3A_165 = tpu.memref_slice %arg2[%dma_start3A_163, %dma_start3A_164] : memref<20000x128xf32, #tpu.memory_space<hbm>> -> memref<20000x128xf32, #tpu.memory_space<hbm>>
      tpu.enqueue_indirect_dma source(%dma_start3A_165 : memref<20000x128xf32, #tpu.memory_space<hbm>>) target(%arg11 : memref<128x128xf32, #tpu.memory_space<vmem>>) offsets(%dma_start3A_162 : memref<128xi32, #tpu.memory_space<vmem>>) semaphore(%arg14 : memref<!tpu.dma_semaphore, #tpu.memory_space<semaphore_mem>>)
    } else {
    }
    %gt3A_114 = arith.constant 1 : i32
    %gt3A_115 = arith.cmpi sgt, %select_n3A_24, %gt3A_114 : i32
    %convert_element_type3A_116 = arith.extui %gt3A_115 : i1 to i32
    %cond3A_117 = arith.constant 0 : i32
    %cond3A_118 = arith.cmpi ne, %convert_element_type3A_116, %cond3A_117 : i32
    scf.if %cond3A_118 {
      %dma_start3A = arith.constant 1 : i32
      %dma_start3A_160 = arith.constant 0 : i32
      %dma_start3A_161 = tpu.memref_slice %arg8[%dma_start3A, %dma_start3A_160] : memref<160x128xi32, #tpu.memory_space<vmem>> -> memref<1x128xi32, #tpu.memory_space<vmem>>
      %dma_start3A_162 = tpu.memref_squeeze %dma_start3A_161 : memref<1x128xi32, #tpu.memory_space<vmem>> -> memref<128xi32, #tpu.memory_space<vmem>>
      %dma_start3A_163 = arith.constant 0 : i32
      %dma_start3A_164 = arith.constant 0 : i32
      %dma_start3A_165 = tpu.memref_slice %arg2[%dma_start3A_163, %dma_start3A_164] : memref<20000x128xf32, #tpu.memory_space<hbm>> -> memref<20000x128xf32, #tpu.memory_space<hbm>>
      tpu.enqueue_indirect_dma source(%dma_start3A_165 : memref<20000x128xf32, #tpu.memory_space<hbm>>) target(%arg12 : memref<128x128xf32, #tpu.memory_space<vmem>>) offsets(%dma_start3A_162 : memref<128xi32, #tpu.memory_space<vmem>>) semaphore(%arg15 : memref<!tpu.dma_semaphore, #tpu.memory_space<semaphore_mem>>)
    } else {
    }
    %add3A_119 = arith.constant 1 : i32
    %add3A_120 = arith.addi %select_n3A_24, %add3A_119 : i32
    %jit3A_121 = arith.constant 2 : i32
    %div3A_122 = arith.divsi %add3A_120, %jit3A_121 : i32
    %sign3A_123 = arith.constant 0 : i32
    %sign3A_124 = arith.cmpi sgt, %add3A_120, %sign3A_123 : i32
    %sign3A_125 = arith.extui %sign3A_124 : i1 to i32
    %sign3A_126 = arith.constant 0 : i32
    %sign3A_127 = arith.cmpi slt, %add3A_120, %sign3A_126 : i32
    %sign3A_128 = arith.extui %sign3A_127 : i1 to i32
    %sign3A_129 = arith.subi %sign3A_125, %sign3A_128 : i32
    %sign3A_130 = arith.constant 0 : i32
    %sign3A_131 = arith.cmpi sgt, %jit3A_121, %sign3A_130 : i32
    %sign3A_132 = arith.extui %sign3A_131 : i1 to i32
    %sign3A_133 = arith.constant 0 : i32
    %sign3A_134 = arith.cmpi slt, %jit3A_121, %sign3A_133 : i32
    %sign3A_135 = arith.extui %sign3A_134 : i1 to i32
    %sign3A_136 = arith.subi %sign3A_132, %sign3A_135 : i32
    %ne3A_137 = arith.cmpi ne, %sign3A_129, %sign3A_136 : i32
    %rem3A_138 = arith.remsi %add3A_120, %jit3A_121 : i32
    %ne3A_139 = arith.constant 0 : i32
    %ne3A_140 = arith.cmpi ne, %rem3A_138, %ne3A_139 : i32
    %and3A_141 = arith.andi %ne3A_137, %ne3A_140 : i1
    %sub3A_142 = arith.constant 1 : i32
    %sub3A_143 = arith.subi %div3A_122, %sub3A_142 : i32
    %select_n3A_144 = arith.select %and3A_141, %sub3A_143, %div3A_122 : i32
    %while3A_145 = arith.constant 0 : i32
    %while3A_146 = arith.constant 0 : i32
    %while3A_147 = arith.subi %select_n3A_144, %while3A_146 : i32
    %while3A_148 = arith.addi %while3A_146, %while3A_147 : i32
    %while3A_149 = arith.constant 1 : i32
    %while3A_150 = arith.divsi %while3A_147, %while3A_149 : i32
    %while3A_151 = arith.muli %while3A_150, %while3A_149 : i32
    %while3A_152 = arith.addi %while3A_146, %while3A_151 : i32
    %while3A_153 = arith.constant 1 : i32
    scf.for %while3A_160 = %while3A_146 to %while3A_152 step %while3A_153  : i32 {
      %mul3A_161 = arith.constant 2 : i32
      %mul3A_162 = arith.muli %mul3A_161, %while3A_160 : i32
      %dma_wait3A = arith.constant 0 : i32
      %dma_wait3A_163 = tpu.memref_slice %arg8[%mul3A_162, %dma_wait3A] : memref<160x128xi32, #tpu.memory_space<vmem>> -> memref<1x128xi32, #tpu.memory_space<vmem>>
      %dma_wait3A_164 = tpu.memref_squeeze %dma_wait3A_163 : memref<1x128xi32, #tpu.memory_space<vmem>> -> memref<128xi32, #tpu.memory_space<vmem>>
      %dma_wait3A_165 = arith.constant 0 : i32
      %dma_wait3A_166 = arith.constant 0 : i32
      %dma_wait3A_167 = tpu.memref_slice %arg2[%dma_wait3A_165, %dma_wait3A_166] : memref<20000x128xf32, #tpu.memory_space<hbm>> -> memref<20000x128xf32, #tpu.memory_space<hbm>>
      tpu.wait_indirect_dma semaphore(%arg14 : memref<!tpu.dma_semaphore, #tpu.memory_space<semaphore_mem>>) src(%dma_wait3A_167 : memref<20000x128xf32, #tpu.memory_space<hbm>>) dst(%arg11 : memref<128x128xf32, #tpu.memory_space<vmem>>)
      "tpu.region"() ({
        %run_scoped3A = tpu.sem_alloc : memref<!tpu.dma_semaphore, #tpu.memory_space<semaphore_mem>>
        %dma_start3A = arith.constant 0 : i32
        %dma_start3A_179 = tpu.memref_slice %arg9[%mul3A_162, %dma_start3A] : memref<160x128xi32, #tpu.memory_space<vmem>> -> memref<1x128xi32, #tpu.memory_space<vmem>>
        %dma_start3A_180 = tpu.memref_squeeze %dma_start3A_179 : memref<1x128xi32, #tpu.memory_space<vmem>> -> memref<128xi32, #tpu.memory_space<vmem>>
        %dma_start3A_181 = arith.constant 0 : i32
        %dma_start3A_182 = arith.constant 0 : i32
        %dma_start3A_183 = tpu.memref_slice %arg13[%dma_start3A_181, %dma_start3A_182] : memref<5120x128xf32, #tpu.memory_space<vmem_shared>> -> memref<5120x128xf32, #tpu.memory_space<vmem_shared>>
        tpu.enqueue_indirect_dma source(%arg11 : memref<128x128xf32, #tpu.memory_space<vmem>>) target(%dma_start3A_183 : memref<5120x128xf32, #tpu.memory_space<vmem_shared>>) offsets(%dma_start3A_180 : memref<128xi32, #tpu.memory_space<vmem>>) semaphore(%run_scoped3A : memref<!tpu.dma_semaphore, #tpu.memory_space<semaphore_mem>>) {add = true}
        %dma_wait3A_184 = arith.constant 0 : i32
        %dma_wait3A_185 = tpu.memref_slice %arg9[%mul3A_162, %dma_wait3A_184] : memref<160x128xi32, #tpu.memory_space<vmem>> -> memref<1x128xi32, #tpu.memory_space<vmem>>
        %dma_wait3A_186 = tpu.memref_squeeze %dma_wait3A_185 : memref<1x128xi32, #tpu.memory_space<vmem>> -> memref<128xi32, #tpu.memory_space<vmem>>
        %dma_wait3A_187 = arith.constant 0 : i32
        %dma_wait3A_188 = arith.constant 0 : i32
        %dma_wait3A_189 = tpu.memref_slice %arg13[%dma_wait3A_187, %dma_wait3A_188] : memref<5120x128xf32, #tpu.memory_space<vmem_shared>> -> memref<5120x128xf32, #tpu.memory_space<vmem_shared>>
        tpu.wait_indirect_dma semaphore(%run_scoped3A : memref<!tpu.dma_semaphore, #tpu.memory_space<semaphore_mem>>) src(%arg11 : memref<128x128xf32, #tpu.memory_space<vmem>>) dst(%dma_wait3A_189 : memref<5120x128xf32, #tpu.memory_space<vmem_shared>>)
        tpu.yield
      }) : () -> ()
      %add3A_168 = arith.constant 2 : i32
      %add3A_169 = arith.addi %mul3A_162, %add3A_168 : i32
      %lt3A = arith.cmpi slt, %add3A_169, %select_n3A_24 : i32
      %convert_element_type3A_170 = arith.extui %lt3A : i1 to i32
      %cond3A_171 = arith.constant 0 : i32
      %cond3A_172 = arith.cmpi ne, %convert_element_type3A_170, %cond3A_171 : i32
      scf.if %cond3A_172 {
        %add3A_179 = arith.constant 2 : i32
        %add3A_180 = arith.addi %mul3A_162, %add3A_179 : i32
        %dma_start3A = arith.constant 0 : i32
        %dma_start3A_181 = tpu.memref_slice %arg8[%add3A_180, %dma_start3A] : memref<160x128xi32, #tpu.memory_space<vmem>> -> memref<1x128xi32, #tpu.memory_space<vmem>>
        %dma_start3A_182 = tpu.memref_squeeze %dma_start3A_181 : memref<1x128xi32, #tpu.memory_space<vmem>> -> memref<128xi32, #tpu.memory_space<vmem>>
        %dma_start3A_183 = arith.constant 0 : i32
        %dma_start3A_184 = arith.constant 0 : i32
        %dma_start3A_185 = tpu.memref_slice %arg2[%dma_start3A_183, %dma_start3A_184] : memref<20000x128xf32, #tpu.memory_space<hbm>> -> memref<20000x128xf32, #tpu.memory_space<hbm>>
        tpu.enqueue_indirect_dma source(%dma_start3A_185 : memref<20000x128xf32, #tpu.memory_space<hbm>>) target(%arg11 : memref<128x128xf32, #tpu.memory_space<vmem>>) offsets(%dma_start3A_182 : memref<128xi32, #tpu.memory_space<vmem>>) semaphore(%arg14 : memref<!tpu.dma_semaphore, #tpu.memory_space<semaphore_mem>>)
      } else {
      }
      %add3A_173 = arith.constant 1 : i32
      %add3A_174 = arith.addi %mul3A_162, %add3A_173 : i32
      %lt3A_175 = arith.cmpi slt, %add3A_174, %select_n3A_24 : i32
      %convert_element_type3A_176 = arith.extui %lt3A_175 : i1 to i32
      %cond3A_177 = arith.constant 0 : i32
      %cond3A_178 = arith.cmpi ne, %convert_element_type3A_176, %cond3A_177 : i32
      scf.if %cond3A_178 {
        %add3A_179 = arith.constant 1 : i32
        %add3A_180 = arith.addi %mul3A_162, %add3A_179 : i32
        %dma_wait3A_181 = arith.constant 0 : i32
        %dma_wait3A_182 = tpu.memref_slice %arg8[%add3A_180, %dma_wait3A_181] : memref<160x128xi32, #tpu.memory_space<vmem>> -> memref<1x128xi32, #tpu.memory_space<vmem>>
        %dma_wait3A_183 = tpu.memref_squeeze %dma_wait3A_182 : memref<1x128xi32, #tpu.memory_space<vmem>> -> memref<128xi32, #tpu.memory_space<vmem>>
        %dma_wait3A_184 = arith.constant 0 : i32
        %dma_wait3A_185 = arith.constant 0 : i32
        %dma_wait3A_186 = tpu.memref_slice %arg2[%dma_wait3A_184, %dma_wait3A_185] : memref<20000x128xf32, #tpu.memory_space<hbm>> -> memref<20000x128xf32, #tpu.memory_space<hbm>>
        tpu.wait_indirect_dma semaphore(%arg15 : memref<!tpu.dma_semaphore, #tpu.memory_space<semaphore_mem>>) src(%dma_wait3A_186 : memref<20000x128xf32, #tpu.memory_space<hbm>>) dst(%arg12 : memref<128x128xf32, #tpu.memory_space<vmem>>)
        %add3A_187 = arith.constant 1 : i32
        %add3A_188 = arith.addi %mul3A_162, %add3A_187 : i32
        "tpu.region"() ({
          %run_scoped3A = tpu.sem_alloc : memref<!tpu.dma_semaphore, #tpu.memory_space<semaphore_mem>>
          %dma_start3A = arith.constant 0 : i32
          %dma_start3A_195 = tpu.memref_slice %arg9[%add3A_188, %dma_start3A] : memref<160x128xi32, #tpu.memory_space<vmem>> -> memref<1x128xi32, #tpu.memory_space<vmem>>
          %dma_start3A_196 = tpu.memref_squeeze %dma_start3A_195 : memref<1x128xi32, #tpu.memory_space<vmem>> -> memref<128xi32, #tpu.memory_space<vmem>>
          %dma_start3A_197 = arith.constant 0 : i32
          %dma_start3A_198 = arith.constant 0 : i32
          %dma_start3A_199 = tpu.memref_slice %arg13[%dma_start3A_197, %dma_start3A_198] : memref<5120x128xf32, #tpu.memory_space<vmem_shared>> -> memref<5120x128xf32, #tpu.memory_space<vmem_shared>>
          tpu.enqueue_indirect_dma source(%arg12 : memref<128x128xf32, #tpu.memory_space<vmem>>) target(%dma_start3A_199 : memref<5120x128xf32, #tpu.memory_space<vmem_shared>>) offsets(%dma_start3A_196 : memref<128xi32, #tpu.memory_space<vmem>>) semaphore(%run_scoped3A : memref<!tpu.dma_semaphore, #tpu.memory_space<semaphore_mem>>) {add = true}
          %dma_wait3A_200 = arith.constant 0 : i32
          %dma_wait3A_201 = tpu.memref_slice %arg9[%add3A_188, %dma_wait3A_200] : memref<160x128xi32, #tpu.memory_space<vmem>> -> memref<1x128xi32, #tpu.memory_space<vmem>>
          %dma_wait3A_202 = tpu.memref_squeeze %dma_wait3A_201 : memref<1x128xi32, #tpu.memory_space<vmem>> -> memref<128xi32, #tpu.memory_space<vmem>>
          %dma_wait3A_203 = arith.constant 0 : i32
          %dma_wait3A_204 = arith.constant 0 : i32
          %dma_wait3A_205 = tpu.memref_slice %arg13[%dma_wait3A_203, %dma_wait3A_204] : memref<5120x128xf32, #tpu.memory_space<vmem_shared>> -> memref<5120x128xf32, #tpu.memory_space<vmem_shared>>
          tpu.wait_indirect_dma semaphore(%run_scoped3A : memref<!tpu.dma_semaphore, #tpu.memory_space<semaphore_mem>>) src(%arg12 : memref<128x128xf32, #tpu.memory_space<vmem>>) dst(%dma_wait3A_205 : memref<5120x128xf32, #tpu.memory_space<vmem_shared>>)
          tpu.yield
        }) : () -> ()
        %add3A_189 = arith.constant 3 : i32
        %add3A_190 = arith.addi %mul3A_162, %add3A_189 : i32
        %lt3A_191 = arith.cmpi slt, %add3A_190, %select_n3A_24 : i32
        %convert_element_type3A_192 = arith.extui %lt3A_191 : i1 to i32
        %cond3A_193 = arith.constant 0 : i32
        %cond3A_194 = arith.cmpi ne, %convert_element_type3A_192, %cond3A_193 : i32
        scf.if %cond3A_194 {
          %add3A_195 = arith.constant 3 : i32
          %add3A_196 = arith.addi %mul3A_162, %add3A_195 : i32
          %dma_start3A = arith.constant 0 : i32
          %dma_start3A_197 = tpu.memref_slice %arg8[%add3A_196, %dma_start3A] : memref<160x128xi32, #tpu.memory_space<vmem>> -> memref<1x128xi32, #tpu.memory_space<vmem>>
          %dma_start3A_198 = tpu.memref_squeeze %dma_start3A_197 : memref<1x128xi32, #tpu.memory_space<vmem>> -> memref<128xi32, #tpu.memory_space<vmem>>
          %dma_start3A_199 = arith.constant 0 : i32
          %dma_start3A_200 = arith.constant 0 : i32
          %dma_start3A_201 = tpu.memref_slice %arg2[%dma_start3A_199, %dma_start3A_200] : memref<20000x128xf32, #tpu.memory_space<hbm>> -> memref<20000x128xf32, #tpu.memory_space<hbm>>
          tpu.enqueue_indirect_dma source(%dma_start3A_201 : memref<20000x128xf32, #tpu.memory_space<hbm>>) target(%arg12 : memref<128x128xf32, #tpu.memory_space<vmem>>) offsets(%dma_start3A_198 : memref<128xi32, #tpu.memory_space<vmem>>) semaphore(%arg15 : memref<!tpu.dma_semaphore, #tpu.memory_space<semaphore_mem>>)
        } else {
        }
      } else {
      }
    }
    %while3A_154 = arith.constant 1 : i32
    scf.for %while3A_160 = %while3A_152 to %while3A_148 step %while3A_154  : i32 {
      %mul3A_161 = arith.constant 2 : i32
      %mul3A_162 = arith.muli %mul3A_161, %while3A_160 : i32
      %dma_wait3A = arith.constant 0 : i32
      %dma_wait3A_163 = tpu.memref_slice %arg8[%mul3A_162, %dma_wait3A] : memref<160x128xi32, #tpu.memory_space<vmem>> -> memref<1x128xi32, #tpu.memory_space<vmem>>
      %dma_wait3A_164 = tpu.memref_squeeze %dma_wait3A_163 : memref<1x128xi32, #tpu.memory_space<vmem>> -> memref<128xi32, #tpu.memory_space<vmem>>
      %dma_wait3A_165 = arith.constant 0 : i32
      %dma_wait3A_166 = arith.constant 0 : i32
      %dma_wait3A_167 = tpu.memref_slice %arg2[%dma_wait3A_165, %dma_wait3A_166] : memref<20000x128xf32, #tpu.memory_space<hbm>> -> memref<20000x128xf32, #tpu.memory_space<hbm>>
      tpu.wait_indirect_dma semaphore(%arg14 : memref<!tpu.dma_semaphore, #tpu.memory_space<semaphore_mem>>) src(%dma_wait3A_167 : memref<20000x128xf32, #tpu.memory_space<hbm>>) dst(%arg11 : memref<128x128xf32, #tpu.memory_space<vmem>>)
      "tpu.region"() ({
        %run_scoped3A = tpu.sem_alloc : memref<!tpu.dma_semaphore, #tpu.memory_space<semaphore_mem>>
        %dma_start3A = arith.constant 0 : i32
        %dma_start3A_179 = tpu.memref_slice %arg9[%mul3A_162, %dma_start3A] : memref<160x128xi32, #tpu.memory_space<vmem>> -> memref<1x128xi32, #tpu.memory_space<vmem>>
        %dma_start3A_180 = tpu.memref_squeeze %dma_start3A_179 : memref<1x128xi32, #tpu.memory_space<vmem>> -> memref<128xi32, #tpu.memory_space<vmem>>
        %dma_start3A_181 = arith.constant 0 : i32
        %dma_start3A_182 = arith.constant 0 : i32
        %dma_start3A_183 = tpu.memref_slice %arg13[%dma_start3A_181, %dma_start3A_182] : memref<5120x128xf32, #tpu.memory_space<vmem_shared>> -> memref<5120x128xf32, #tpu.memory_space<vmem_shared>>
        tpu.enqueue_indirect_dma source(%arg11 : memref<128x128xf32, #tpu.memory_space<vmem>>) target(%dma_start3A_183 : memref<5120x128xf32, #tpu.memory_space<vmem_shared>>) offsets(%dma_start3A_180 : memref<128xi32, #tpu.memory_space<vmem>>) semaphore(%run_scoped3A : memref<!tpu.dma_semaphore, #tpu.memory_space<semaphore_mem>>) {add = true}
        %dma_wait3A_184 = arith.constant 0 : i32
        %dma_wait3A_185 = tpu.memref_slice %arg9[%mul3A_162, %dma_wait3A_184] : memref<160x128xi32, #tpu.memory_space<vmem>> -> memref<1x128xi32, #tpu.memory_space<vmem>>
        %dma_wait3A_186 = tpu.memref_squeeze %dma_wait3A_185 : memref<1x128xi32, #tpu.memory_space<vmem>> -> memref<128xi32, #tpu.memory_space<vmem>>
        %dma_wait3A_187 = arith.constant 0 : i32
        %dma_wait3A_188 = arith.constant 0 : i32
        %dma_wait3A_189 = tpu.memref_slice %arg13[%dma_wait3A_187, %dma_wait3A_188] : memref<5120x128xf32, #tpu.memory_space<vmem_shared>> -> memref<5120x128xf32, #tpu.memory_space<vmem_shared>>
        tpu.wait_indirect_dma semaphore(%run_scoped3A : memref<!tpu.dma_semaphore, #tpu.memory_space<semaphore_mem>>) src(%arg11 : memref<128x128xf32, #tpu.memory_space<vmem>>) dst(%dma_wait3A_189 : memref<5120x128xf32, #tpu.memory_space<vmem_shared>>)
        tpu.yield
      }) : () -> ()
      %add3A_168 = arith.constant 2 : i32
      %add3A_169 = arith.addi %mul3A_162, %add3A_168 : i32
      %lt3A = arith.cmpi slt, %add3A_169, %select_n3A_24 : i32
      %convert_element_type3A_170 = arith.extui %lt3A : i1 to i32
      %cond3A_171 = arith.constant 0 : i32
      %cond3A_172 = arith.cmpi ne, %convert_element_type3A_170, %cond3A_171 : i32
      scf.if %cond3A_172 {
        %add3A_179 = arith.constant 2 : i32
        %add3A_180 = arith.addi %mul3A_162, %add3A_179 : i32
        %dma_start3A = arith.constant 0 : i32
        %dma_start3A_181 = tpu.memref_slice %arg8[%add3A_180, %dma_start3A] : memref<160x128xi32, #tpu.memory_space<vmem>> -> memref<1x128xi32, #tpu.memory_space<vmem>>
        %dma_start3A_182 = tpu.memref_squeeze %dma_start3A_181 : memref<1x128xi32, #tpu.memory_space<vmem>> -> memref<128xi32, #tpu.memory_space<vmem>>
        %dma_start3A_183 = arith.constant 0 : i32
        %dma_start3A_184 = arith.constant 0 : i32
        %dma_start3A_185 = tpu.memref_slice %arg2[%dma_start3A_183, %dma_start3A_184] : memref<20000x128xf32, #tpu.memory_space<hbm>> -> memref<20000x128xf32, #tpu.memory_space<hbm>>
        tpu.enqueue_indirect_dma source(%dma_start3A_185 : memref<20000x128xf32, #tpu.memory_space<hbm>>) target(%arg11 : memref<128x128xf32, #tpu.memory_space<vmem>>) offsets(%dma_start3A_182 : memref<128xi32, #tpu.memory_space<vmem>>) semaphore(%arg14 : memref<!tpu.dma_semaphore, #tpu.memory_space<semaphore_mem>>)
      } else {
      }
      %add3A_173 = arith.constant 1 : i32
      %add3A_174 = arith.addi %mul3A_162, %add3A_173 : i32
      %lt3A_175 = arith.cmpi slt, %add3A_174, %select_n3A_24 : i32
      %convert_element_type3A_176 = arith.extui %lt3A_175 : i1 to i32
      %cond3A_177 = arith.constant 0 : i32
      %cond3A_178 = arith.cmpi ne, %convert_element_type3A_176, %cond3A_177 : i32
      scf.if %cond3A_178 {
        %add3A_179 = arith.constant 1 : i32
        %add3A_180 = arith.addi %mul3A_162, %add3A_179 : i32
        %dma_wait3A_181 = arith.constant 0 : i32
        %dma_wait3A_182 = tpu.memref_slice %arg8[%add3A_180, %dma_wait3A_181] : memref<160x128xi32, #tpu.memory_space<vmem>> -> memref<1x128xi32, #tpu.memory_space<vmem>>
        %dma_wait3A_183 = tpu.memref_squeeze %dma_wait3A_182 : memref<1x128xi32, #tpu.memory_space<vmem>> -> memref<128xi32, #tpu.memory_space<vmem>>
        %dma_wait3A_184 = arith.constant 0 : i32
        %dma_wait3A_185 = arith.constant 0 : i32
        %dma_wait3A_186 = tpu.memref_slice %arg2[%dma_wait3A_184, %dma_wait3A_185] : memref<20000x128xf32, #tpu.memory_space<hbm>> -> memref<20000x128xf32, #tpu.memory_space<hbm>>
        tpu.wait_indirect_dma semaphore(%arg15 : memref<!tpu.dma_semaphore, #tpu.memory_space<semaphore_mem>>) src(%dma_wait3A_186 : memref<20000x128xf32, #tpu.memory_space<hbm>>) dst(%arg12 : memref<128x128xf32, #tpu.memory_space<vmem>>)
        %add3A_187 = arith.constant 1 : i32
        %add3A_188 = arith.addi %mul3A_162, %add3A_187 : i32
        "tpu.region"() ({
          %run_scoped3A = tpu.sem_alloc : memref<!tpu.dma_semaphore, #tpu.memory_space<semaphore_mem>>
          %dma_start3A = arith.constant 0 : i32
          %dma_start3A_195 = tpu.memref_slice %arg9[%add3A_188, %dma_start3A] : memref<160x128xi32, #tpu.memory_space<vmem>> -> memref<1x128xi32, #tpu.memory_space<vmem>>
          %dma_start3A_196 = tpu.memref_squeeze %dma_start3A_195 : memref<1x128xi32, #tpu.memory_space<vmem>> -> memref<128xi32, #tpu.memory_space<vmem>>
          %dma_start3A_197 = arith.constant 0 : i32
          %dma_start3A_198 = arith.constant 0 : i32
          %dma_start3A_199 = tpu.memref_slice %arg13[%dma_start3A_197, %dma_start3A_198] : memref<5120x128xf32, #tpu.memory_space<vmem_shared>> -> memref<5120x128xf32, #tpu.memory_space<vmem_shared>>
          tpu.enqueue_indirect_dma source(%arg12 : memref<128x128xf32, #tpu.memory_space<vmem>>) target(%dma_start3A_199 : memref<5120x128xf32, #tpu.memory_space<vmem_shared>>) offsets(%dma_start3A_196 : memref<128xi32, #tpu.memory_space<vmem>>) semaphore(%run_scoped3A : memref<!tpu.dma_semaphore, #tpu.memory_space<semaphore_mem>>) {add = true}
          %dma_wait3A_200 = arith.constant 0 : i32
          %dma_wait3A_201 = tpu.memref_slice %arg9[%add3A_188, %dma_wait3A_200] : memref<160x128xi32, #tpu.memory_space<vmem>> -> memref<1x128xi32, #tpu.memory_space<vmem>>
          %dma_wait3A_202 = tpu.memref_squeeze %dma_wait3A_201 : memref<1x128xi32, #tpu.memory_space<vmem>> -> memref<128xi32, #tpu.memory_space<vmem>>
          %dma_wait3A_203 = arith.constant 0 : i32
          %dma_wait3A_204 = arith.constant 0 : i32
          %dma_wait3A_205 = tpu.memref_slice %arg13[%dma_wait3A_203, %dma_wait3A_204] : memref<5120x128xf32, #tpu.memory_space<vmem_shared>> -> memref<5120x128xf32, #tpu.memory_space<vmem_shared>>
          tpu.wait_indirect_dma semaphore(%run_scoped3A : memref<!tpu.dma_semaphore, #tpu.memory_space<semaphore_mem>>) src(%arg12 : memref<128x128xf32, #tpu.memory_space<vmem>>) dst(%dma_wait3A_205 : memref<5120x128xf32, #tpu.memory_space<vmem_shared>>)
          tpu.yield
        }) : () -> ()
        %add3A_189 = arith.constant 3 : i32
        %add3A_190 = arith.addi %mul3A_162, %add3A_189 : i32
        %lt3A_191 = arith.cmpi slt, %add3A_190, %select_n3A_24 : i32
        %convert_element_type3A_192 = arith.extui %lt3A_191 : i1 to i32
        %cond3A_193 = arith.constant 0 : i32
        %cond3A_194 = arith.cmpi ne, %convert_element_type3A_192, %cond3A_193 : i32
        scf.if %cond3A_194 {
          %add3A_195 = arith.constant 3 : i32
          %add3A_196 = arith.addi %mul3A_162, %add3A_195 : i32
          %dma_start3A = arith.constant 0 : i32
          %dma_start3A_197 = tpu.memref_slice %arg8[%add3A_196, %dma_start3A] : memref<160x128xi32, #tpu.memory_space<vmem>> -> memref<1x128xi32, #tpu.memory_space<vmem>>
          %dma_start3A_198 = tpu.memref_squeeze %dma_start3A_197 : memref<1x128xi32, #tpu.memory_space<vmem>> -> memref<128xi32, #tpu.memory_space<vmem>>
          %dma_start3A_199 = arith.constant 0 : i32
          %dma_start3A_200 = arith.constant 0 : i32
          %dma_start3A_201 = tpu.memref_slice %arg2[%dma_start3A_199, %dma_start3A_200] : memref<20000x128xf32, #tpu.memory_space<hbm>> -> memref<20000x128xf32, #tpu.memory_space<hbm>>
          tpu.enqueue_indirect_dma source(%dma_start3A_201 : memref<20000x128xf32, #tpu.memory_space<hbm>>) target(%arg12 : memref<128x128xf32, #tpu.memory_space<vmem>>) offsets(%dma_start3A_198 : memref<128xi32, #tpu.memory_space<vmem>>) semaphore(%arg15 : memref<!tpu.dma_semaphore, #tpu.memory_space<semaphore_mem>>)
        } else {
        }
      } else {
      }
    }
    %barrier3A_155 = arith.constant 0 : index
    tpu.barrier barrier_id(%barrier3A_155)
    %mul3A_156 = arith.constant 320 : i32
    %mul3A_157 = arith.muli %arg1, %mul3A_156 : i32
    %mul3A_158 = arith.constant 320 : i32
    %mul3A_159 = arith.muli %arg1, %mul3A_158 : i32
    "tpu.region"() ({
      %run_scoped3A = tpu.sem_alloc : memref<!tpu.dma_semaphore, #tpu.memory_space<semaphore_mem>>
      %dma_start3A = arith.constant 0 : i32
      %dma_start3A_160 = tpu.memref_slice %arg7[%add3A_93, %mul3A_159, %dma_start3A] : memref<4x5120x128xf32, #tpu.memory_space<hbm>> -> memref<1x320x128xf32, #tpu.memory_space<hbm>>
      %dma_start3A_161 = tpu.memref_squeeze %dma_start3A_160 : memref<1x320x128xf32, #tpu.memory_space<hbm>> -> memref<320x128xf32, #tpu.memory_space<hbm>>
      %dma_start3A_162 = arith.constant 0 : i32
      %dma_start3A_163 = tpu.memref_slice %arg13[%mul3A_157, %dma_start3A_162] : memref<5120x128xf32, #tpu.memory_space<vmem_shared>> -> memref<320x128xf32, #tpu.memory_space<vmem_shared>>
      tpu.enqueue_dma source(%dma_start3A_163 : memref<320x128xf32, #tpu.memory_space<vmem_shared>>) target(%dma_start3A_161 : memref<320x128xf32, #tpu.memory_space<hbm>>) target_semaphore(%run_scoped3A : memref<!tpu.dma_semaphore, #tpu.memory_space<semaphore_mem>>)
      %dma_wait3A = arith.constant 0 : i32
      %dma_wait3A_164 = tpu.memref_slice %arg7[%add3A_93, %mul3A_159, %dma_wait3A] : memref<4x5120x128xf32, #tpu.memory_space<hbm>> -> memref<1x320x128xf32, #tpu.memory_space<hbm>>
      %dma_wait3A_165 = tpu.memref_squeeze %dma_wait3A_164 : memref<1x320x128xf32, #tpu.memory_space<hbm>> -> memref<320x128xf32, #tpu.memory_space<hbm>>
      %dma_wait3A_166 = arith.constant 0 : i32
      %dma_wait3A_167 = tpu.memref_slice %arg13[%mul3A_157, %dma_wait3A_166] : memref<5120x128xf32, #tpu.memory_space<vmem_shared>> -> memref<320x128xf32, #tpu.memory_space<vmem_shared>>
      tpu.wait_dma2 semaphore(%run_scoped3A : memref<!tpu.dma_semaphore, #tpu.memory_space<semaphore_mem>>) src(%dma_wait3A_167 : memref<320x128xf32, #tpu.memory_space<vmem_shared>>) dst(%dma_wait3A_165 : memref<320x128xf32, #tpu.memory_space<hbm>>)
      tpu.yield
    }) : () -> ()
    return
  }
}

#map = affine_map<(d0, d1) -> (0, 0)>
#map1 = affine_map<(d0, d1) -> (0, 0, 0)>
#map2 = affine_map<(d0, d1) -> (0)>
module attributes {stable_mosaic.version = 14 : i64} {
  func.func @seg(%arg0: i32, %arg1: i32, %arg2: memref<10000x128xf32, #tpu.memory_space<hbm>>, %arg3: memref<2x2560x128xi32, #tpu.memory_space<hbm>>, %arg4: memref<2x2560x128xi32, #tpu.memory_space<hbm>>, %arg5: memref<16xi32, #tpu.memory_space<hbm>>, %arg6: memref<128x128xf32, #tpu.memory_space<hbm>>, %arg7: memref<2x5120x128xf32, #tpu.memory_space<hbm>>, %arg8: memref<160x128xi32, #tpu.memory_space<vmem>>, %arg9: memref<160x128xi32, #tpu.memory_space<vmem>>, %arg10: memref<16xi32, #tpu.memory_space<vmem>>, %arg11: memref<128x128xf32, #tpu.memory_space<vmem>>, %arg12: memref<128x128xf32, #tpu.memory_space<vmem>>, %arg13: memref<5120x128xf32, #tpu.memory_space<vmem_shared>>, %arg14: memref<!tpu.dma_semaphore, #tpu.memory_space<semaphore_mem>>, %arg15: memref<!tpu.dma_semaphore, #tpu.memory_space<semaphore_mem>>) attributes {dimension_semantics = [#tpu.dimension_semantics<core_parallel>, #tpu.dimension_semantics<subcore_parallel>], iteration_bounds = array<i64: 2, 16>, scalar_prefetch = 0 : i64, scratch_operands = 8 : i64, tpu.core_type = #tpu.core_type<sc_vector_subcore>, window_params = [{transform_indices = #map}, {transform_indices = #map1}, {transform_indices = #map1}, {transform_indices = #map2}, {transform_indices = #map}, {transform_indices = #map1}]} {
    %mul3A = arith.constant 160 : i32
    %mul3A_0 = arith.muli %arg1, %mul3A : i32
    "tpu.region"() ({
      %run_scoped3A = tpu.sem_alloc : memref<!tpu.dma_semaphore, #tpu.memory_space<semaphore_mem>>
      %dma_start3A = arith.constant 0 : i32
      %dma_start3A_90 = tpu.memref_slice %arg4[%arg0, %mul3A_0, %dma_start3A] : memref<2x2560x128xi32, #tpu.memory_space<hbm>> -> memref<1x160x128xi32, #tpu.memory_space<hbm>>
      %dma_start3A_91 = tpu.memref_squeeze %dma_start3A_90 : memref<1x160x128xi32, #tpu.memory_space<hbm>> -> memref<160x128xi32, #tpu.memory_space<hbm>>
      %dma_start3A_92 = arith.constant 0 : i32
      %dma_start3A_93 = tpu.memref_slice %arg4[%arg0, %mul3A_0, %dma_start3A_92] : memref<2x2560x128xi32, #tpu.memory_space<hbm>> -> memref<1x160x128xi32, #tpu.memory_space<hbm>>
      %dma_start3A_94 = tpu.memref_squeeze %dma_start3A_93 : memref<1x160x128xi32, #tpu.memory_space<hbm>> -> memref<160x128xi32, #tpu.memory_space<hbm>>
      tpu.enqueue_dma source(%dma_start3A_94 : memref<160x128xi32, #tpu.memory_space<hbm>>) target(%arg9 : memref<160x128xi32, #tpu.memory_space<vmem>>) target_semaphore(%run_scoped3A : memref<!tpu.dma_semaphore, #tpu.memory_space<semaphore_mem>>)
      %dma_wait3A = arith.constant 0 : i32
      %dma_wait3A_95 = tpu.memref_slice %arg4[%arg0, %mul3A_0, %dma_wait3A] : memref<2x2560x128xi32, #tpu.memory_space<hbm>> -> memref<1x160x128xi32, #tpu.memory_space<hbm>>
      %dma_wait3A_96 = tpu.memref_squeeze %dma_wait3A_95 : memref<1x160x128xi32, #tpu.memory_space<hbm>> -> memref<160x128xi32, #tpu.memory_space<hbm>>
      %dma_wait3A_97 = arith.constant 0 : i32
      %dma_wait3A_98 = tpu.memref_slice %arg4[%arg0, %mul3A_0, %dma_wait3A_97] : memref<2x2560x128xi32, #tpu.memory_space<hbm>> -> memref<1x160x128xi32, #tpu.memory_space<hbm>>
      %dma_wait3A_99 = tpu.memref_squeeze %dma_wait3A_98 : memref<1x160x128xi32, #tpu.memory_space<hbm>> -> memref<160x128xi32, #tpu.memory_space<hbm>>
      tpu.wait_dma2 semaphore(%run_scoped3A : memref<!tpu.dma_semaphore, #tpu.memory_space<semaphore_mem>>) src(%dma_wait3A_99 : memref<160x128xi32, #tpu.memory_space<hbm>>) dst(%arg9 : memref<160x128xi32, #tpu.memory_space<vmem>>)
      tpu.yield
    }) : () -> ()
    "tpu.region"() ({
      %run_scoped3A = tpu.sem_alloc : memref<!tpu.dma_semaphore, #tpu.memory_space<semaphore_mem>>
      tpu.enqueue_dma source(%arg5 : memref<16xi32, #tpu.memory_space<hbm>>) target(%arg10 : memref<16xi32, #tpu.memory_space<vmem>>) target_semaphore(%run_scoped3A : memref<!tpu.dma_semaphore, #tpu.memory_space<semaphore_mem>>)
      tpu.wait_dma2 semaphore(%run_scoped3A : memref<!tpu.dma_semaphore, #tpu.memory_space<semaphore_mem>>) src(%arg5 : memref<16xi32, #tpu.memory_space<hbm>>) dst(%arg10 : memref<16xi32, #tpu.memory_space<vmem>>)
      tpu.yield
    }) : () -> ()
    %get3A = arith.constant 0 : index
    %get3A_1 = tpu.vector_load %arg10[%get3A] {strides = array<i32>} : memref<16xi32, #tpu.memory_space<vmem>>, vector<16xi32>,
    %get3A_2 = vector.shape_cast %get3A_1 : vector<16xi32> to vector<16xi32>
    %eq3A = arith.constant 0 : i32
    %eq3A_3 = arith.cmpi eq, %arg0, %eq3A : i32
    %slice3A = vector.extract_strided_slice %get3A_2 {offsets = [0], sizes = [1], strides = [1]} : vector<16xi32> to vector<1xi32>
    %squeeze3A = vector.extract %slice3A[0] : i32 from vector<1xi32>
    %slice3A_4 = vector.extract_strided_slice %get3A_2 {offsets = [1], sizes = [1], strides = [1]} : vector<16xi32> to vector<1xi32>
    %squeeze3A_5 = vector.extract %slice3A_4[0] : i32 from vector<1xi32>
    %select_n3A = arith.select %eq3A_3, %squeeze3A, %squeeze3A_5 : i32
    %add3A = arith.constant 15 : i32
    %add3A_6 = arith.addi %select_n3A, %add3A : i32
    %sub3A = arith.subi %add3A_6, %arg1 : i32
    %jit3A = arith.constant 16 : i32
    %div3A = arith.divsi %sub3A, %jit3A : i32
    %sign3A = arith.constant 0 : i32
    %sign3A_7 = arith.cmpi sgt, %sub3A, %sign3A : i32
    %sign3A_8 = arith.extui %sign3A_7 : i1 to i32
    %sign3A_9 = arith.constant 0 : i32
    %sign3A_10 = arith.cmpi slt, %sub3A, %sign3A_9 : i32
    %sign3A_11 = arith.extui %sign3A_10 : i1 to i32
    %sign3A_12 = arith.subi %sign3A_8, %sign3A_11 : i32
    %sign3A_13 = arith.constant 0 : i32
    %sign3A_14 = arith.cmpi sgt, %jit3A, %sign3A_13 : i32
    %sign3A_15 = arith.extui %sign3A_14 : i1 to i32
    %sign3A_16 = arith.constant 0 : i32
    %sign3A_17 = arith.cmpi slt, %jit3A, %sign3A_16 : i32
    %sign3A_18 = arith.extui %sign3A_17 : i1 to i32
    %sign3A_19 = arith.subi %sign3A_15, %sign3A_18 : i32
    %ne3A = arith.cmpi ne, %sign3A_12, %sign3A_19 : i32
    %rem3A = arith.remsi %sub3A, %jit3A : i32
    %ne3A_20 = arith.constant 0 : i32
    %ne3A_21 = arith.cmpi ne, %rem3A, %ne3A_20 : i32
    %and3A = arith.andi %ne3A, %ne3A_21 : i1
    %sub3A_22 = arith.constant 1 : i32
    %sub3A_23 = arith.subi %div3A, %sub3A_22 : i32
    %select_n3A_24 = arith.select %and3A, %sub3A_23, %div3A : i32
    %mul3A_25 = arith.constant 1 : i32
    %mul3A_26 = arith.muli %arg0, %mul3A_25 : i32
    %add3A_27 = arith.constant 0 : i32
    %add3A_28 = arith.addi %mul3A_26, %add3A_27 : i32
    "tpu.region"() ({
      %run_scoped3A = tpu.sem_alloc : memref<!tpu.dma_semaphore, #tpu.memory_space<semaphore_mem>>
      tpu.enqueue_dma source(%arg6 : memref<128x128xf32, #tpu.memory_space<hbm>>) target(%arg11 : memref<128x128xf32, #tpu.memory_space<vmem>>) target_semaphore(%run_scoped3A : memref<!tpu.dma_semaphore, #tpu.memory_space<semaphore_mem>>)
      tpu.wait_dma2 semaphore(%run_scoped3A : memref<!tpu.dma_semaphore, #tpu.memory_space<semaphore_mem>>) src(%arg6 : memref<128x128xf32, #tpu.memory_space<hbm>>) dst(%arg11 : memref<128x128xf32, #tpu.memory_space<vmem>>)
      tpu.yield
    }) : () -> ()
    %mul3A_29 = arith.constant 320 : i32
    %mul3A_30 = arith.muli %arg1, %mul3A_29 : i32
    "tpu.region"() ({
      %run_scoped3A = tpu.sem_alloc : memref<!tpu.dma_semaphore, #tpu.memory_space<semaphore_mem>>
      %dma_start3A = arith.constant 0 : i32
      %dma_start3A_90 = tpu.memref_slice %arg13[%mul3A_30, %dma_start3A] : memref<5120x128xf32, #tpu.memory_space<vmem_shared>> -> memref<128x128xf32, #tpu.memory_space<vmem_shared>>
      %dma_start3A_91 = arith.constant 0 : i32
      %dma_start3A_92 = tpu.memref_slice %arg13[%mul3A_30, %dma_start3A_91] : memref<5120x128xf32, #tpu.memory_space<vmem_shared>> -> memref<128x128xf32, #tpu.memory_space<vmem_shared>>
      tpu.enqueue_dma source(%arg11 : memref<128x128xf32, #tpu.memory_space<vmem>>) target(%dma_start3A_92 : memref<128x128xf32, #tpu.memory_space<vmem_shared>>) target_semaphore(%run_scoped3A : memref<!tpu.dma_semaphore, #tpu.memory_space<semaphore_mem>>)
      %dma_wait3A = arith.constant 0 : i32
      %dma_wait3A_93 = tpu.memref_slice %arg13[%mul3A_30, %dma_wait3A] : memref<5120x128xf32, #tpu.memory_space<vmem_shared>> -> memref<128x128xf32, #tpu.memory_space<vmem_shared>>
      %dma_wait3A_94 = arith.constant 0 : i32
      %dma_wait3A_95 = tpu.memref_slice %arg13[%mul3A_30, %dma_wait3A_94] : memref<5120x128xf32, #tpu.memory_space<vmem_shared>> -> memref<128x128xf32, #tpu.memory_space<vmem_shared>>
      tpu.wait_dma2 semaphore(%run_scoped3A : memref<!tpu.dma_semaphore, #tpu.memory_space<semaphore_mem>>) src(%arg11 : memref<128x128xf32, #tpu.memory_space<vmem>>) dst(%dma_wait3A_95 : memref<128x128xf32, #tpu.memory_space<vmem_shared>>)
      tpu.yield
    }) : () -> ()
    %mul3A_31 = arith.constant 320 : i32
    %mul3A_32 = arith.muli %arg1, %mul3A_31 : i32
    %add3A_33 = arith.constant 128 : i32
    %add3A_34 = arith.addi %mul3A_32, %add3A_33 : i32
    "tpu.region"() ({
      %run_scoped3A = tpu.sem_alloc : memref<!tpu.dma_semaphore, #tpu.memory_space<semaphore_mem>>
      %dma_start3A = arith.constant 0 : i32
      %dma_start3A_90 = tpu.memref_slice %arg13[%add3A_34, %dma_start3A] : memref<5120x128xf32, #tpu.memory_space<vmem_shared>> -> memref<128x128xf32, #tpu.memory_space<vmem_shared>>
      %dma_start3A_91 = arith.constant 0 : i32
      %dma_start3A_92 = tpu.memref_slice %arg13[%add3A_34, %dma_start3A_91] : memref<5120x128xf32, #tpu.memory_space<vmem_shared>> -> memref<128x128xf32, #tpu.memory_space<vmem_shared>>
      tpu.enqueue_dma source(%arg11 : memref<128x128xf32, #tpu.memory_space<vmem>>) target(%dma_start3A_92 : memref<128x128xf32, #tpu.memory_space<vmem_shared>>) target_semaphore(%run_scoped3A : memref<!tpu.dma_semaphore, #tpu.memory_space<semaphore_mem>>)
      %dma_wait3A = arith.constant 0 : i32
      %dma_wait3A_93 = tpu.memref_slice %arg13[%add3A_34, %dma_wait3A] : memref<5120x128xf32, #tpu.memory_space<vmem_shared>> -> memref<128x128xf32, #tpu.memory_space<vmem_shared>>
      %dma_wait3A_94 = arith.constant 0 : i32
      %dma_wait3A_95 = tpu.memref_slice %arg13[%add3A_34, %dma_wait3A_94] : memref<5120x128xf32, #tpu.memory_space<vmem_shared>> -> memref<128x128xf32, #tpu.memory_space<vmem_shared>>
      tpu.wait_dma2 semaphore(%run_scoped3A : memref<!tpu.dma_semaphore, #tpu.memory_space<semaphore_mem>>) src(%arg11 : memref<128x128xf32, #tpu.memory_space<vmem>>) dst(%dma_wait3A_95 : memref<128x128xf32, #tpu.memory_space<vmem_shared>>)
      tpu.yield
    }) : () -> ()
    %mul3A_35 = arith.constant 320 : i32
    %mul3A_36 = arith.muli %arg1, %mul3A_35 : i32
    %add3A_37 = arith.constant 256 : i32
    %add3A_38 = arith.addi %mul3A_36, %add3A_37 : i32
    "tpu.region"() ({
      %run_scoped3A = tpu.sem_alloc : memref<!tpu.dma_semaphore, #tpu.memory_space<semaphore_mem>>
      %dma_start3A = arith.constant 0 : i32
      %dma_start3A_90 = arith.constant 0 : i32
      %dma_start3A_91 = tpu.memref_slice %arg11[%dma_start3A, %dma_start3A_90] : memref<128x128xf32, #tpu.memory_space<vmem>> -> memref<64x128xf32, #tpu.memory_space<vmem>>
      %dma_start3A_92 = arith.constant 0 : i32
      %dma_start3A_93 = tpu.memref_slice %arg13[%add3A_38, %dma_start3A_92] : memref<5120x128xf32, #tpu.memory_space<vmem_shared>> -> memref<64x128xf32, #tpu.memory_space<vmem_shared>>
      %dma_start3A_94 = arith.constant 0 : i32
      %dma_start3A_95 = tpu.memref_slice %arg13[%add3A_38, %dma_start3A_94] : memref<5120x128xf32, #tpu.memory_space<vmem_shared>> -> memref<64x128xf32, #tpu.memory_space<vmem_shared>>
      %dma_start3A_96 = arith.constant 0 : i32
      %dma_start3A_97 = arith.constant 0 : i32
      %dma_start3A_98 = tpu.memref_slice %arg11[%dma_start3A_96, %dma_start3A_97] : memref<128x128xf32, #tpu.memory_space<vmem>> -> memref<64x128xf32, #tpu.memory_space<vmem>>
      tpu.enqueue_dma source(%dma_start3A_98 : memref<64x128xf32, #tpu.memory_space<vmem>>) target(%dma_start3A_95 : memref<64x128xf32, #tpu.memory_space<vmem_shared>>) target_semaphore(%run_scoped3A : memref<!tpu.dma_semaphore, #tpu.memory_space<semaphore_mem>>)
      %dma_wait3A = arith.constant 0 : i32
      %dma_wait3A_99 = arith.constant 0 : i32
      %dma_wait3A_100 = tpu.memref_slice %arg11[%dma_wait3A, %dma_wait3A_99] : memref<128x128xf32, #tpu.memory_space<vmem>> -> memref<64x128xf32, #tpu.memory_space<vmem>>
      %dma_wait3A_101 = arith.constant 0 : i32
      %dma_wait3A_102 = tpu.memref_slice %arg13[%add3A_38, %dma_wait3A_101] : memref<5120x128xf32, #tpu.memory_space<vmem_shared>> -> memref<64x128xf32, #tpu.memory_space<vmem_shared>>
      %dma_wait3A_103 = arith.constant 0 : i32
      %dma_wait3A_104 = tpu.memref_slice %arg13[%add3A_38, %dma_wait3A_103] : memref<5120x128xf32, #tpu.memory_space<vmem_shared>> -> memref<64x128xf32, #tpu.memory_space<vmem_shared>>
      %dma_wait3A_105 = arith.constant 0 : i32
      %dma_wait3A_106 = arith.constant 0 : i32
      %dma_wait3A_107 = tpu.memref_slice %arg11[%dma_wait3A_105, %dma_wait3A_106] : memref<128x128xf32, #tpu.memory_space<vmem>> -> memref<64x128xf32, #tpu.memory_space<vmem>>
      tpu.wait_dma2 semaphore(%run_scoped3A : memref<!tpu.dma_semaphore, #tpu.memory_space<semaphore_mem>>) src(%dma_wait3A_107 : memref<64x128xf32, #tpu.memory_space<vmem>>) dst(%dma_wait3A_104 : memref<64x128xf32, #tpu.memory_space<vmem_shared>>)
      tpu.yield
    }) : () -> ()
    %mul3A_39 = arith.constant 160 : i32
    %mul3A_40 = arith.muli %arg1, %mul3A_39 : i32
    %add3A_41 = arith.constant 0 : i32
    %add3A_42 = arith.addi %add3A_41, %mul3A_40 : i32
    "tpu.region"() ({
      %run_scoped3A = tpu.sem_alloc : memref<!tpu.dma_semaphore, #tpu.memory_space<semaphore_mem>>
      %dma_start3A = arith.constant 0 : i32
      %dma_start3A_90 = tpu.memref_slice %arg3[%arg0, %add3A_42, %dma_start3A] : memref<2x2560x128xi32, #tpu.memory_space<hbm>> -> memref<1x160x128xi32, #tpu.memory_space<hbm>>
      %dma_start3A_91 = tpu.memref_squeeze %dma_start3A_90 : memref<1x160x128xi32, #tpu.memory_space<hbm>> -> memref<160x128xi32, #tpu.memory_space<hbm>>
      %dma_start3A_92 = arith.constant 0 : i32
      %dma_start3A_93 = tpu.memref_slice %arg3[%arg0, %add3A_42, %dma_start3A_92] : memref<2x2560x128xi32, #tpu.memory_space<hbm>> -> memref<1x160x128xi32, #tpu.memory_space<hbm>>
      %dma_start3A_94 = tpu.memref_squeeze %dma_start3A_93 : memref<1x160x128xi32, #tpu.memory_space<hbm>> -> memref<160x128xi32, #tpu.memory_space<hbm>>
      tpu.enqueue_dma source(%dma_start3A_94 : memref<160x128xi32, #tpu.memory_space<hbm>>) target(%arg8 : memref<160x128xi32, #tpu.memory_space<vmem>>) target_semaphore(%run_scoped3A : memref<!tpu.dma_semaphore, #tpu.memory_space<semaphore_mem>>)
      %dma_wait3A = arith.constant 0 : i32
      %dma_wait3A_95 = tpu.memref_slice %arg3[%arg0, %add3A_42, %dma_wait3A] : memref<2x2560x128xi32, #tpu.memory_space<hbm>> -> memref<1x160x128xi32, #tpu.memory_space<hbm>>
      %dma_wait3A_96 = tpu.memref_squeeze %dma_wait3A_95 : memref<1x160x128xi32, #tpu.memory_space<hbm>> -> memref<160x128xi32, #tpu.memory_space<hbm>>
      %dma_wait3A_97 = arith.constant 0 : i32
      %dma_wait3A_98 = tpu.memref_slice %arg3[%arg0, %add3A_42, %dma_wait3A_97] : memref<2x2560x128xi32, #tpu.memory_space<hbm>> -> memref<1x160x128xi32, #tpu.memory_space<hbm>>
      %dma_wait3A_99 = tpu.memref_squeeze %dma_wait3A_98 : memref<1x160x128xi32, #tpu.memory_space<hbm>> -> memref<160x128xi32, #tpu.memory_space<hbm>>
      tpu.wait_dma2 semaphore(%run_scoped3A : memref<!tpu.dma_semaphore, #tpu.memory_space<semaphore_mem>>) src(%dma_wait3A_99 : memref<160x128xi32, #tpu.memory_space<hbm>>) dst(%arg8 : memref<160x128xi32, #tpu.memory_space<vmem>>)
      tpu.yield
    }) : () -> ()
    %barrier3A = arith.constant 0 : index
    tpu.barrier barrier_id(%barrier3A)
    %gt3A = arith.constant 0 : i32
    %gt3A_43 = arith.cmpi sgt, %select_n3A_24, %gt3A : i32
    %convert_element_type3A = arith.extui %gt3A_43 : i1 to i32
    %cond3A = arith.constant 0 : i32
    %cond3A_44 = arith.cmpi ne, %convert_element_type3A, %cond3A : i32
    scf.if %cond3A_44 {
      %dma_start3A = arith.constant 0 : i32
      %dma_start3A_90 = arith.constant 0 : i32
      %dma_start3A_91 = tpu.memref_slice %arg8[%dma_start3A, %dma_start3A_90] : memref<160x128xi32, #tpu.memory_space<vmem>> -> memref<1x128xi32, #tpu.memory_space<vmem>>
      %dma_start3A_92 = tpu.memref_squeeze %dma_start3A_91 : memref<1x128xi32, #tpu.memory_space<vmem>> -> memref<128xi32, #tpu.memory_space<vmem>>
      %dma_start3A_93 = arith.constant 0 : i32
      %dma_start3A_94 = arith.constant 0 : i32
      %dma_start3A_95 = tpu.memref_slice %arg2[%dma_start3A_93, %dma_start3A_94] : memref<10000x128xf32, #tpu.memory_space<hbm>> -> memref<10000x128xf32, #tpu.memory_space<hbm>>
      tpu.enqueue_indirect_dma source(%dma_start3A_95 : memref<10000x128xf32, #tpu.memory_space<hbm>>) target(%arg11 : memref<128x128xf32, #tpu.memory_space<vmem>>) offsets(%dma_start3A_92 : memref<128xi32, #tpu.memory_space<vmem>>) semaphore(%arg14 : memref<!tpu.dma_semaphore, #tpu.memory_space<semaphore_mem>>)
    } else {
    }
    %gt3A_45 = arith.constant 1 : i32
    %gt3A_46 = arith.cmpi sgt, %select_n3A_24, %gt3A_45 : i32
    %convert_element_type3A_47 = arith.extui %gt3A_46 : i1 to i32
    %cond3A_48 = arith.constant 0 : i32
    %cond3A_49 = arith.cmpi ne, %convert_element_type3A_47, %cond3A_48 : i32
    scf.if %cond3A_49 {
      %dma_start3A = arith.constant 1 : i32
      %dma_start3A_90 = arith.constant 0 : i32
      %dma_start3A_91 = tpu.memref_slice %arg8[%dma_start3A, %dma_start3A_90] : memref<160x128xi32, #tpu.memory_space<vmem>> -> memref<1x128xi32, #tpu.memory_space<vmem>>
      %dma_start3A_92 = tpu.memref_squeeze %dma_start3A_91 : memref<1x128xi32, #tpu.memory_space<vmem>> -> memref<128xi32, #tpu.memory_space<vmem>>
      %dma_start3A_93 = arith.constant 0 : i32
      %dma_start3A_94 = arith.constant 0 : i32
      %dma_start3A_95 = tpu.memref_slice %arg2[%dma_start3A_93, %dma_start3A_94] : memref<10000x128xf32, #tpu.memory_space<hbm>> -> memref<10000x128xf32, #tpu.memory_space<hbm>>
      tpu.enqueue_indirect_dma source(%dma_start3A_95 : memref<10000x128xf32, #tpu.memory_space<hbm>>) target(%arg12 : memref<128x128xf32, #tpu.memory_space<vmem>>) offsets(%dma_start3A_92 : memref<128xi32, #tpu.memory_space<vmem>>) semaphore(%arg15 : memref<!tpu.dma_semaphore, #tpu.memory_space<semaphore_mem>>)
    } else {
    }
    %add3A_50 = arith.constant 1 : i32
    %add3A_51 = arith.addi %select_n3A_24, %add3A_50 : i32
    %jit3A_52 = arith.constant 2 : i32
    %div3A_53 = arith.divsi %add3A_51, %jit3A_52 : i32
    %sign3A_54 = arith.constant 0 : i32
    %sign3A_55 = arith.cmpi sgt, %add3A_51, %sign3A_54 : i32
    %sign3A_56 = arith.extui %sign3A_55 : i1 to i32
    %sign3A_57 = arith.constant 0 : i32
    %sign3A_58 = arith.cmpi slt, %add3A_51, %sign3A_57 : i32
    %sign3A_59 = arith.extui %sign3A_58 : i1 to i32
    %sign3A_60 = arith.subi %sign3A_56, %sign3A_59 : i32
    %sign3A_61 = arith.constant 0 : i32
    %sign3A_62 = arith.cmpi sgt, %jit3A_52, %sign3A_61 : i32
    %sign3A_63 = arith.extui %sign3A_62 : i1 to i32
    %sign3A_64 = arith.constant 0 : i32
    %sign3A_65 = arith.cmpi slt, %jit3A_52, %sign3A_64 : i32
    %sign3A_66 = arith.extui %sign3A_65 : i1 to i32
    %sign3A_67 = arith.subi %sign3A_63, %sign3A_66 : i32
    %ne3A_68 = arith.cmpi ne, %sign3A_60, %sign3A_67 : i32
    %rem3A_69 = arith.remsi %add3A_51, %jit3A_52 : i32
    %ne3A_70 = arith.constant 0 : i32
    %ne3A_71 = arith.cmpi ne, %rem3A_69, %ne3A_70 : i32
    %and3A_72 = arith.andi %ne3A_68, %ne3A_71 : i1
    %sub3A_73 = arith.constant 1 : i32
    %sub3A_74 = arith.subi %div3A_53, %sub3A_73 : i32
    %select_n3A_75 = arith.select %and3A_72, %sub3A_74, %div3A_53 : i32
    %while3A = arith.constant 0 : i32
    %while3A_76 = arith.constant 0 : i32
    %while3A_77 = arith.subi %select_n3A_75, %while3A_76 : i32
    %while3A_78 = arith.addi %while3A_76, %while3A_77 : i32
    %while3A_79 = arith.constant 1 : i32
    %while3A_80 = arith.divsi %while3A_77, %while3A_79 : i32
    %while3A_81 = arith.muli %while3A_80, %while3A_79 : i32
    %while3A_82 = arith.addi %while3A_76, %while3A_81 : i32
    %while3A_83 = arith.constant 1 : i32
    scf.for %while3A_90 = %while3A_76 to %while3A_82 step %while3A_83  : i32 {
      %mul3A_91 = arith.constant 2 : i32
      %mul3A_92 = arith.muli %mul3A_91, %while3A_90 : i32
      %dma_wait3A = arith.constant 0 : i32
      %dma_wait3A_93 = tpu.memref_slice %arg8[%mul3A_92, %dma_wait3A] : memref<160x128xi32, #tpu.memory_space<vmem>> -> memref<1x128xi32, #tpu.memory_space<vmem>>
      %dma_wait3A_94 = tpu.memref_squeeze %dma_wait3A_93 : memref<1x128xi32, #tpu.memory_space<vmem>> -> memref<128xi32, #tpu.memory_space<vmem>>
      %dma_wait3A_95 = arith.constant 0 : i32
      %dma_wait3A_96 = arith.constant 0 : i32
      %dma_wait3A_97 = tpu.memref_slice %arg2[%dma_wait3A_95, %dma_wait3A_96] : memref<10000x128xf32, #tpu.memory_space<hbm>> -> memref<10000x128xf32, #tpu.memory_space<hbm>>
      tpu.wait_indirect_dma semaphore(%arg14 : memref<!tpu.dma_semaphore, #tpu.memory_space<semaphore_mem>>) src(%dma_wait3A_97 : memref<10000x128xf32, #tpu.memory_space<hbm>>) dst(%arg11 : memref<128x128xf32, #tpu.memory_space<vmem>>)
      "tpu.region"() ({
        %run_scoped3A = tpu.sem_alloc : memref<!tpu.dma_semaphore, #tpu.memory_space<semaphore_mem>>
        %dma_start3A = arith.constant 0 : i32
        %dma_start3A_109 = tpu.memref_slice %arg9[%mul3A_92, %dma_start3A] : memref<160x128xi32, #tpu.memory_space<vmem>> -> memref<1x128xi32, #tpu.memory_space<vmem>>
        %dma_start3A_110 = tpu.memref_squeeze %dma_start3A_109 : memref<1x128xi32, #tpu.memory_space<vmem>> -> memref<128xi32, #tpu.memory_space<vmem>>
        %dma_start3A_111 = arith.constant 0 : i32
        %dma_start3A_112 = arith.constant 0 : i32
        %dma_start3A_113 = tpu.memref_slice %arg13[%dma_start3A_111, %dma_start3A_112] : memref<5120x128xf32, #tpu.memory_space<vmem_shared>> -> memref<5120x128xf32, #tpu.memory_space<vmem_shared>>
        tpu.enqueue_indirect_dma source(%arg11 : memref<128x128xf32, #tpu.memory_space<vmem>>) target(%dma_start3A_113 : memref<5120x128xf32, #tpu.memory_space<vmem_shared>>) offsets(%dma_start3A_110 : memref<128xi32, #tpu.memory_space<vmem>>) semaphore(%run_scoped3A : memref<!tpu.dma_semaphore, #tpu.memory_space<semaphore_mem>>) {add = true}
        %dma_wait3A_114 = arith.constant 0 : i32
        %dma_wait3A_115 = tpu.memref_slice %arg9[%mul3A_92, %dma_wait3A_114] : memref<160x128xi32, #tpu.memory_space<vmem>> -> memref<1x128xi32, #tpu.memory_space<vmem>>
        %dma_wait3A_116 = tpu.memref_squeeze %dma_wait3A_115 : memref<1x128xi32, #tpu.memory_space<vmem>> -> memref<128xi32, #tpu.memory_space<vmem>>
        %dma_wait3A_117 = arith.constant 0 : i32
        %dma_wait3A_118 = arith.constant 0 : i32
        %dma_wait3A_119 = tpu.memref_slice %arg13[%dma_wait3A_117, %dma_wait3A_118] : memref<5120x128xf32, #tpu.memory_space<vmem_shared>> -> memref<5120x128xf32, #tpu.memory_space<vmem_shared>>
        tpu.wait_indirect_dma semaphore(%run_scoped3A : memref<!tpu.dma_semaphore, #tpu.memory_space<semaphore_mem>>) src(%arg11 : memref<128x128xf32, #tpu.memory_space<vmem>>) dst(%dma_wait3A_119 : memref<5120x128xf32, #tpu.memory_space<vmem_shared>>)
        tpu.yield
      }) : () -> ()
      %add3A_98 = arith.constant 2 : i32
      %add3A_99 = arith.addi %mul3A_92, %add3A_98 : i32
      %lt3A = arith.cmpi slt, %add3A_99, %select_n3A_24 : i32
      %convert_element_type3A_100 = arith.extui %lt3A : i1 to i32
      %cond3A_101 = arith.constant 0 : i32
      %cond3A_102 = arith.cmpi ne, %convert_element_type3A_100, %cond3A_101 : i32
      scf.if %cond3A_102 {
        %add3A_109 = arith.constant 2 : i32
        %add3A_110 = arith.addi %mul3A_92, %add3A_109 : i32
        %dma_start3A = arith.constant 0 : i32
        %dma_start3A_111 = tpu.memref_slice %arg8[%add3A_110, %dma_start3A] : memref<160x128xi32, #tpu.memory_space<vmem>> -> memref<1x128xi32, #tpu.memory_space<vmem>>
        %dma_start3A_112 = tpu.memref_squeeze %dma_start3A_111 : memref<1x128xi32, #tpu.memory_space<vmem>> -> memref<128xi32, #tpu.memory_space<vmem>>
        %dma_start3A_113 = arith.constant 0 : i32
        %dma_start3A_114 = arith.constant 0 : i32
        %dma_start3A_115 = tpu.memref_slice %arg2[%dma_start3A_113, %dma_start3A_114] : memref<10000x128xf32, #tpu.memory_space<hbm>> -> memref<10000x128xf32, #tpu.memory_space<hbm>>
        tpu.enqueue_indirect_dma source(%dma_start3A_115 : memref<10000x128xf32, #tpu.memory_space<hbm>>) target(%arg11 : memref<128x128xf32, #tpu.memory_space<vmem>>) offsets(%dma_start3A_112 : memref<128xi32, #tpu.memory_space<vmem>>) semaphore(%arg14 : memref<!tpu.dma_semaphore, #tpu.memory_space<semaphore_mem>>)
      } else {
      }
      %add3A_103 = arith.constant 1 : i32
      %add3A_104 = arith.addi %mul3A_92, %add3A_103 : i32
      %lt3A_105 = arith.cmpi slt, %add3A_104, %select_n3A_24 : i32
      %convert_element_type3A_106 = arith.extui %lt3A_105 : i1 to i32
      %cond3A_107 = arith.constant 0 : i32
      %cond3A_108 = arith.cmpi ne, %convert_element_type3A_106, %cond3A_107 : i32
      scf.if %cond3A_108 {
        %add3A_109 = arith.constant 1 : i32
        %add3A_110 = arith.addi %mul3A_92, %add3A_109 : i32
        %dma_wait3A_111 = arith.constant 0 : i32
        %dma_wait3A_112 = tpu.memref_slice %arg8[%add3A_110, %dma_wait3A_111] : memref<160x128xi32, #tpu.memory_space<vmem>> -> memref<1x128xi32, #tpu.memory_space<vmem>>
        %dma_wait3A_113 = tpu.memref_squeeze %dma_wait3A_112 : memref<1x128xi32, #tpu.memory_space<vmem>> -> memref<128xi32, #tpu.memory_space<vmem>>
        %dma_wait3A_114 = arith.constant 0 : i32
        %dma_wait3A_115 = arith.constant 0 : i32
        %dma_wait3A_116 = tpu.memref_slice %arg2[%dma_wait3A_114, %dma_wait3A_115] : memref<10000x128xf32, #tpu.memory_space<hbm>> -> memref<10000x128xf32, #tpu.memory_space<hbm>>
        tpu.wait_indirect_dma semaphore(%arg15 : memref<!tpu.dma_semaphore, #tpu.memory_space<semaphore_mem>>) src(%dma_wait3A_116 : memref<10000x128xf32, #tpu.memory_space<hbm>>) dst(%arg12 : memref<128x128xf32, #tpu.memory_space<vmem>>)
        %add3A_117 = arith.constant 1 : i32
        %add3A_118 = arith.addi %mul3A_92, %add3A_117 : i32
        "tpu.region"() ({
          %run_scoped3A = tpu.sem_alloc : memref<!tpu.dma_semaphore, #tpu.memory_space<semaphore_mem>>
          %dma_start3A = arith.constant 0 : i32
          %dma_start3A_125 = tpu.memref_slice %arg9[%add3A_118, %dma_start3A] : memref<160x128xi32, #tpu.memory_space<vmem>> -> memref<1x128xi32, #tpu.memory_space<vmem>>
          %dma_start3A_126 = tpu.memref_squeeze %dma_start3A_125 : memref<1x128xi32, #tpu.memory_space<vmem>> -> memref<128xi32, #tpu.memory_space<vmem>>
          %dma_start3A_127 = arith.constant 0 : i32
          %dma_start3A_128 = arith.constant 0 : i32
          %dma_start3A_129 = tpu.memref_slice %arg13[%dma_start3A_127, %dma_start3A_128] : memref<5120x128xf32, #tpu.memory_space<vmem_shared>> -> memref<5120x128xf32, #tpu.memory_space<vmem_shared>>
          tpu.enqueue_indirect_dma source(%arg12 : memref<128x128xf32, #tpu.memory_space<vmem>>) target(%dma_start3A_129 : memref<5120x128xf32, #tpu.memory_space<vmem_shared>>) offsets(%dma_start3A_126 : memref<128xi32, #tpu.memory_space<vmem>>) semaphore(%run_scoped3A : memref<!tpu.dma_semaphore, #tpu.memory_space<semaphore_mem>>) {add = true}
          %dma_wait3A_130 = arith.constant 0 : i32
          %dma_wait3A_131 = tpu.memref_slice %arg9[%add3A_118, %dma_wait3A_130] : memref<160x128xi32, #tpu.memory_space<vmem>> -> memref<1x128xi32, #tpu.memory_space<vmem>>
          %dma_wait3A_132 = tpu.memref_squeeze %dma_wait3A_131 : memref<1x128xi32, #tpu.memory_space<vmem>> -> memref<128xi32, #tpu.memory_space<vmem>>
          %dma_wait3A_133 = arith.constant 0 : i32
          %dma_wait3A_134 = arith.constant 0 : i32
          %dma_wait3A_135 = tpu.memref_slice %arg13[%dma_wait3A_133, %dma_wait3A_134] : memref<5120x128xf32, #tpu.memory_space<vmem_shared>> -> memref<5120x128xf32, #tpu.memory_space<vmem_shared>>
          tpu.wait_indirect_dma semaphore(%run_scoped3A : memref<!tpu.dma_semaphore, #tpu.memory_space<semaphore_mem>>) src(%arg12 : memref<128x128xf32, #tpu.memory_space<vmem>>) dst(%dma_wait3A_135 : memref<5120x128xf32, #tpu.memory_space<vmem_shared>>)
          tpu.yield
        }) : () -> ()
        %add3A_119 = arith.constant 3 : i32
        %add3A_120 = arith.addi %mul3A_92, %add3A_119 : i32
        %lt3A_121 = arith.cmpi slt, %add3A_120, %select_n3A_24 : i32
        %convert_element_type3A_122 = arith.extui %lt3A_121 : i1 to i32
        %cond3A_123 = arith.constant 0 : i32
        %cond3A_124 = arith.cmpi ne, %convert_element_type3A_122, %cond3A_123 : i32
        scf.if %cond3A_124 {
          %add3A_125 = arith.constant 3 : i32
          %add3A_126 = arith.addi %mul3A_92, %add3A_125 : i32
          %dma_start3A = arith.constant 0 : i32
          %dma_start3A_127 = tpu.memref_slice %arg8[%add3A_126, %dma_start3A] : memref<160x128xi32, #tpu.memory_space<vmem>> -> memref<1x128xi32, #tpu.memory_space<vmem>>
          %dma_start3A_128 = tpu.memref_squeeze %dma_start3A_127 : memref<1x128xi32, #tpu.memory_space<vmem>> -> memref<128xi32, #tpu.memory_space<vmem>>
          %dma_start3A_129 = arith.constant 0 : i32
          %dma_start3A_130 = arith.constant 0 : i32
          %dma_start3A_131 = tpu.memref_slice %arg2[%dma_start3A_129, %dma_start3A_130] : memref<10000x128xf32, #tpu.memory_space<hbm>> -> memref<10000x128xf32, #tpu.memory_space<hbm>>
          tpu.enqueue_indirect_dma source(%dma_start3A_131 : memref<10000x128xf32, #tpu.memory_space<hbm>>) target(%arg12 : memref<128x128xf32, #tpu.memory_space<vmem>>) offsets(%dma_start3A_128 : memref<128xi32, #tpu.memory_space<vmem>>) semaphore(%arg15 : memref<!tpu.dma_semaphore, #tpu.memory_space<semaphore_mem>>)
        } else {
        }
      } else {
      }
    }
    %while3A_84 = arith.constant 1 : i32
    scf.for %while3A_90 = %while3A_82 to %while3A_78 step %while3A_84  : i32 {
      %mul3A_91 = arith.constant 2 : i32
      %mul3A_92 = arith.muli %mul3A_91, %while3A_90 : i32
      %dma_wait3A = arith.constant 0 : i32
      %dma_wait3A_93 = tpu.memref_slice %arg8[%mul3A_92, %dma_wait3A] : memref<160x128xi32, #tpu.memory_space<vmem>> -> memref<1x128xi32, #tpu.memory_space<vmem>>
      %dma_wait3A_94 = tpu.memref_squeeze %dma_wait3A_93 : memref<1x128xi32, #tpu.memory_space<vmem>> -> memref<128xi32, #tpu.memory_space<vmem>>
      %dma_wait3A_95 = arith.constant 0 : i32
      %dma_wait3A_96 = arith.constant 0 : i32
      %dma_wait3A_97 = tpu.memref_slice %arg2[%dma_wait3A_95, %dma_wait3A_96] : memref<10000x128xf32, #tpu.memory_space<hbm>> -> memref<10000x128xf32, #tpu.memory_space<hbm>>
      tpu.wait_indirect_dma semaphore(%arg14 : memref<!tpu.dma_semaphore, #tpu.memory_space<semaphore_mem>>) src(%dma_wait3A_97 : memref<10000x128xf32, #tpu.memory_space<hbm>>) dst(%arg11 : memref<128x128xf32, #tpu.memory_space<vmem>>)
      "tpu.region"() ({
        %run_scoped3A = tpu.sem_alloc : memref<!tpu.dma_semaphore, #tpu.memory_space<semaphore_mem>>
        %dma_start3A = arith.constant 0 : i32
        %dma_start3A_109 = tpu.memref_slice %arg9[%mul3A_92, %dma_start3A] : memref<160x128xi32, #tpu.memory_space<vmem>> -> memref<1x128xi32, #tpu.memory_space<vmem>>
        %dma_start3A_110 = tpu.memref_squeeze %dma_start3A_109 : memref<1x128xi32, #tpu.memory_space<vmem>> -> memref<128xi32, #tpu.memory_space<vmem>>
        %dma_start3A_111 = arith.constant 0 : i32
        %dma_start3A_112 = arith.constant 0 : i32
        %dma_start3A_113 = tpu.memref_slice %arg13[%dma_start3A_111, %dma_start3A_112] : memref<5120x128xf32, #tpu.memory_space<vmem_shared>> -> memref<5120x128xf32, #tpu.memory_space<vmem_shared>>
        tpu.enqueue_indirect_dma source(%arg11 : memref<128x128xf32, #tpu.memory_space<vmem>>) target(%dma_start3A_113 : memref<5120x128xf32, #tpu.memory_space<vmem_shared>>) offsets(%dma_start3A_110 : memref<128xi32, #tpu.memory_space<vmem>>) semaphore(%run_scoped3A : memref<!tpu.dma_semaphore, #tpu.memory_space<semaphore_mem>>) {add = true}
        %dma_wait3A_114 = arith.constant 0 : i32
        %dma_wait3A_115 = tpu.memref_slice %arg9[%mul3A_92, %dma_wait3A_114] : memref<160x128xi32, #tpu.memory_space<vmem>> -> memref<1x128xi32, #tpu.memory_space<vmem>>
        %dma_wait3A_116 = tpu.memref_squeeze %dma_wait3A_115 : memref<1x128xi32, #tpu.memory_space<vmem>> -> memref<128xi32, #tpu.memory_space<vmem>>
        %dma_wait3A_117 = arith.constant 0 : i32
        %dma_wait3A_118 = arith.constant 0 : i32
        %dma_wait3A_119 = tpu.memref_slice %arg13[%dma_wait3A_117, %dma_wait3A_118] : memref<5120x128xf32, #tpu.memory_space<vmem_shared>> -> memref<5120x128xf32, #tpu.memory_space<vmem_shared>>
        tpu.wait_indirect_dma semaphore(%run_scoped3A : memref<!tpu.dma_semaphore, #tpu.memory_space<semaphore_mem>>) src(%arg11 : memref<128x128xf32, #tpu.memory_space<vmem>>) dst(%dma_wait3A_119 : memref<5120x128xf32, #tpu.memory_space<vmem_shared>>)
        tpu.yield
      }) : () -> ()
      %add3A_98 = arith.constant 2 : i32
      %add3A_99 = arith.addi %mul3A_92, %add3A_98 : i32
      %lt3A = arith.cmpi slt, %add3A_99, %select_n3A_24 : i32
      %convert_element_type3A_100 = arith.extui %lt3A : i1 to i32
      %cond3A_101 = arith.constant 0 : i32
      %cond3A_102 = arith.cmpi ne, %convert_element_type3A_100, %cond3A_101 : i32
      scf.if %cond3A_102 {
        %add3A_109 = arith.constant 2 : i32
        %add3A_110 = arith.addi %mul3A_92, %add3A_109 : i32
        %dma_start3A = arith.constant 0 : i32
        %dma_start3A_111 = tpu.memref_slice %arg8[%add3A_110, %dma_start3A] : memref<160x128xi32, #tpu.memory_space<vmem>> -> memref<1x128xi32, #tpu.memory_space<vmem>>
        %dma_start3A_112 = tpu.memref_squeeze %dma_start3A_111 : memref<1x128xi32, #tpu.memory_space<vmem>> -> memref<128xi32, #tpu.memory_space<vmem>>
        %dma_start3A_113 = arith.constant 0 : i32
        %dma_start3A_114 = arith.constant 0 : i32
        %dma_start3A_115 = tpu.memref_slice %arg2[%dma_start3A_113, %dma_start3A_114] : memref<10000x128xf32, #tpu.memory_space<hbm>> -> memref<10000x128xf32, #tpu.memory_space<hbm>>
        tpu.enqueue_indirect_dma source(%dma_start3A_115 : memref<10000x128xf32, #tpu.memory_space<hbm>>) target(%arg11 : memref<128x128xf32, #tpu.memory_space<vmem>>) offsets(%dma_start3A_112 : memref<128xi32, #tpu.memory_space<vmem>>) semaphore(%arg14 : memref<!tpu.dma_semaphore, #tpu.memory_space<semaphore_mem>>)
      } else {
      }
      %add3A_103 = arith.constant 1 : i32
      %add3A_104 = arith.addi %mul3A_92, %add3A_103 : i32
      %lt3A_105 = arith.cmpi slt, %add3A_104, %select_n3A_24 : i32
      %convert_element_type3A_106 = arith.extui %lt3A_105 : i1 to i32
      %cond3A_107 = arith.constant 0 : i32
      %cond3A_108 = arith.cmpi ne, %convert_element_type3A_106, %cond3A_107 : i32
      scf.if %cond3A_108 {
        %add3A_109 = arith.constant 1 : i32
        %add3A_110 = arith.addi %mul3A_92, %add3A_109 : i32
        %dma_wait3A_111 = arith.constant 0 : i32
        %dma_wait3A_112 = tpu.memref_slice %arg8[%add3A_110, %dma_wait3A_111] : memref<160x128xi32, #tpu.memory_space<vmem>> -> memref<1x128xi32, #tpu.memory_space<vmem>>
        %dma_wait3A_113 = tpu.memref_squeeze %dma_wait3A_112 : memref<1x128xi32, #tpu.memory_space<vmem>> -> memref<128xi32, #tpu.memory_space<vmem>>
        %dma_wait3A_114 = arith.constant 0 : i32
        %dma_wait3A_115 = arith.constant 0 : i32
        %dma_wait3A_116 = tpu.memref_slice %arg2[%dma_wait3A_114, %dma_wait3A_115] : memref<10000x128xf32, #tpu.memory_space<hbm>> -> memref<10000x128xf32, #tpu.memory_space<hbm>>
        tpu.wait_indirect_dma semaphore(%arg15 : memref<!tpu.dma_semaphore, #tpu.memory_space<semaphore_mem>>) src(%dma_wait3A_116 : memref<10000x128xf32, #tpu.memory_space<hbm>>) dst(%arg12 : memref<128x128xf32, #tpu.memory_space<vmem>>)
        %add3A_117 = arith.constant 1 : i32
        %add3A_118 = arith.addi %mul3A_92, %add3A_117 : i32
        "tpu.region"() ({
          %run_scoped3A = tpu.sem_alloc : memref<!tpu.dma_semaphore, #tpu.memory_space<semaphore_mem>>
          %dma_start3A = arith.constant 0 : i32
          %dma_start3A_125 = tpu.memref_slice %arg9[%add3A_118, %dma_start3A] : memref<160x128xi32, #tpu.memory_space<vmem>> -> memref<1x128xi32, #tpu.memory_space<vmem>>
          %dma_start3A_126 = tpu.memref_squeeze %dma_start3A_125 : memref<1x128xi32, #tpu.memory_space<vmem>> -> memref<128xi32, #tpu.memory_space<vmem>>
          %dma_start3A_127 = arith.constant 0 : i32
          %dma_start3A_128 = arith.constant 0 : i32
          %dma_start3A_129 = tpu.memref_slice %arg13[%dma_start3A_127, %dma_start3A_128] : memref<5120x128xf32, #tpu.memory_space<vmem_shared>> -> memref<5120x128xf32, #tpu.memory_space<vmem_shared>>
          tpu.enqueue_indirect_dma source(%arg12 : memref<128x128xf32, #tpu.memory_space<vmem>>) target(%dma_start3A_129 : memref<5120x128xf32, #tpu.memory_space<vmem_shared>>) offsets(%dma_start3A_126 : memref<128xi32, #tpu.memory_space<vmem>>) semaphore(%run_scoped3A : memref<!tpu.dma_semaphore, #tpu.memory_space<semaphore_mem>>) {add = true}
          %dma_wait3A_130 = arith.constant 0 : i32
          %dma_wait3A_131 = tpu.memref_slice %arg9[%add3A_118, %dma_wait3A_130] : memref<160x128xi32, #tpu.memory_space<vmem>> -> memref<1x128xi32, #tpu.memory_space<vmem>>
          %dma_wait3A_132 = tpu.memref_squeeze %dma_wait3A_131 : memref<1x128xi32, #tpu.memory_space<vmem>> -> memref<128xi32, #tpu.memory_space<vmem>>
          %dma_wait3A_133 = arith.constant 0 : i32
          %dma_wait3A_134 = arith.constant 0 : i32
          %dma_wait3A_135 = tpu.memref_slice %arg13[%dma_wait3A_133, %dma_wait3A_134] : memref<5120x128xf32, #tpu.memory_space<vmem_shared>> -> memref<5120x128xf32, #tpu.memory_space<vmem_shared>>
          tpu.wait_indirect_dma semaphore(%run_scoped3A : memref<!tpu.dma_semaphore, #tpu.memory_space<semaphore_mem>>) src(%arg12 : memref<128x128xf32, #tpu.memory_space<vmem>>) dst(%dma_wait3A_135 : memref<5120x128xf32, #tpu.memory_space<vmem_shared>>)
          tpu.yield
        }) : () -> ()
        %add3A_119 = arith.constant 3 : i32
        %add3A_120 = arith.addi %mul3A_92, %add3A_119 : i32
        %lt3A_121 = arith.cmpi slt, %add3A_120, %select_n3A_24 : i32
        %convert_element_type3A_122 = arith.extui %lt3A_121 : i1 to i32
        %cond3A_123 = arith.constant 0 : i32
        %cond3A_124 = arith.cmpi ne, %convert_element_type3A_122, %cond3A_123 : i32
        scf.if %cond3A_124 {
          %add3A_125 = arith.constant 3 : i32
          %add3A_126 = arith.addi %mul3A_92, %add3A_125 : i32
          %dma_start3A = arith.constant 0 : i32
          %dma_start3A_127 = tpu.memref_slice %arg8[%add3A_126, %dma_start3A] : memref<160x128xi32, #tpu.memory_space<vmem>> -> memref<1x128xi32, #tpu.memory_space<vmem>>
          %dma_start3A_128 = tpu.memref_squeeze %dma_start3A_127 : memref<1x128xi32, #tpu.memory_space<vmem>> -> memref<128xi32, #tpu.memory_space<vmem>>
          %dma_start3A_129 = arith.constant 0 : i32
          %dma_start3A_130 = arith.constant 0 : i32
          %dma_start3A_131 = tpu.memref_slice %arg2[%dma_start3A_129, %dma_start3A_130] : memref<10000x128xf32, #tpu.memory_space<hbm>> -> memref<10000x128xf32, #tpu.memory_space<hbm>>
          tpu.enqueue_indirect_dma source(%dma_start3A_131 : memref<10000x128xf32, #tpu.memory_space<hbm>>) target(%arg12 : memref<128x128xf32, #tpu.memory_space<vmem>>) offsets(%dma_start3A_128 : memref<128xi32, #tpu.memory_space<vmem>>) semaphore(%arg15 : memref<!tpu.dma_semaphore, #tpu.memory_space<semaphore_mem>>)
        } else {
        }
      } else {
      }
    }
    %barrier3A_85 = arith.constant 0 : index
    tpu.barrier barrier_id(%barrier3A_85)
    %mul3A_86 = arith.constant 320 : i32
    %mul3A_87 = arith.muli %arg1, %mul3A_86 : i32
    %mul3A_88 = arith.constant 320 : i32
    %mul3A_89 = arith.muli %arg1, %mul3A_88 : i32
    "tpu.region"() ({
      %run_scoped3A = tpu.sem_alloc : memref<!tpu.dma_semaphore, #tpu.memory_space<semaphore_mem>>
      %dma_start3A = arith.constant 0 : i32
      %dma_start3A_90 = tpu.memref_slice %arg7[%add3A_28, %mul3A_89, %dma_start3A] : memref<2x5120x128xf32, #tpu.memory_space<hbm>> -> memref<1x320x128xf32, #tpu.memory_space<hbm>>
      %dma_start3A_91 = tpu.memref_squeeze %dma_start3A_90 : memref<1x320x128xf32, #tpu.memory_space<hbm>> -> memref<320x128xf32, #tpu.memory_space<hbm>>
      %dma_start3A_92 = arith.constant 0 : i32
      %dma_start3A_93 = tpu.memref_slice %arg13[%mul3A_87, %dma_start3A_92] : memref<5120x128xf32, #tpu.memory_space<vmem_shared>> -> memref<320x128xf32, #tpu.memory_space<vmem_shared>>
      tpu.enqueue_dma source(%dma_start3A_93 : memref<320x128xf32, #tpu.memory_space<vmem_shared>>) target(%dma_start3A_91 : memref<320x128xf32, #tpu.memory_space<hbm>>) target_semaphore(%run_scoped3A : memref<!tpu.dma_semaphore, #tpu.memory_space<semaphore_mem>>)
      %dma_wait3A = arith.constant 0 : i32
      %dma_wait3A_94 = tpu.memref_slice %arg7[%add3A_28, %mul3A_89, %dma_wait3A] : memref<2x5120x128xf32, #tpu.memory_space<hbm>> -> memref<1x320x128xf32, #tpu.memory_space<hbm>>
      %dma_wait3A_95 = tpu.memref_squeeze %dma_wait3A_94 : memref<1x320x128xf32, #tpu.memory_space<hbm>> -> memref<320x128xf32, #tpu.memory_space<hbm>>
      %dma_wait3A_96 = arith.constant 0 : i32
      %dma_wait3A_97 = tpu.memref_slice %arg13[%mul3A_87, %dma_wait3A_96] : memref<5120x128xf32, #tpu.memory_space<vmem_shared>> -> memref<320x128xf32, #tpu.memory_space<vmem_shared>>
      tpu.wait_dma2 semaphore(%run_scoped3A : memref<!tpu.dma_semaphore, #tpu.memory_space<semaphore_mem>>) src(%dma_wait3A_97 : memref<320x128xf32, #tpu.memory_space<vmem_shared>>) dst(%dma_wait3A_95 : memref<320x128xf32, #tpu.memory_space<hbm>>)
      tpu.yield
    }) : () -> ()
    return
  }
}

module attributes {stable_mosaic.version = 14 : i64} {
  func.func @body(%arg0: i32, %arg1: memref<1x1000x128xf32, #tpu.memory_space<vmem>>, %arg2: memref<1000x128xf32, #tpu.memory_space<vmem>>, %arg3: memref<128x256xf32, #tpu.memory_space<vmem>>, %arg4: memref<128x256xf32, #tpu.memory_space<vmem>>, %arg5: memref<1x256xf32, #tpu.memory_space<vmem>>, %arg6: memref<1000x128xf32, #tpu.memory_space<vmem>>, %arg7: memref<1000x128xf32, #tpu.memory_space<vmem>>) attributes {dimension_semantics = [#tpu.dimension_semantics<arbitrary>], iteration_bounds = array<i64: 10>, scalar_prefetch = 0 : i64, scratch_operands = 0 : i64, tpu.core_type = #tpu.core_type<tc>, window_params = [{transform_indices = @transform_0, window_bounds = array<i64: 1, 1000, 128>}, {transform_indices = @transform_1, window_bounds = array<i64: 1000, 128>}, {pipeline_mode = #tpu.pipeline_mode<synchronous>, transform_indices = @transform_2, window_bounds = array<i64: 128, 256>}, {pipeline_mode = #tpu.pipeline_mode<synchronous>, transform_indices = @transform_3, window_bounds = array<i64: 128, 256>}, {pipeline_mode = #tpu.pipeline_mode<synchronous>, transform_indices = @transform_4, window_bounds = array<i64: 1, 256>}, {transform_indices = @transform_5, window_bounds = array<i64: 1000, 128>}, {transform_indices = @transform_6, window_bounds = array<i64: 1000, 128>}]} {
    %get3A = arith.constant 0 : index
    %get3A_0 = arith.constant 0 : index
    %get3A_1 = arith.constant 0 : index
    %get3A_2 = vector.load %arg1[%get3A, %get3A_0, %get3A_1] : memref<1x1000x128xf32, #tpu.memory_space<vmem>>, vector<1x1000x128xf32>
    %get3A_3 = vector.shape_cast %get3A_2 : vector<1x1000x128xf32> to vector<1000x128xf32>
    %get3A_4 = arith.constant 0 : index
    %get3A_5 = arith.constant 0 : index
    %get3A_6 = vector.load %arg3[%get3A_4, %get3A_5] : memref<128x256xf32, #tpu.memory_space<vmem>>, vector<128x256xf32>
    %dot_general3A = arith.constant dense<0.000000e+00> : vector<1000x256xf32>
    %dot_general3A_7 = tpu.matmul %get3A_3, %get3A_6, %dot_general3A {dimension_numbers = #tpu.dot_dimension_numbers<[1], [0], [0], [1], [0, 0, 1, 1], [], []>, transpose_lhs_hint = false} : vector<1000x128xf32>, vector<128x256xf32>, vector<1000x256xf32> -> vector<1000x256xf32>
    %get3A_8 = arith.constant 0 : index
    %get3A_9 = arith.constant 0 : index
    %get3A_10 = vector.load %arg2[%get3A_8, %get3A_9] : memref<1000x128xf32, #tpu.memory_space<vmem>>, vector<1000x128xf32>
    %get3A_11 = arith.constant 0 : index
    %get3A_12 = arith.constant 0 : index
    %get3A_13 = vector.load %arg4[%get3A_11, %get3A_12] : memref<128x256xf32, #tpu.memory_space<vmem>>, vector<128x256xf32>
    %dot_general3A_14 = arith.constant dense<0.000000e+00> : vector<1000x256xf32>
    %dot_general3A_15 = tpu.matmul %get3A_10, %get3A_13, %dot_general3A_14 {dimension_numbers = #tpu.dot_dimension_numbers<[1], [0], [0], [1], [0, 0, 1, 1], [], []>, transpose_lhs_hint = false} : vector<1000x128xf32>, vector<128x256xf32>, vector<1000x256xf32> -> vector<1000x256xf32>
    %add3A = arith.addf %dot_general3A_7, %dot_general3A_15 : vector<1000x256xf32>
    %get3A_16 = arith.constant 0 : index
    %get3A_17 = arith.constant 0 : index
    %get3A_18 = vector.load %arg5[%get3A_16, %get3A_17] : memref<1x256xf32, #tpu.memory_space<vmem>>, vector<1x256xf32>
    %add3A_19 = vector.broadcast %get3A_18 : vector<1x256xf32> to vector<1000x256xf32>
    %add3A_20 = arith.addf %add3A, %add3A_19 : vector<1000x256xf32>
    %max3A = arith.constant 0.000000e+00 : f32
    %max3A_21 = vector.broadcast %max3A : f32 to vector<1000x256xf32>
    %max3A_22 = arith.maximumf %add3A_20, %max3A_21 : vector<1000x256xf32>
    %slice3A = vector.extract_strided_slice %max3A_22 {offsets = [0, 0], sizes = [1000, 128], strides = [1, 1]} : vector<1000x256xf32> to vector<1000x128xf32>
    %swap3A = arith.constant 0 : index
    %swap3A_23 = arith.constant 0 : index
    %swap3A_24 = vector.load %arg6[%swap3A, %swap3A_23] : memref<1000x128xf32, #tpu.memory_space<vmem>>, vector<1000x128xf32>
    tpu.vector_store %arg6[%swap3A, %swap3A_23], %slice3A {strides = array<i32>} : memref<1000x128xf32, #tpu.memory_space<vmem>>, vector<1000x128xf32>,
    %slice3A_25 = vector.extract_strided_slice %max3A_22 {offsets = [0, 128], sizes = [1000, 128], strides = [1, 1]} : vector<1000x256xf32> to vector<1000x128xf32>
    %swap3A_26 = arith.constant 0 : index
    %swap3A_27 = arith.constant 0 : index
    %swap3A_28 = vector.load %arg7[%swap3A_26, %swap3A_27] : memref<1000x128xf32, #tpu.memory_space<vmem>>, vector<1000x128xf32>
    tpu.vector_store %arg7[%swap3A_26, %swap3A_27], %slice3A_25 {strides = array<i32>} : memref<1000x128xf32, #tpu.memory_space<vmem>>, vector<1000x128xf32>,
    return
  }
  func.func @transform_0(%arg0: i32) -> (i32, i32, i32) {
    %jit3A = arith.constant 5 : i32
    %div3A = arith.divsi %arg0, %jit3A : i32
    %sign3A = arith.constant 0 : i32
    %sign3A_0 = arith.cmpi sgt, %arg0, %sign3A : i32
    %sign3A_1 = arith.extui %sign3A_0 : i1 to i32
    %sign3A_2 = arith.constant 0 : i32
    %sign3A_3 = arith.cmpi slt, %arg0, %sign3A_2 : i32
    %sign3A_4 = arith.extui %sign3A_3 : i1 to i32
    %sign3A_5 = arith.subi %sign3A_1, %sign3A_4 : i32
    %sign3A_6 = arith.constant 0 : i32
    %sign3A_7 = arith.cmpi sgt, %jit3A, %sign3A_6 : i32
    %sign3A_8 = arith.extui %sign3A_7 : i1 to i32
    %sign3A_9 = arith.constant 0 : i32
    %sign3A_10 = arith.cmpi slt, %jit3A, %sign3A_9 : i32
    %sign3A_11 = arith.extui %sign3A_10 : i1 to i32
    %sign3A_12 = arith.subi %sign3A_8, %sign3A_11 : i32
    %ne3A = arith.cmpi ne, %sign3A_5, %sign3A_12 : i32
    %rem3A = arith.remsi %arg0, %jit3A : i32
    %ne3A_13 = arith.constant 0 : i32
    %ne3A_14 = arith.cmpi ne, %rem3A, %ne3A_13 : i32
    %and3A = arith.andi %ne3A, %ne3A_14 : i1
    %sub3A = arith.constant 1 : i32
    %sub3A_15 = arith.subi %div3A, %sub3A : i32
    %select_n3A = arith.select %and3A, %sub3A_15, %div3A : i32
    %jit3A_16 = arith.constant 5 : i32
    %eq3A = arith.constant 0 : i32
    %eq3A_17 = arith.cmpi eq, %jit3A_16, %eq3A : i32
    %jit3A_18 = arith.constant 1 : i32
    %select_n3A_19 = arith.select %eq3A_17, %jit3A_18, %jit3A_16 : i32
    %rem3A_20 = arith.remsi %arg0, %select_n3A_19 : i32
    %ne3A_21 = arith.constant 0 : i32
    %ne3A_22 = arith.cmpi ne, %rem3A_20, %ne3A_21 : i32
    %lt3A = arith.constant 0 : i32
    %lt3A_23 = arith.cmpi slt, %rem3A_20, %lt3A : i32
    %lt3A_24 = arith.constant 0 : i32
    %lt3A_25 = arith.cmpi slt, %select_n3A_19, %lt3A_24 : i32
    %ne3A_26 = arith.xori %lt3A_23, %lt3A_25 : i1
    %and3A_27 = arith.andi %ne3A_26, %ne3A_22 : i1
    %add3A = arith.addi %rem3A_20, %select_n3A_19 : i32
    %select_n3A_28 = arith.select %and3A_27, %add3A, %rem3A_20 : i32
    %c0_i32 = arith.constant 0 : i32
    %c0_i32_29 = arith.constant 0 : i32
    return %select_n3A, %select_n3A_28, %c0_i32 : i32, i32, i32
  }
  func.func @transform_1(%arg0: i32) -> (i32, i32) {
    %c0_i32 = arith.constant 0 : i32
    %c0_i32_0 = arith.constant 0 : i32
    return %arg0, %c0_i32 : i32, i32
  }
  func.func @transform_2(%arg0: i32) -> (i32, i32) {
    %c0_i32 = arith.constant 0 : i32
    %c0_i32_0 = arith.constant 0 : i32
    %c0_i32_1 = arith.constant 0 : i32
    return %c0_i32, %c0_i32_0 : i32, i32
  }
  func.func @transform_3(%arg0: i32) -> (i32, i32) {
    %c0_i32 = arith.constant 0 : i32
    %c0_i32_0 = arith.constant 0 : i32
    %c0_i32_1 = arith.constant 0 : i32
    return %c0_i32, %c0_i32_0 : i32, i32
  }
  func.func @transform_4(%arg0: i32) -> (i32, i32) {
    %c0_i32 = arith.constant 0 : i32
    %c0_i32_0 = arith.constant 0 : i32
    %c0_i32_1 = arith.constant 0 : i32
    return %c0_i32, %c0_i32_0 : i32, i32
  }
  func.func @transform_5(%arg0: i32) -> (i32, i32) {
    %c0_i32 = arith.constant 0 : i32
    %c0_i32_0 = arith.constant 0 : i32
    return %arg0, %c0_i32 : i32, i32
  }
  func.func @transform_6(%arg0: i32) -> (i32, i32) {
    %c0_i32 = arith.constant 0 : i32
    %c0_i32_0 = arith.constant 0 : i32
    return %arg0, %c0_i32 : i32, i32
  }
}

module attributes {stable_mosaic.version = 14 : i64} {
  func.func @body(%arg0: i32, %arg1: memref<1x1000x128xf32, #tpu.memory_space<vmem>>, %arg2: memref<1x1000x128xf32, #tpu.memory_space<vmem>>, %arg3: memref<1000x128xf32, #tpu.memory_space<vmem>>, %arg4: memref<1000x128xf32, #tpu.memory_space<vmem>>, %arg5: memref<128x256xf32, #tpu.memory_space<vmem>>, %arg6: memref<128x256xf32, #tpu.memory_space<vmem>>, %arg7: memref<128x256xf32, #tpu.memory_space<vmem>>, %arg8: memref<128x256xf32, #tpu.memory_space<vmem>>, %arg9: memref<1x256xf32, #tpu.memory_space<vmem>>, %arg10: memref<1x1x1000xi32, #tpu.memory_space<vmem>>, %arg11: memref<64x256xf32, #tpu.memory_space<vmem>>, %arg12: memref<64x128xf32, #tpu.memory_space<vmem>>) attributes {dimension_semantics = [#tpu.dimension_semantics<arbitrary>], iteration_bounds = array<i64: 10>, scalar_prefetch = 0 : i64, scratch_operands = 0 : i64, tpu.core_type = #tpu.core_type<tc>, window_params = [{transform_indices = @transform_0, window_bounds = array<i64: 1, 1000, 128>}, {transform_indices = @transform_1, window_bounds = array<i64: 1, 1000, 128>}, {transform_indices = @transform_2, window_bounds = array<i64: 1000, 128>}, {transform_indices = @transform_3, window_bounds = array<i64: 1000, 128>}, {transform_indices = @transform_4, window_bounds = array<i64: 128, 256>}, {transform_indices = @transform_5, window_bounds = array<i64: 128, 256>}, {transform_indices = @transform_6, window_bounds = array<i64: 128, 256>}, {transform_indices = @transform_7, window_bounds = array<i64: 128, 256>}, {pipeline_mode = #tpu.pipeline_mode<synchronous>, transform_indices = @transform_8, window_bounds = array<i64: 1, 256>}, {transform_indices = @transform_9, window_bounds = array<i64: 1, 1, 1000>}, {pipeline_mode = #tpu.pipeline_mode<synchronous>, transform_indices = @transform_10, window_bounds = array<i64: 64, 256>}, {pipeline_mode = #tpu.pipeline_mode<synchronous>, transform_indices = @transform_11, window_bounds = array<i64: 64, 128>}]} {
    %get3A = arith.constant 0 : index
    %get3A_0 = arith.constant 0 : index
    %get3A_1 = arith.constant 0 : index
    %get3A_2 = vector.load %arg1[%get3A, %get3A_0, %get3A_1] : memref<1x1000x128xf32, #tpu.memory_space<vmem>>, vector<1x1000x128xf32>
    %get3A_3 = vector.shape_cast %get3A_2 : vector<1x1000x128xf32> to vector<1000x128xf32>
    %get3A_4 = arith.constant 0 : index
    %get3A_5 = arith.constant 0 : index
    %get3A_6 = vector.load %arg5[%get3A_4, %get3A_5] : memref<128x256xf32, #tpu.memory_space<vmem>>, vector<128x256xf32>
    %dot_general3A = arith.constant dense<0.000000e+00> : vector<1000x256xf32>
    %dot_general3A_7 = tpu.matmul %get3A_3, %get3A_6, %dot_general3A {dimension_numbers = #tpu.dot_dimension_numbers<[1], [0], [0], [1], [0, 0, 1, 1], [], []>, transpose_lhs_hint = false} : vector<1000x128xf32>, vector<128x256xf32>, vector<1000x256xf32> -> vector<1000x256xf32>
    %get3A_8 = arith.constant 0 : index
    %get3A_9 = arith.constant 0 : index
    %get3A_10 = arith.constant 0 : index
    %get3A_11 = vector.load %arg2[%get3A_8, %get3A_9, %get3A_10] : memref<1x1000x128xf32, #tpu.memory_space<vmem>>, vector<1x1000x128xf32>
    %get3A_12 = vector.shape_cast %get3A_11 : vector<1x1000x128xf32> to vector<1000x128xf32>
    %get3A_13 = arith.constant 0 : index
    %get3A_14 = arith.constant 0 : index
    %get3A_15 = vector.load %arg6[%get3A_13, %get3A_14] : memref<128x256xf32, #tpu.memory_space<vmem>>, vector<128x256xf32>
    %dot_general3A_16 = arith.constant dense<0.000000e+00> : vector<1000x256xf32>
    %dot_general3A_17 = tpu.matmul %get3A_12, %get3A_15, %dot_general3A_16 {dimension_numbers = #tpu.dot_dimension_numbers<[1], [0], [0], [1], [0, 0, 1, 1], [], []>, transpose_lhs_hint = false} : vector<1000x128xf32>, vector<128x256xf32>, vector<1000x256xf32> -> vector<1000x256xf32>
    %add3A = arith.addf %dot_general3A_7, %dot_general3A_17 : vector<1000x256xf32>
    %get3A_18 = arith.constant 0 : index
    %get3A_19 = arith.constant 0 : index
    %get3A_20 = vector.load %arg3[%get3A_18, %get3A_19] : memref<1000x128xf32, #tpu.memory_space<vmem>>, vector<1000x128xf32>
    %get3A_21 = arith.constant 0 : index
    %get3A_22 = arith.constant 0 : index
    %get3A_23 = vector.load %arg7[%get3A_21, %get3A_22] : memref<128x256xf32, #tpu.memory_space<vmem>>, vector<128x256xf32>
    %dot_general3A_24 = arith.constant dense<0.000000e+00> : vector<1000x256xf32>
    %dot_general3A_25 = tpu.matmul %get3A_20, %get3A_23, %dot_general3A_24 {dimension_numbers = #tpu.dot_dimension_numbers<[1], [0], [0], [1], [0, 0, 1, 1], [], []>, transpose_lhs_hint = false} : vector<1000x128xf32>, vector<128x256xf32>, vector<1000x256xf32> -> vector<1000x256xf32>
    %add3A_26 = arith.addf %add3A, %dot_general3A_25 : vector<1000x256xf32>
    %get3A_27 = arith.constant 0 : index
    %get3A_28 = arith.constant 0 : index
    %get3A_29 = vector.load %arg4[%get3A_27, %get3A_28] : memref<1000x128xf32, #tpu.memory_space<vmem>>, vector<1000x128xf32>
    %get3A_30 = arith.constant 0 : index
    %get3A_31 = arith.constant 0 : index
    %get3A_32 = vector.load %arg8[%get3A_30, %get3A_31] : memref<128x256xf32, #tpu.memory_space<vmem>>, vector<128x256xf32>
    %dot_general3A_33 = arith.constant dense<0.000000e+00> : vector<1000x256xf32>
    %dot_general3A_34 = tpu.matmul %get3A_29, %get3A_32, %dot_general3A_33 {dimension_numbers = #tpu.dot_dimension_numbers<[1], [0], [0], [1], [0, 0, 1, 1], [], []>, transpose_lhs_hint = false} : vector<1000x128xf32>, vector<128x256xf32>, vector<1000x256xf32> -> vector<1000x256xf32>
    %add3A_35 = arith.addf %add3A_26, %dot_general3A_34 : vector<1000x256xf32>
    %get3A_36 = arith.constant 0 : index
    %get3A_37 = arith.constant 0 : index
    %get3A_38 = vector.load %arg9[%get3A_36, %get3A_37] : memref<1x256xf32, #tpu.memory_space<vmem>>, vector<1x256xf32>
    %add3A_39 = vector.broadcast %get3A_38 : vector<1x256xf32> to vector<1000x256xf32>
    %add3A_40 = arith.addf %add3A_35, %add3A_39 : vector<1000x256xf32>
    %max3A = arith.constant 0.000000e+00 : f32
    %max3A_41 = vector.broadcast %max3A : f32 to vector<1000x256xf32>
    %max3A_42 = arith.maximumf %add3A_40, %max3A_41 : vector<1000x256xf32>
    %get3A_43 = arith.constant 0 : index
    %get3A_44 = arith.constant 0 : index
    %get3A_45 = arith.constant 0 : index
    %get3A_46 = vector.load %arg10[%get3A_43, %get3A_44, %get3A_45] : memref<1x1x1000xi32, #tpu.memory_space<vmem>>, vector<1x1x1000xi32>
    %get3A_47 = vector.shape_cast %get3A_46 : vector<1x1x1000xi32> to vector<1000xi32>
    %iota3A = tpu.iota {dimensions = array<i32: 0>} : vector<64x1000xi32>
    %broadcast_in_dim3A = vector.shape_cast %get3A_47 : vector<1000xi32> to vector<1x1000xi32>
    %eq3A = vector.broadcast %broadcast_in_dim3A : vector<1x1000xi32> to vector<64x1000xi32>
    %eq3A_48 = arith.cmpi eq, %iota3A, %eq3A : vector<64x1000xi32>
    %convert_element_type3A = arith.extui %eq3A_48 : vector<64x1000xi1> to vector<64x1000xi32>
    %convert_element_type3A_49 = arith.sitofp %convert_element_type3A : vector<64x1000xi32> to vector<64x1000xf32>
    %dot_general3A_50 = arith.constant dense<0.000000e+00> : vector<64x256xf32>
    %dot_general3A_51 = tpu.matmul %convert_element_type3A_49, %max3A_42, %dot_general3A_50 {dimension_numbers = #tpu.dot_dimension_numbers<[1], [0], [0], [1], [0, 0, 1, 1], [], []>, transpose_lhs_hint = false} : vector<64x1000xf32>, vector<1000x256xf32>, vector<64x256xf32> -> vector<64x256xf32>
    %reduce_sum3A = arith.constant dense<0.000000e+00> : vector<64xf32>
    %reduce_sum3A_52 = vector.multi_reduction <add>, %convert_element_type3A_49, %reduce_sum3A [1] : vector<64x1000xf32> to vector<64xf32>
    %broadcast_in_dim3A_53 = vector.shape_cast %reduce_sum3A_52 : vector<64xf32> to vector<64x1xf32>
    %eq3A_54 = arith.constant 0 : i32
    %eq3A_55 = arith.cmpi eq, %arg0, %eq3A_54 : i32
    %convert_element_type3A_56 = arith.extui %eq3A_55 : i1 to i32
    %cond3A = arith.constant 0 : i32
    %cond3A_57 = arith.cmpi ne, %convert_element_type3A_56, %cond3A : i32
    scf.if %cond3A_57 {
      %broadcast_in_dim3A_73 = arith.constant 0.000000e+00 : f32
      %broadcast_in_dim3A_74 = vector.broadcast %broadcast_in_dim3A_73 : f32 to vector<64x256xf32>
      %swap3A_75 = arith.constant 0 : index
      %swap3A_76 = arith.constant 0 : index
      %swap3A_77 = vector.load %arg11[%swap3A_75, %swap3A_76] : memref<64x256xf32, #tpu.memory_space<vmem>>, vector<64x256xf32>
      tpu.vector_store %arg11[%swap3A_75, %swap3A_76], %broadcast_in_dim3A_74 {strides = array<i32>} : memref<64x256xf32, #tpu.memory_space<vmem>>, vector<64x256xf32>,
      %broadcast_in_dim3A_78 = arith.constant 0.000000e+00 : f32
      %broadcast_in_dim3A_79 = vector.broadcast %broadcast_in_dim3A_78 : f32 to vector<64x128xf32>
      %swap3A_80 = arith.constant 0 : index
      %swap3A_81 = arith.constant 0 : index
      %swap3A_82 = vector.load %arg12[%swap3A_80, %swap3A_81] : memref<64x128xf32, #tpu.memory_space<vmem>>, vector<64x128xf32>
      tpu.vector_store %arg12[%swap3A_80, %swap3A_81], %broadcast_in_dim3A_79 {strides = array<i32>} : memref<64x128xf32, #tpu.memory_space<vmem>>, vector<64x128xf32>,
    } else {
    }
    %get3A_58 = arith.constant 0 : index
    %get3A_59 = arith.constant 0 : index
    %get3A_60 = vector.load %arg11[%get3A_58, %get3A_59] : memref<64x256xf32, #tpu.memory_space<vmem>>, vector<64x256xf32>
    %add3A_61 = arith.addf %get3A_60, %dot_general3A_51 : vector<64x256xf32>
    %swap3A = arith.constant 0 : index
    %swap3A_62 = arith.constant 0 : index
    %swap3A_63 = vector.load %arg11[%swap3A, %swap3A_62] : memref<64x256xf32, #tpu.memory_space<vmem>>, vector<64x256xf32>
    tpu.vector_store %arg11[%swap3A, %swap3A_62], %add3A_61 {strides = array<i32>} : memref<64x256xf32, #tpu.memory_space<vmem>>, vector<64x256xf32>,
    %get3A_64 = arith.constant 0 : index
    %get3A_65 = arith.constant 0 : index
    %get3A_66 = vector.load %arg12[%get3A_64, %get3A_65] : memref<64x128xf32, #tpu.memory_space<vmem>>, vector<64x128xf32>
    %broadcast_in_dim3A_67 = vector.shape_cast %broadcast_in_dim3A_53 : vector<64x1xf32> to vector<64x1xf32>
    %broadcast_in_dim3A_68 = vector.broadcast %broadcast_in_dim3A_67 : vector<64x1xf32> to vector<64x128xf32>
    %add3A_69 = arith.addf %get3A_66, %broadcast_in_dim3A_68 : vector<64x128xf32>
    %swap3A_70 = arith.constant 0 : index
    %swap3A_71 = arith.constant 0 : index
    %swap3A_72 = vector.load %arg12[%swap3A_70, %swap3A_71] : memref<64x128xf32, #tpu.memory_space<vmem>>, vector<64x128xf32>
    tpu.vector_store %arg12[%swap3A_70, %swap3A_71], %add3A_69 {strides = array<i32>} : memref<64x128xf32, #tpu.memory_space<vmem>>, vector<64x128xf32>,
    return
  }
  func.func @transform_0(%arg0: i32) -> (i32, i32, i32) {
    %jit3A = arith.constant 5 : i32
    %div3A = arith.divsi %arg0, %jit3A : i32
    %sign3A = arith.constant 0 : i32
    %sign3A_0 = arith.cmpi sgt, %arg0, %sign3A : i32
    %sign3A_1 = arith.extui %sign3A_0 : i1 to i32
    %sign3A_2 = arith.constant 0 : i32
    %sign3A_3 = arith.cmpi slt, %arg0, %sign3A_2 : i32
    %sign3A_4 = arith.extui %sign3A_3 : i1 to i32
    %sign3A_5 = arith.subi %sign3A_1, %sign3A_4 : i32
    %sign3A_6 = arith.constant 0 : i32
    %sign3A_7 = arith.cmpi sgt, %jit3A, %sign3A_6 : i32
    %sign3A_8 = arith.extui %sign3A_7 : i1 to i32
    %sign3A_9 = arith.constant 0 : i32
    %sign3A_10 = arith.cmpi slt, %jit3A, %sign3A_9 : i32
    %sign3A_11 = arith.extui %sign3A_10 : i1 to i32
    %sign3A_12 = arith.subi %sign3A_8, %sign3A_11 : i32
    %ne3A = arith.cmpi ne, %sign3A_5, %sign3A_12 : i32
    %rem3A = arith.remsi %arg0, %jit3A : i32
    %ne3A_13 = arith.constant 0 : i32
    %ne3A_14 = arith.cmpi ne, %rem3A, %ne3A_13 : i32
    %and3A = arith.andi %ne3A, %ne3A_14 : i1
    %sub3A = arith.constant 1 : i32
    %sub3A_15 = arith.subi %div3A, %sub3A : i32
    %select_n3A = arith.select %and3A, %sub3A_15, %div3A : i32
    %mul3A = arith.constant 2 : i32
    %mul3A_16 = arith.muli %mul3A, %select_n3A : i32
    %jit3A_17 = arith.constant 5 : i32
    %eq3A = arith.constant 0 : i32
    %eq3A_18 = arith.cmpi eq, %jit3A_17, %eq3A : i32
    %jit3A_19 = arith.constant 1 : i32
    %select_n3A_20 = arith.select %eq3A_18, %jit3A_19, %jit3A_17 : i32
    %rem3A_21 = arith.remsi %arg0, %select_n3A_20 : i32
    %ne3A_22 = arith.constant 0 : i32
    %ne3A_23 = arith.cmpi ne, %rem3A_21, %ne3A_22 : i32
    %lt3A = arith.constant 0 : i32
    %lt3A_24 = arith.cmpi slt, %rem3A_21, %lt3A : i32
    %lt3A_25 = arith.constant 0 : i32
    %lt3A_26 = arith.cmpi slt, %select_n3A_20, %lt3A_25 : i32
    %ne3A_27 = arith.xori %lt3A_24, %lt3A_26 : i1
    %and3A_28 = arith.andi %ne3A_27, %ne3A_23 : i1
    %add3A = arith.addi %rem3A_21, %select_n3A_20 : i32
    %select_n3A_29 = arith.select %and3A_28, %add3A, %rem3A_21 : i32
    %c0_i32 = arith.constant 0 : i32
    %c0_i32_30 = arith.constant 0 : i32
    return %mul3A_16, %select_n3A_29, %c0_i32 : i32, i32, i32
  }
  func.func @transform_1(%arg0: i32) -> (i32, i32, i32) {
    %jit3A = arith.constant 5 : i32
    %div3A = arith.divsi %arg0, %jit3A : i32
    %sign3A = arith.constant 0 : i32
    %sign3A_0 = arith.cmpi sgt, %arg0, %sign3A : i32
    %sign3A_1 = arith.extui %sign3A_0 : i1 to i32
    %sign3A_2 = arith.constant 0 : i32
    %sign3A_3 = arith.cmpi slt, %arg0, %sign3A_2 : i32
    %sign3A_4 = arith.extui %sign3A_3 : i1 to i32
    %sign3A_5 = arith.subi %sign3A_1, %sign3A_4 : i32
    %sign3A_6 = arith.constant 0 : i32
    %sign3A_7 = arith.cmpi sgt, %jit3A, %sign3A_6 : i32
    %sign3A_8 = arith.extui %sign3A_7 : i1 to i32
    %sign3A_9 = arith.constant 0 : i32
    %sign3A_10 = arith.cmpi slt, %jit3A, %sign3A_9 : i32
    %sign3A_11 = arith.extui %sign3A_10 : i1 to i32
    %sign3A_12 = arith.subi %sign3A_8, %sign3A_11 : i32
    %ne3A = arith.cmpi ne, %sign3A_5, %sign3A_12 : i32
    %rem3A = arith.remsi %arg0, %jit3A : i32
    %ne3A_13 = arith.constant 0 : i32
    %ne3A_14 = arith.cmpi ne, %rem3A, %ne3A_13 : i32
    %and3A = arith.andi %ne3A, %ne3A_14 : i1
    %sub3A = arith.constant 1 : i32
    %sub3A_15 = arith.subi %div3A, %sub3A : i32
    %select_n3A = arith.select %and3A, %sub3A_15, %div3A : i32
    %mul3A = arith.constant 2 : i32
    %mul3A_16 = arith.muli %mul3A, %select_n3A : i32
    %add3A = arith.constant 1 : i32
    %add3A_17 = arith.addi %mul3A_16, %add3A : i32
    %jit3A_18 = arith.constant 5 : i32
    %eq3A = arith.constant 0 : i32
    %eq3A_19 = arith.cmpi eq, %jit3A_18, %eq3A : i32
    %jit3A_20 = arith.constant 1 : i32
    %select_n3A_21 = arith.select %eq3A_19, %jit3A_20, %jit3A_18 : i32
    %rem3A_22 = arith.remsi %arg0, %select_n3A_21 : i32
    %ne3A_23 = arith.constant 0 : i32
    %ne3A_24 = arith.cmpi ne, %rem3A_22, %ne3A_23 : i32
    %lt3A = arith.constant 0 : i32
    %lt3A_25 = arith.cmpi slt, %rem3A_22, %lt3A : i32
    %lt3A_26 = arith.constant 0 : i32
    %lt3A_27 = arith.cmpi slt, %select_n3A_21, %lt3A_26 : i32
    %ne3A_28 = arith.xori %lt3A_25, %lt3A_27 : i1
    %and3A_29 = arith.andi %ne3A_28, %ne3A_24 : i1
    %add3A_30 = arith.addi %rem3A_22, %select_n3A_21 : i32
    %select_n3A_31 = arith.select %and3A_29, %add3A_30, %rem3A_22 : i32
    %c0_i32 = arith.constant 0 : i32
    %c0_i32_32 = arith.constant 0 : i32
    return %add3A_17, %select_n3A_31, %c0_i32 : i32, i32, i32
  }
  func.func @transform_2(%arg0: i32) -> (i32, i32) {
    %c0_i32 = arith.constant 0 : i32
    %c0_i32_0 = arith.constant 0 : i32
    return %arg0, %c0_i32 : i32, i32
  }
  func.func @transform_3(%arg0: i32) -> (i32, i32) {
    %c0_i32 = arith.constant 0 : i32
    %c0_i32_0 = arith.constant 0 : i32
    return %arg0, %c0_i32 : i32, i32
  }
  func.func @transform_4(%arg0: i32) -> (i32, i32) {
    %c0_i32 = arith.constant 0 : i32
    %c0_i32_0 = arith.constant 0 : i32
    %c0_i32_1 = arith.constant 0 : i32
    return %c0_i32, %c0_i32_0 : i32, i32
  }
  func.func @transform_5(%arg0: i32) -> (i32, i32) {
    %c1_i32 = arith.constant 1 : i32
    %c0_i32 = arith.constant 0 : i32
    %c0_i32_0 = arith.constant 0 : i32
    return %c1_i32, %c0_i32 : i32, i32
  }
  func.func @transform_6(%arg0: i32) -> (i32, i32) {
    %c0_i32 = arith.constant 0 : i32
    %c0_i32_0 = arith.constant 0 : i32
    %c0_i32_1 = arith.constant 0 : i32
    return %c0_i32, %c0_i32_0 : i32, i32
  }
  func.func @transform_7(%arg0: i32) -> (i32, i32) {
    %c1_i32 = arith.constant 1 : i32
    %c0_i32 = arith.constant 0 : i32
    %c0_i32_0 = arith.constant 0 : i32
    return %c1_i32, %c0_i32 : i32, i32
  }
  func.func @transform_8(%arg0: i32) -> (i32, i32) {
    %c0_i32 = arith.constant 0 : i32
    %c0_i32_0 = arith.constant 0 : i32
    %c0_i32_1 = arith.constant 0 : i32
    return %c0_i32, %c0_i32_0 : i32, i32
  }
  func.func @transform_9(%arg0: i32) -> (i32, i32, i32) {
    %c0_i32 = arith.constant 0 : i32
    %c0_i32_0 = arith.constant 0 : i32
    %c0_i32_1 = arith.constant 0 : i32
    return %arg0, %c0_i32, %c0_i32_0 : i32, i32, i32
  }
  func.func @transform_10(%arg0: i32) -> (i32, i32) {
    %c0_i32 = arith.constant 0 : i32
    %c0_i32_0 = arith.constant 0 : i32
    %c0_i32_1 = arith.constant 0 : i32
    return %c0_i32, %c0_i32_0 : i32, i32
  }
  func.func @transform_11(%arg0: i32) -> (i32, i32) {
    %c0_i32 = arith.constant 0 : i32
    %c0_i32_0 = arith.constant 0 : i32
    %c0_i32_1 = arith.constant 0 : i32
    return %c0_i32, %c0_i32_0 : i32, i32
  }
}

module attributes {stable_mosaic.version = 14 : i64} {
  func.func @body(%arg0: memref<64x256xf32, #tpu.memory_space<vmem>>, %arg1: memref<64x128xf32, #tpu.memory_space<vmem>>, %arg2: memref<256x256xf32, #tpu.memory_space<vmem>>, %arg3: memref<1x256xf32, #tpu.memory_space<vmem>>, %arg4: memref<256x128xf32, #tpu.memory_space<vmem>>, %arg5: memref<1x128xf32, #tpu.memory_space<vmem>>, %arg6: memref<64x128xf32, #tpu.memory_space<vmem>>) attributes {dimension_semantics = [], scalar_prefetch = 0 : i64, scratch_operands = 0 : i64, tpu.core_type = #tpu.core_type<tc>} {
    %get3A = arith.constant 0 : index
    %get3A_0 = arith.constant 0 : index
    %get3A_1 = vector.load %arg1[%get3A, %get3A_0] : memref<64x128xf32, #tpu.memory_space<vmem>>, vector<64x1xf32>
    %max3A = arith.constant 1.000000e+00 : f32
    %max3A_2 = vector.broadcast %max3A : f32 to vector<64x1xf32>
    %max3A_3 = arith.maximumf %get3A_1, %max3A_2 : vector<64x1xf32>
    %get3A_4 = arith.constant 0 : index
    %get3A_5 = arith.constant 0 : index
    %get3A_6 = vector.load %arg0[%get3A_4, %get3A_5] : memref<64x256xf32, #tpu.memory_space<vmem>>, vector<64x256xf32>
    %div3A = vector.broadcast %max3A_3 : vector<64x1xf32> to vector<64x256xf32>
    %div3A_7 = arith.divf %get3A_6, %div3A : vector<64x256xf32>
    %get3A_8 = arith.constant 0 : index
    %get3A_9 = arith.constant 0 : index
    %get3A_10 = vector.load %arg2[%get3A_8, %get3A_9] : memref<256x256xf32, #tpu.memory_space<vmem>>, vector<256x256xf32>
    %dot_general3A = arith.constant dense<0.000000e+00> : vector<64x256xf32>
    %dot_general3A_11 = tpu.matmul %div3A_7, %get3A_10, %dot_general3A {dimension_numbers = #tpu.dot_dimension_numbers<[1], [0], [0], [1], [0, 0, 1, 1], [], []>, transpose_lhs_hint = false} : vector<64x256xf32>, vector<256x256xf32>, vector<64x256xf32> -> vector<64x256xf32>
    %get3A_12 = arith.constant 0 : index
    %get3A_13 = arith.constant 0 : index
    %get3A_14 = vector.load %arg3[%get3A_12, %get3A_13] : memref<1x256xf32, #tpu.memory_space<vmem>>, vector<1x256xf32>
    %add3A = vector.broadcast %get3A_14 : vector<1x256xf32> to vector<64x256xf32>
    %add3A_15 = arith.addf %dot_general3A_11, %add3A : vector<64x256xf32>
    %max3A_16 = arith.constant 0.000000e+00 : f32
    %max3A_17 = vector.broadcast %max3A_16 : f32 to vector<64x256xf32>
    %max3A_18 = arith.maximumf %add3A_15, %max3A_17 : vector<64x256xf32>
    %get3A_19 = arith.constant 0 : index
    %get3A_20 = arith.constant 0 : index
    %get3A_21 = vector.load %arg4[%get3A_19, %get3A_20] : memref<256x128xf32, #tpu.memory_space<vmem>>, vector<256x128xf32>
    %dot_general3A_22 = arith.constant dense<0.000000e+00> : vector<64x128xf32>
    %dot_general3A_23 = tpu.matmul %max3A_18, %get3A_21, %dot_general3A_22 {dimension_numbers = #tpu.dot_dimension_numbers<[1], [0], [0], [1], [0, 0, 1, 1], [], []>, transpose_lhs_hint = false} : vector<64x256xf32>, vector<256x128xf32>, vector<64x128xf32> -> vector<64x128xf32>
    %get3A_24 = arith.constant 0 : index
    %get3A_25 = arith.constant 0 : index
    %get3A_26 = vector.load %arg5[%get3A_24, %get3A_25] : memref<1x128xf32, #tpu.memory_space<vmem>>, vector<1x128xf32>
    %add3A_27 = vector.broadcast %get3A_26 : vector<1x128xf32> to vector<64x128xf32>
    %add3A_28 = arith.addf %dot_general3A_23, %add3A_27 : vector<64x128xf32>
    %swap3A = arith.constant 0 : index
    %swap3A_29 = arith.constant 0 : index
    %swap3A_30 = vector.load %arg6[%swap3A, %swap3A_29] : memref<64x128xf32, #tpu.memory_space<vmem>>, vector<64x128xf32>
    tpu.vector_store %arg6[%swap3A, %swap3A_29], %add3A_28 {strides = array<i32>} : memref<64x128xf32, #tpu.memory_space<vmem>>, vector<64x128xf32>,
    return
  }
}

</mosaic_0001>

<sc_bundles>
// kernel: kernel.10.cloned.1.call-start
scs
__scs_entry_jumppad:
0x0: {  	(pc) =	sbr.rel $0x88, $3  }
0x1: {  	(tag) =	ssettag $0x0;
	lr =	simm.s32 $0x1  }
0x2: {  	[smem:$0x3F94] =	sst lr;
	_ =	strace $0xD0000000  }
0x3: {  	_ = 	snop  }
0x4: {  	_ = 	snop  }
0x5: {  	_ = 	snop  }
0x6: {  	_ = 	snop  }
0x7: {  	_ = 	snop  }
__scs_overlays_trampoline_lowered:
0x8: {  	[smem:$0x3FA3] =	sst s0  }
0x9: {  	[smem:$0x3FA4] =	sst s1  }
0xa: {  	[smem:$0x3FA5] =	sst s2  }
0xb: {  	[smem:$0x3FA6] =	sst s3  }
0xc: {  	[smem:$0x3FA7] =	sst s4  }
0xd: {  	[smem:$0x3FA8] =	sst s5  }
0xe: {  	[smem:$0x3FA9] =	sst s6  }
0xf: {  	[smem:$0x3FAA] =	sst s7  }
0x10: {  	[smem:$0x3FAB] =	sst s8  }
0x11: {  	[smem:$0x3FAC] =	sst s9;
	s0 =	simm.s32 @!p0 $0x0  }
0x12: {  	s1 =	sld [smem:$0x3F92];
	s0 =	simm.s32 @p0 $0x1  }
0x13: {  	[smem:$0x3FAD] =	sst s0;
	s0 =	simm.s32 @!p1 $0x0  }
0x14: {  	s2 =	sld [smem:$0x3F91];
	s0 =	simm.s32 @p1 $0x1  }
0x15: {  	[smem:$0x3FAE] =	sst s0;
	s0 =	simm.s32 @!p2 $0x0  }
0x16: {  	s3 =	sld [smem:$0x3FDB];
	s0 =	simm.s32 @p2 $0x1  }
0x17: {  	s4 =	simm.s32 $0x1BF5;
	[smem:$0x3FB0] =	sst s0  }
0x18: {  	s0 =	sld [smem:$0x3F93];
	_ =	swait.ge [sflag:s4], $0x0  }
0x19: {  	s7 =	sld [smem:$0x3F94]  }
0x1a: {  	s8 =	sadd.s32 $0xFFFFE003, lr  }
0x1b: {  	s9 =	sadd.s32 $0xFFFFFEF7, lr;
	s5 =	simm.s32 $0xFFFFFFFF;
	p2 =	slt.u32 s8, $0xFFFFF086  }
0x1c: {  	p1 =	slt.u32 s9, $0xF7A;
	s5 =	simm.s32 @!p2 $0x0  }
0x1d: {  	s5 =	simm.s32 @p1 $0x1;
	p0 =	seq.s32 s7, s2  }
0x1e: {  	s7 =	smul.u32 @!p0 $0xF7A, s2;
	p2 =	seq.s32 @!p0 s5, $0x0  }
0x1f: {  	s9 =	smul.u32 $0xF7A, s1;
	s8 =	simm.s32 @!p0 $0x1BF5;
	p2 =	por !p2, p0  }
0x20: {  	[sflag:s8] =	ssyncset.s32 @!p0 $0xFFFFF086;
	s6 =	sadd.s32 @!p0 s3, s7;
	s7 =	simm.s32 @!p0 $0x108  }
0x21: {  	s3 =	sadd.s32 s3, s9;
	s6 =	sadd.s32 @!p0 $0x88, s6;
	s7 =	simm.s32 @p2 $0x1082  }
0x22: {  	[simem:s7], [sflag:s8] =	dma.local @!p0 [hbm:s6], $0xF7A  }
0x23: {  	s9 =	sor.u32 $0xD0000000, s2;
	s6 =	simm.s32 $0x108;
	_ =	swait.ge @!p0 [sflag:s8], $0x0  }
0x24: {  	s3 =	sadd.s32 $0x88, s3;
	s6 =	simm.s32 @!p1 $0x1082;
	[sflag:s4] =	ssyncset.s32 $0xFFFFF086  }
0x25: {  	[simem:s6], [sflag:s4] =	dma.local [hbm:s3], $0xF7A  }
0x26: {  	[smem:$0x3F94] =	sst s1;
	(tag) =	ssettag s2;
	_ =	strace s9  }
0x27: {  	s1 =	sld [smem:$0x3FA4]  }
0x28: {  	s2 =	sld [smem:$0x3FA5]  }
0x29: {  	s4 =	sld [smem:$0x3FA7]  }
0x2a: {  	p0 =	seq.s32 s5, $0x0;
	s5 =	sld [smem:$0x3FA8]  }
0x2b: {  	s6 =	sld [smem:$0x3FA9]  }
0x2c: {  	s7 =	sld [smem:$0x3FAA]  }
0x2d: {  	s3 =	simm.s32 $0x108;
	s8 =	sld [smem:$0x3FAB]  }
0x2e: {  	s3 =	simm.s32 @!p0 $0x1082;
	s9 =	sld [smem:$0x3FAC]  }
0x2f: {  	lr =	sadd.s32 s0, s3;
	s0 =	sld [smem:$0x3FA3]  }
0x30: {  	s3 =	sld [smem:$0x3FA6]  }
0x31: {  	[smem:$0x3FAF] =	sst s10  }
0x32: {  	s10 =	sld [smem:$0x3FAD];
	_ =	sdelay $0x3  }
0x33: {  	p0 =	seq.s32 s10, $0x1;
	s10 =	sld [smem:$0x3FAF];
	_ =	sdelay $0x3  }
0x34: {  	[smem:$0x3FAF] =	sst s10  }
0x35: {  	s10 =	sld [smem:$0x3FAE];
	_ =	sdelay $0x3  }
0x36: {  	p1 =	seq.s32 s10, $0x1;
	s10 =	sld [smem:$0x3FAF];
	_ =	sdelay $0x3  }
0x37: {  	[smem:$0x3FAF] =	sst s10  }
0x38: {  	s10 =	sld [smem:$0x3FB0]  }
0x39: {  	_ = 	snop;
	(pc) =	sbr.ind lr, $3  }
0x3a: {  	_ = 	snop  }
0x3b: {  	_ = 	snop  }
0x3c: {  	p2 =	seq.s32 s10, $0x1;
	s10 =	sld [smem:$0x3FAF]  }
0x3d: {  	_ =	shalt  }
0x3e: {  	_ =	shalt  }
0x3f: {  	_ =	shalt  }
0x40: {  	_ =	shalt  }
0x41: {  	_ =	shalt  }
0x42: {  	_ =	shalt  }
0x43: {  	_ =	shalt  }
0x44: {  	_ =	shalt  }
0x45: {  	_ =	shalt  }
0x46: {  	_ =	shalt  }
0x47: {  	_ =	shalt  }
0x48: {  	_ =	shalt  }
0x49: {  	_ =	shalt  }
0x4a: {  	_ =	shalt  }
0x4b: {  	_ =	shalt  }
0x4c: {  	_ =	shalt  }
0x4d: {  	_ =	shalt  }
0x4e: {  	_ =	shalt  }
0x4f: {  	_ =	shalt  }
0x50: {  	_ =	shalt  }
0x51: {  	_ =	shalt  }
0x52: {  	_ =	shalt  }
0x53: {  	_ =	shalt  }
0x54: {  	_ =	shalt  }
0x55: {  	_ =	shalt  }
0x56: {  	_ =	shalt  }
0x57: {  	_ =	shalt  }
0x58: {  	_ =	shalt  }
0x59: {  	_ =	shalt  }
0x5a: {  	_ =	shalt  }
0x5b: {  	_ =	shalt  }
0x5c: {  	_ =	shalt  }
0x5d: {  	_ =	shalt  }
0x5e: {  	_ =	shalt  }
0x5f: {  	_ =	shalt  }
0x60: {  	_ =	shalt  }
0x61: {  	_ =	shalt  }
0x62: {  	_ =	shalt  }
0x63: {  	_ =	shalt  }
0x64: {  	_ =	shalt  }
0x65: {  	_ =	shalt  }
0x66: {  	_ =	shalt  }
0x67: {  	_ =	shalt  }
0x68: {  	_ =	shalt  }
0x69: {  	_ =	shalt  }
0x6a: {  	_ =	shalt  }
0x6b: {  	_ =	shalt  }
0x6c: {  	_ =	shalt  }
0x6d: {  	_ =	shalt  }
0x6e: {  	_ =	shalt  }
0x6f: {  	_ =	shalt  }
0x70: {  	_ =	shalt  }
0x71: {  	_ =	shalt  }
0x72: {  	_ =	shalt  }
0x73: {  	_ =	shalt  }
0x74: {  	_ =	shalt  }
0x75: {  	_ =	shalt  }
0x76: {  	_ =	shalt  }
0x77: {  	_ =	shalt  }
0x78: {  	_ =	shalt  }
0x79: {  	_ =	shalt  }
0x7a: {  	_ =	shalt  }
0x7b: {  	_ =	shalt  }
0x7c: {  	_ =	shalt  }
0x7d: {  	_ =	shalt  }
0x7e: {  	_ =	shalt  }
0x7f: {  	_ =	shalt  }
0x80: {  	_ =	shalt  }
0x81: {  	_ =	shalt  }
0x82: {  	_ =	shalt  }
0x83: {  	_ =	shalt  }
0x84: {  	_ =	shalt  }
0x85: {  	_ =	shalt  }
0x86: {  	_ =	shalt  }
0x87: {  	_ =	shalt  }
.Lfunc_end0:
.L_simem_size_0:
called_computation.2_lowered:
.L_overlay_start_0:
0x88: {  	s2 =	sld [smem:$0x3FD9]  }
0x89: {  	s3 =	sld [smem:$0x3FFE];
	_ =	sdelay $0x1  }
0x8a: {  	s1 =	srdreg.scid  }
0x8b: {  	s0 =	sand.u32 $0x1, s1  }
0x8c: {  	s17 =	sshll.u32 s0, $0xA;
	s2 =	sadd.s32 s3, s2  }
0x8d: {  	s2 =	sadd.s32 s2, s17  }
0x8e: {  	[smem:$0x3FBB] =	sst s2  }
0x8f: {  	_ = 	snop  }
0x90: {  	s2 =	sld [smem:$0x3FD0];
	(tm) =	ssettm $0x1  }
0x91: {  	s18 =	sld [smem:$0x3FFB];
	_ =	sdelay $0x3  }
0x92: {  	_ =	strace s18  }
0x93: {  	s3 =	sld [smem:$0x3FFC];
	_ =	sdelay $0x3  }
0x94: {  	_ =	strace s3  }
0x95: {  	s3 =	sld [smem:$0x3FFD];
	_ =	sdelay $0x3  }
0x96: {  	_ =	strace s3  }
0x97: {  	_ =	strace $0x8FFFFFFF  }
0x98: {  	s19 =	sld [smem:$0x3FDB];
	_ =	sdelay $0x1  }
0x99: {  	s4 =	simm.s32 $_scs_section_size  }
0x9a: {  	s5 =	simm.s32 $_size__tile_overlayer_lowered;
	s6 =	simm.s32 $_tile_overlayer_lowered  }
0x9b: {  	s22 =	simm.s32 $0x1BFF;
	s21 =	sshll.u32 s6, $0x1;
	s3 =	sadd.s32 s4, s19  }
0x9c: {  	s7 =	simm.s32 $0x0;
	s20 =	sshll.u32 s5, $0x1;
	s5 =	sadd.s32 s21, s3  }
0x9d: {  	[timem:s7], [sflag:s22] =	dma.local [hbm:s5], s20  }
0x9e: {  	_ =	swait.ge [sflag:s22], s20  }
0x9f: {  	s4 =	ssub.s32 $0x0, s20;
	[sflag:s22] =	ssyncset.done $0x0  }
0xa0: {  	[sflag:s22] =	ssyncadd.s32 s4;
	_ =	sdelay $0x1  }
0xa1: {  	s23 =	simm.s32 $0x1B8B  }
0xa2: {  	_ =	swait.ge [sflag:s23], $0x1  }
0xa3: {  	[sflag:s23] =	ssyncset.done $0x0  }
0xa4: {  	s25 =	simm.s32 $0x1B8E;
	s24 =	sld [smem:$0x3FFE];
	[sflag:s23] =	ssyncadd.s32 $0xFFFFFFFF  }
0xa5: {  	s26 =	simm.s32 $execute0_lowered;
	[smem:$0x3FD2] =	sst s25  }
0xa6: {  	s5 =	sshll.u32 s26, $0x1;
	_ =	strace $0x8000004C;
	[dreg:$0x1] =	wrdreg $0xFFFFFFFF  }
0xa7: {  	s28 =	simm.s32 $_size_execute0_lowered;
	s3 =	sadd.s32 s3, s5;
	[dreg:$0x0] =	wrdreg $0x0  }
0xa8: {  	s5 =	sshll.u32 s28, $0x1;
	[dreg:$0x2] =	wrdreg s3  }
0xa9: {  	[dreg:$0x3] =	wrdreg s5  }
0xaa: {  	[dreg:$0x4] =	wrdreg $0xC0  }
0xab: {  	_ =	task [dreg:s7], $0x5FFFF  }
0xac: {  	[dreg:$0x1] =	wrdreg $0xFFFFFFFF  }
0xad: {  	[dreg:$0x0] =	wrdreg $0x60  }
0xae: {  	[dreg:$0x2] =	wrdreg s24  }
0xaf: {  	[dreg:$0x3] =	wrdreg s2  }
0xb0: {  	[dreg:$0x4] =	wrdreg $0x120800  }
0xb1: {  	[dreg:$0x5] =	wrdreg $0x9  }
0xb2: {  	_ =	task.clear_ibuf [dreg:s7], $0x6FFFF;
	_ =	strace $0x9000004C  }
0xb3: {  	s29 =	simm.s32 $0x9;
	_ =	strace $0x8000004E  }
0xb4: {  	_ =	swait.ge [sflag:s29], $0x1  }
0xb5: {  	[sflag:s29] =	ssyncadd.s32 $0xFFFFFFFF  }
0xb6: {  	_ =	strace $0x9000004E  }
0xb7: {  	_ =	sfence  }
0xb8: {  	s30 =	sld [smem:$0x0];
	_ =	sdelay $0x2  }
0xb9: {  	s31 =	sshll.u32 s1, $0xD;
	s1 =	sshrl.u32 s1, $0x2  }
0xba: {  	s3 =	sand.u32 $0x4000, s31;
	s1 =	sadd.s32 s1, s30  }
0xbb: {  	s0 =	sor.u32 s3, s0;
	s1 =	sshll.u32 s1, $0x11  }
0xbc: {  	s0 =	sor.u32 s1, s0  }
0xbd: {  	s0 =	sadd.s32 $0x8F2B, s0  }
0xbe: {  	[sflag:s0] =	ssyncadd.remote.s32 $0x1  }
0xbf: {  	_ =	sfence.sel $0xFFFF  }
0xc0: {  	[dreg:$0x0] =	wrdreg $0xFFFFFFFF;
	(pc) =	sbr.abs _section_cstart, $3  }
0xc1: {  	[dreg:$0x1] =	wrdreg $0xFFFFFFFF  }
0xc2: {  	_ =	task.clear_ibuf [dreg:s7], $0x2FFFF;
	_ =	strace $0x9FFFFFFF  }
0xc3: {  	(tm) =	ssettm $0x7FFFFFFF  }
tec
execute0_lowered:
.L_overlay_start_1:
0x0: {  	(tag) =	ssettag $0x1  }
0x1: {  	s1 =	rddreg [dreg:$0x0];
	s2 =	srdreg.scid  }
0x2: {  	s0 =	stileid.u32;
	s3 =	rddreg [dreg:$0x2];
	s4 =	simm.s32 $0x0  }
0x3: {  	s31 =	simm.s32 $0x5000;
	s17 =	simm.s32 $0x3;
	s5 =	smul.u32 $0x5000, s0  }
0x4: {  	s19 =	simm.s32 $0x1;
	s20 =	simm.s32 $0xA080;
	s8 =	smul.u32 $0xA000, s0  }
0x5: {  	s21 =	simm.s32 $0x80;
	s2 =	sand.u32 $0x1, s2;
	s25 =	smul.u32 $0x28000, s0  }
0x6: {  	s22 =	simm.s32 $0x0;
	[smem:$0x7FF] =	sst s4;
	s6 =	smul.u32 $0xA0000, s2  }
0x7: {  	s7 =	smul.u32 $0x50000, s2;
	_ =	strace $0x8000004D;
	s10 =	ssub.s32 $0x2, s2  }
0x8: {  	s9 =	smul.u32 $0x140000, s2;
	p0 =	seq.s32 s2, $0x0;
	s26 =	sshrl.u32 s10, $0x1  }
0x9: {  	s6 =	sadd.s32 s5, s6;
	s7 =	sadd.s32 s5, s7;
	s5 =	sadd.s32 $0x78E00, s1  }
0xa: {  	s8 =	sadd.s32 s8, s9;
	s9 =	sshrl.u32 s25, $0x2;
	s15 =	ssub.s32 s10, s26  }
0xb: {  	s6 =	sshrl.u32 s6, $0x3;
	s24 =	sshrl.u32 s7, $0x3;
	s8 =	sshrl.u32 s8, $0x3  }
0xc: {  	s15 =	smax.u32 s15, $0x1;
	s13 =	sadd.s32 s6, s1;
	s7 =	sadd.s32 s24, s1  }
0xd: {  	s6 =	sadd.s32 $0x28600, s1;
	s1 =	sadd.s32 s8, s1;
	s7 =	sadd.s32 $0x14600, s7  }
.Ltmp0:
0xe: {  	s28 =	sadd.s32 $0x50E00, s13;
	[dreg:$0x4] =	wrdreg s7;
	(pc) =	sbr.rel .LBB2_1-.Ltmp0, $4  }
0xf: {  	s29 =	sadd.s32 $0xC7000, s1;
	s30 =	sadd.s32 $0x5AE00, s13;
	[dreg:$0x5] =	wrdreg s28  }
0x10: {  	s14 =	sadd.s32 $0xDB000, s1;
	s1 =	simm.s32 @!p0 $0x0;
	[dreg:$0x6] =	wrdreg s29  }
0x11: {  	s8 =	sadd.s32 s9, s3;
	[dreg:$0x7] =	wrdreg s30;
	s1 =	simm.s32 @p0 $0x1  }
0x12: {  	s9 =	sadd.s32 $0x4000, s8;
	s10 =	sadd.s32 $0x8000, s8;
	[smem:$0x7FD] =	sst s1  }
.LBB2_8:
0x13: {  	[sflag:s2] =	ssyncadd.s32 @!p1 $0xFFFFC000;
	s1 =	simm.s32 @!p0 $0x80  }
0x14: {  	[tilespmem:s16], [sflag:$0x2] =	stream.indirect.gather @!p0 [hbm4b:s5+s1], $0x80, s18, s1, $0xb8;
	[tilespmem:$0x1C080] =	vst v63  }
.LBB2_9:
0x15: {  	s22 =	sadd.s32 $0x1, s22  }
0x16: {  	p0 =	sne.s32 s22, s15  }
.Ltmp1:
0x17: {  	[bflag:$0x0] =	sbarrier.arrive $0xFFFF;
	(pc) =	sbr.rel @!p0 .LBB2_10-.Ltmp1, $4  }
0x18: {  	[hbm:s14], [sflag:s29] =	dma.local [spmem:s30], $0x1400  }
0x19: {  	_ =	swait.ge [sflag:s17], $0x1400  }
0x1a: {  	[sflag:s17] =	ssyncset.done $0x0  }
0x1b: {  	[sflag:s17] =	ssyncadd.s32 $0xFFFFEC00  }
.LBB2_1:
0x1c: {  	s1 =	rddreg [dreg:$0x4]  }
0x1d: {  	[tilespmem:s31], [sflag:$0x3] =	stream.linear.gather [hbm4b:s1+s4], $0x5000, $0x38;
	[tilespmem:$0x1C080] =	vst v63  }
0x1e: {  	_ =	swait.ge [sflag:s17], $0x5000  }
0x1f: {  	[sflag:s17] =	ssyncset.done $0x0  }
0x20: {  	[sflag:s17] =	ssyncadd.s32 $0xFFFFB000  }
0x21: {  	s2 =	simm.s32 $0xA000;
	s11 =	rddreg [dreg:$0x1]  }
0x22: {  	[tilespmem:s2], [sflag:$0x3] =	stream.linear.gather [hbm4b:s11+s4], $0x80, $0x38;
	[tilespmem:$0x1C080] =	vst v63  }
0x23: {  	_ =	swait.ge [sflag:s17], $0x80  }
0x24: {  	[sflag:s17] =	ssyncset.done $0x0  }
0x25: {  	[sflag:s17] =	ssyncadd.s32 $0xFFFFFF80  }
0x26: {  	v0 =	vld [tilespmem:$0xA000];
	_ =	sdelay $0x4  }
0x27: {  	(v2sf) =	vpush v0, $0x0  }
0x28: {  	(v2sf) =	vpush v0, $0x1;
	_ =	sdelay $0xc  }
0x29: {  	[tilespmem:s20], [sflag:$0x3] =	stream.linear.gather [hbm4b:s6+s4], $0x4000, $0x38;
	[tilespmem:$0x1C080] =	vst v63  }
0x2a: {  	s1 =	spop (v2sf)  }
0x2b: {  	s2 =	spop (v2sf)  }
0x2c: {  	_ =	swait.ge [sflag:s17], $0x4000  }
0x2d: {  	[sflag:s17] =	ssyncset.done $0x0;
	s7 =	sld [smem:$0x7FD]  }
0x2e: {  	[sflag:s17] =	ssyncadd.s32 $0xFFFFC000  }
0x2f: {  	[spmem:s8] =	stream.linear.scatter [tilespmem:s20], [sflag:$0x3], $0x4000, $0x38;
	[tilespmem:$0x1C080] =	vst v63  }
0x30: {  	p0 =	seq.s32 s7, $0x1  }
0x31: {  	_ =	swait.ge [sflag:s17], $0x4000;
	s2 =	smov.u32 @p0 s1  }
0x32: {  	[sflag:s17] =	ssyncset.done $0x0;
	s1 =	sadd.s32 $0xF, s2  }
0x33: {  	[sflag:s17] =	ssyncadd.s32 $0xFFFFC000;
	s2 =	ssub.s32 s1, s0  }
0x34: {  	[spmem:s9] =	stream.linear.scatter [tilespmem:s20], [sflag:$0x3], $0x4000, $0x38;
	[tilespmem:$0x1C080] =	vst v63  }
0x35: {  	p0 =	sne.s32 s1, s0;
	s1 =	simm.s32 $0x1;
	s16 =	sshra.s32 s2, $0x1F  }
0x36: {  	_ =	swait.ge [sflag:s17], $0x4000;
	s1 =	simm.s32 @!p0 $0x0;
	s12 =	sand.u32 $0xF, s2  }
0x37: {  	[sflag:s17] =	ssyncset.done $0x0;
	s18 =	sshrl.u32 s16, $0x1C;
	s1 =	sor.u32 s1, s16  }
0x38: {  	p1 =	sne.s32 s12, $0x0;
	[sflag:s17] =	ssyncadd.s32 $0xFFFFC000;
	p5 =	sne.s32 s1, $0x1  }
0x39: {  	[spmem:s10] =	stream.linear.scatter [tilespmem:s20], [sflag:$0x3], $0x2000, $0x38;
	[tilespmem:$0x1C080] =	vst v63  }
0x3a: {  	s13 =	sadd.s32 s18, s2;
	p0 =	por !p1, !p5  }
0x3b: {  	s2 =	simm.s32 $0x1;
	_ =	swait.ge [sflag:s17], $0x2000;
	p0 =	por !p0, !p0  }
0x3c: {  	s1 =	sshra.s32 s13, $0x4;
	[sflag:s17] =	ssyncset.done $0x0;
	s2 =	simm.s32 @!p0 $0x0  }
0x3d: {  	s16 =	rddreg [dreg:$0x5];
	[sflag:s17] =	ssyncadd.s32 $0xFFFFE000;
	s23 =	ssub.s32 s1, s2  }
0x3e: {  	[tilespmem:s4], [sflag:$0x3] =	stream.linear.gather [hbm4b:s16+s4], $0x5000, $0x38;
	[tilespmem:$0x1C080] =	vst v63  }
0x3f: {  	p1 =	slt.s32 s23, $0x1;
	s18 =	sadd.s32 $0x1, s23;
	p6 =	slt.s32 s23, $0x0  }
0x40: {  	_ =	swait.ge [sflag:s17], $0x5000;
	s24 =	simm.s32 @!p1 $0x80;
	s25 =	simm.s32 @!p1 $0x0  }
0x41: {  	s26 =	simm.s32 @!p1 $0xA080;
	p2 =	seq.s32 @!p1 s23, $0x1;
	[sflag:s17] =	ssyncset.done $0x0  }
0x42: {  	s29 =	sand.u32 $0x1, s18;
	s30 =	sshrl.u32 s18, $0x1F;
	[sflag:s17] =	ssyncadd.s32 $0xFFFFB000  }
0x43: {  	p3 =	por p2, p1;
	p4 =	seq.s32 s29, $0x1;
	[bflag:$0x0] =	sbarrier.arrive $0xFFFF  }
0x44: {  	[tilespmem:s26], [sflag:$0x1] =	stream.indirect.gather @!p1 [hbm4b:s5+s24], $0x80, s25, s24, $0xb8;
	[tilespmem:$0x1C080] =	vst v63  }
0x45: {  	s1 =	simm.s32 @!p3 $0x80;
	s2 =	simm.s32 @!p3 $0xE080;
	p0 =	por !p6, !p4  }
0x46: {  	[tilespmem:s2], [sflag:$0x2] =	stream.indirect.gather @!p3 [hbm4b:s5+s1], $0x80, s1, s1, $0xb8;
	[tilespmem:$0x1C080] =	vst v63  }
0x47: {  	p0 =	por !p0, !p0;
	s1 =	sadd.s32 s30, s18;
	s2 =	simm.s32 $0x1  }
0x48: {  	s1 =	sshra.s32 s1, $0x1;
	s2 =	simm.s32 @!p0 $0x0  }
0x49: {  	s28 =	ssub.s32 s1, s2  }
0x4a: {  	p4 =	slt.s32 s28, $0x1  }
.Ltmp2:
0x4b: {  	_ = 	snop;
	(pc) =	sbr.rel @p4 .LBB2_5-.Ltmp2, $2  }
0x4c: {  	_ =	sdelay $0x2  }
0x4d: {  	s1 =	simm.s32 $0x100  }
0x4e: {  	_ =	swait.ge [sflag:s19], $0x4000  }
0x4f: {  	s29 =	sadd.s32 $0xFFFFFFFF, s28;
	[sflag:s19] =	ssyncset.done $0x0  }
0x50: {  	s30 =	simm.s32 $0x200;
	p0 =	sle.s32 s23, $0x2;
	[sflag:s19] =	ssyncadd.s32 $0xFFFFC000  }
0x51: {  	[spmem:s3] =	stream.indirect.scatter.add.f32 [tilespmem:s20], [sflag:$0x3], $0x80, s31, s21, $0xb8;
	[tilespmem:$0x1C080] =	vst v63  }
0x52: {  	p5 =	sle.s32 s23, $0x1;
	p6 =	sne.s32 s29, $0x0;
	_ =	swait.ge [sflag:s17], $0x4000  }
0x53: {  	s2 =	simm.s32 @!p0 $0x80;
	s16 =	simm.s32 @!p0 $0xA080;
	[sflag:s17] =	ssyncset.done $0x0  }
0x54: {  	s18 =	simm.s32 @!p5 $0x2;
	s7 =	simm.s32 @!p5 $0x5080;
	[sflag:s17] =	ssyncadd.s32 $0xFFFFC000  }
0x55: {  	[tilespmem:s16], [sflag:$0x1] =	stream.indirect.gather @!p0 [hbm4b:s5+s2], $0x80, s1, s2, $0xb8;
	[tilespmem:$0x1C080] =	vst v63  }
0x56: {  	s1 =	simm.s32 @!p5 $0x80;
	s16 =	simm.s32 @!p5 $0xE080;
	_ =	swait.ge @!p5 [sflag:s18], $0x4000  }
.Ltmp3:
0x57: {  	p0 =	sle.s32 @!p5 s23, $0x3;
	[sflag:s18] =	ssyncset.done @!p5 $0x0;
	(pc) =	sbr.rel @!p6 .LBB2_4-.Ltmp3, $4  }
0x58: {  	s2 =	simm.s32 @!p5 $0x3;
	p0 =	por p0, p5;
	[sflag:s18] =	ssyncadd.s32 @!p5 $0xFFFFC000  }
0x59: {  	[spmem:s3] =	stream.indirect.scatter.add.f32 @!p5 [tilespmem:s16], [sflag:$0x3], $0x80, s7, s1, $0xb8;
	[tilespmem:$0x1C080] =	vst v63  }
0x5a: {  	s31 =	simm.s32 $0x3;
	s18 =	simm.s32 @!p0 $0x180;
	_ =	swait.ge @!p5 [sflag:s2], $0x4000  }
0x5b: {  	s1 =	simm.s32 $0x5100;
	s16 =	simm.s32 @!p0 $0xE080;
	[sflag:s2] =	ssyncset.done @!p5 $0x0  }
.LBB2_3:
0x5c: {  	s29 =	sadd.s32 $0xFFFFFFFF, s29;
	[sflag:s2] =	ssyncadd.s32 @!p5 $0xFFFFC000;
	s2 =	simm.s32 @!p0 $0x80  }
0x5d: {  	[tilespmem:s16], [sflag:$0x2] =	stream.indirect.gather @!p0 [hbm4b:s5+s2], $0x80, s18, s2, $0xb8;
	[tilespmem:$0x1C080] =	vst v63  }
0x5e: {  	s7 =	smov.u32 s30;
	p6 =	sne.s32 s29, $0x0;
	_ =	swait.ge [sflag:s19], $0x4000  }
0x5f: {  	s30 =	sadd.s32 $0x100, s30;
	s2 =	smov.u32 s31;
	[sflag:s19] =	ssyncset.done $0x0  }
0x60: {  	s31 =	sadd.s32 $0x2, s31;
	s16 =	sadd.s32 $0x1, s2;
	[sflag:s19] =	ssyncadd.s32 $0xFFFFC000  }
0x61: {  	[spmem:s3] =	stream.indirect.scatter.add.f32 [tilespmem:s20], [sflag:$0x3], $0x80, s1, s21, $0xb8;
	[tilespmem:$0x1C080] =	vst v63  }
0x62: {  	p5 =	sge.s32 s2, s23;
	p0 =	sge.s32 s16, s23;
	_ =	swait.ge [sflag:s17], $0x4000  }
0x63: {  	s16 =	simm.s32 @!p0 $0x80;
	s18 =	simm.s32 @!p0 $0xA080;
	[sflag:s17] =	ssyncset.done $0x0  }
0x64: {  	s11 =	simm.s32 @!p5 $0x2;
	s12 =	sadd.s32 @!p5 $0x2, s2;
	[sflag:s17] =	ssyncadd.s32 $0xFFFFC000  }
0x65: {  	[tilespmem:s18], [sflag:$0x1] =	stream.indirect.gather @!p0 [hbm4b:s5+s16], $0x80, s7, s16, $0xb8;
	[tilespmem:$0x1C080] =	vst v63  }
0x66: {  	s16 =	simm.s32 @!p5 $0x80;
	s18 =	simm.s32 @!p5 $0xE080;
	_ =	swait.ge @!p5 [sflag:s11], $0x4000  }
.Ltmp4:
0x67: {  	s13 =	sadd.s32 @!p5 $0x80, s1;
	[sflag:s11] =	ssyncset.done @!p5 $0x0;
	(pc) =	sbr.rel @p6 .LBB2_3-.Ltmp4, $4  }
0x68: {  	s2 =	simm.s32 @!p5 $0x3;
	p0 =	sge.s32 @!p5 s12, s23;
	[sflag:s11] =	ssyncadd.s32 @!p5 $0xFFFFC000  }
0x69: {  	[spmem:s3] =	stream.indirect.scatter.add.f32 @!p5 [tilespmem:s18], [sflag:$0x3], $0x80, s13, s16, $0xb8;
	[tilespmem:$0x1C080] =	vst v63  }
0x6a: {  	s1 =	sadd.s32 $0x100, s1;
	p0 =	por p0, p5;
	_ =	swait.ge @!p5 [sflag:s2], $0x4000  }
0x6b: {  	s18 =	sadd.s32 @!p0 $0x80, s7;
	s16 =	simm.s32 @!p0 $0xE080;
	[sflag:s2] =	ssyncset.done @!p5 $0x0  }
.LBB2_4:
0x6c: {  	[sflag:s2] =	ssyncadd.s32 @!p5 $0xFFFFC000;
	s1 =	simm.s32 @!p0 $0x80;
	s31 =	simm.s32 $0x5000  }
0x6d: {  	[tilespmem:s16], [sflag:$0x2] =	stream.indirect.gather @!p0 [hbm4b:s5+s1], $0x80, s18, s1, $0xb8;
	[tilespmem:$0x1C080] =	vst v63  }
.LBB2_5:
0x6e: {  	s1 =	sshll.u32 s0, $0x6;
	[bflag:$0x0] =	sbarrier.arrive $0xFFFF  }
0x6f: {  	s30 =	sshrl.u32 s8, $0x3;
	s29 =	sor.u32 $0x1C03, s1;
	s16 =	rddreg [dreg:$0x6]  }
0x70: {  	[hbm:s16], [sflag:s29] =	dma.local [spmem:s30], $0x1400  }
0x71: {  	_ =	swait.ge [sflag:s17], $0x1400  }
0x72: {  	[sflag:s17] =	ssyncset.done $0x0  }
0x73: {  	[sflag:s17] =	ssyncadd.s32 $0xFFFFEC00  }
0x74: {  	[tilespmem:s20], [sflag:$0x3] =	stream.linear.gather [hbm4b:s6+s4], $0x4000, $0x38;
	[tilespmem:$0x1C080] =	vst v63  }
0x75: {  	_ =	swait.ge [sflag:s17], $0x4000  }
0x76: {  	[sflag:s17] =	ssyncset.done $0x0  }
0x77: {  	[sflag:s17] =	ssyncadd.s32 $0xFFFFC000  }
0x78: {  	[spmem:s8] =	stream.linear.scatter [tilespmem:s20], [sflag:$0x3], $0x4000, $0x38;
	[tilespmem:$0x1C080] =	vst v63  }
0x79: {  	_ =	swait.ge [sflag:s17], $0x4000  }
0x7a: {  	[sflag:s17] =	ssyncset.done $0x0  }
0x7b: {  	[sflag:s17] =	ssyncadd.s32 $0xFFFFC000  }
0x7c: {  	[spmem:s9] =	stream.linear.scatter [tilespmem:s20], [sflag:$0x3], $0x4000, $0x38;
	[tilespmem:$0x1C080] =	vst v63  }
0x7d: {  	_ =	swait.ge [sflag:s17], $0x4000  }
0x7e: {  	[sflag:s17] =	ssyncset.done $0x0  }
0x7f: {  	[sflag:s17] =	ssyncadd.s32 $0xFFFFC000  }
0x80: {  	[spmem:s10] =	stream.linear.scatter [tilespmem:s20], [sflag:$0x3], $0x2000, $0x38;
	[tilespmem:$0x1C080] =	vst v63  }
0x81: {  	_ =	swait.ge [sflag:s17], $0x2000  }
0x82: {  	[sflag:s17] =	ssyncset.done $0x0  }
0x83: {  	p0 =	por @!p1 $0x0, $0x0;
	s18 =	rddreg [dreg:$0x7];
	[sflag:s17] =	ssyncadd.s32 $0xFFFFE000  }
0x84: {  	[tilespmem:s4], [sflag:$0x3] =	stream.linear.gather [hbm4b:s18+s4], $0x5000, $0x38;
	[tilespmem:$0x1C080] =	vst v63  }
0x85: {  	p3 =	por @!p3 $0x1, $0x1;
	p2 =	por !p2, p1;
	_ =	swait.ge [sflag:s17], $0x5000  }
0x86: {  	p3 =	por @!p2 p0, p0;
	[sflag:s17] =	ssyncset.done $0x0  }
.Ltmp5:
0x87: {  	p0 =	por $0x0, $0x0;
	[sflag:s17] =	ssyncadd.s32 $0xFFFFB000;
	(pc) =	sbr.rel @p4 .LBB2_9-.Ltmp5, $4  }
0x88: {  	p0 =	por @!p1 p3, p3;
	[bflag:$0x0] =	sbarrier.arrive $0xFFFF  }
0x89: {  	[tilespmem:s26], [sflag:$0x1] =	stream.indirect.gather @!p1 [hbm4b:s5+s24], $0x80, s25, s24, $0xb8;
	[tilespmem:$0x1C080] =	vst v63  }
0x8a: {  	s1 =	simm.s32 @p0 $0x80;
	s2 =	simm.s32 @p0 $0xE080  }
0x8b: {  	[tilespmem:s2], [sflag:$0x2] =	stream.indirect.gather @p0 [hbm4b:s5+s1], $0x80, s1, s1, $0xb8;
	[tilespmem:$0x1C080] =	vst v63  }
0x8c: {  	_ =	swait.ge [sflag:s19], $0x4000;
	s1 =	simm.s32 $0x5000  }
0x8d: {  	s24 =	sadd.s32 $0xFFFFFFFF, s28;
	s2 =	simm.s32 $0x100;
	[sflag:s19] =	ssyncset.done $0x0  }
0x8e: {  	s25 =	simm.s32 $0x200;
	p0 =	sle.s32 s23, $0x2;
	[sflag:s19] =	ssyncadd.s32 $0xFFFFC000  }
0x8f: {  	[spmem:s3] =	stream.indirect.scatter.add.f32 [tilespmem:s20], [sflag:$0x3], $0x80, s1, s21, $0xb8;
	[tilespmem:$0x1C080] =	vst v63  }
0x90: {  	p1 =	sle.s32 s23, $0x1;
	p2 =	sne.s32 s24, $0x0;
	_ =	swait.ge [sflag:s17], $0x4000  }
0x91: {  	s7 =	simm.s32 @!p0 $0xA080;
	s11 =	simm.s32 @!p1 $0x2;
	[sflag:s17] =	ssyncset.done $0x0  }
0x92: {  	s12 =	simm.s32 @!p1 $0x5080;
	s1 =	simm.s32 @!p0 $0x80;
	[sflag:s17] =	ssyncadd.s32 $0xFFFFC000  }
0x93: {  	[tilespmem:s7], [sflag:$0x1] =	stream.indirect.gather @!p0 [hbm4b:s5+s1], $0x80, s2, s1, $0xb8;
	[tilespmem:$0x1C080] =	vst v63  }
0x94: {  	s1 =	simm.s32 @!p1 $0x80;
	s7 =	simm.s32 @!p1 $0xE080;
	_ =	swait.ge @!p1 [sflag:s11], $0x4000  }
.Ltmp6:
0x95: {  	p0 =	sle.s32 @!p1 s23, $0x3;
	[sflag:s11] =	ssyncset.done @!p1 $0x0;
	(pc) =	sbr.rel @!p2 .LBB2_8-.Ltmp6, $4  }
0x96: {  	s2 =	simm.s32 @!p1 $0x3;
	p0 =	por p0, p1;
	[sflag:s11] =	ssyncadd.s32 @!p1 $0xFFFFC000  }
0x97: {  	[spmem:s3] =	stream.indirect.scatter.add.f32 @!p1 [tilespmem:s7], [sflag:$0x3], $0x80, s12, s1, $0xb8;
	[tilespmem:$0x1C080] =	vst v63  }
0x98: {  	s26 =	simm.s32 $0x3;
	s18 =	simm.s32 @!p0 $0x180;
	_ =	swait.ge @!p1 [sflag:s2], $0x4000  }
0x99: {  	s16 =	simm.s32 @!p0 $0xE080;
	s1 =	simm.s32 $0x5100;
	[sflag:s2] =	ssyncset.done @!p1 $0x0  }
.LBB2_7:
0x9a: {  	s24 =	sadd.s32 $0xFFFFFFFF, s24;
	[sflag:s2] =	ssyncadd.s32 @!p1 $0xFFFFC000;
	s2 =	simm.s32 @!p0 $0x80  }
0x9b: {  	[tilespmem:s16], [sflag:$0x2] =	stream.indirect.gather @!p0 [hbm4b:s5+s2], $0x80, s18, s2, $0xb8;
	[tilespmem:$0x1C080] =	vst v63  }
0x9c: {  	s7 =	smov.u32 s25;
	p2 =	sne.s32 s24, $0x0;
	_ =	swait.ge [sflag:s19], $0x4000  }
0x9d: {  	s25 =	sadd.s32 $0x100, s25;
	s2 =	smov.u32 s26;
	[sflag:s19] =	ssyncset.done $0x0  }
0x9e: {  	s26 =	sadd.s32 $0x2, s26;
	s11 =	sadd.s32 $0x1, s2;
	[sflag:s19] =	ssyncadd.s32 $0xFFFFC000  }
0x9f: {  	[spmem:s3] =	stream.indirect.scatter.add.f32 [tilespmem:s20], [sflag:$0x3], $0x80, s1, s21, $0xb8;
	[tilespmem:$0x1C080] =	vst v63  }
0xa0: {  	p1 =	sge.s32 s2, s23;
	p0 =	sge.s32 s11, s23;
	_ =	swait.ge [sflag:s17], $0x4000  }
0xa1: {  	s11 =	simm.s32 @!p0 $0x80;
	s12 =	simm.s32 @!p0 $0xA080;
	[sflag:s17] =	ssyncset.done $0x0  }
0xa2: {  	s13 =	simm.s32 @!p1 $0x2;
	s16 =	sadd.s32 @!p1 $0x2, s2;
	[sflag:s17] =	ssyncadd.s32 $0xFFFFC000  }
0xa3: {  	[tilespmem:s12], [sflag:$0x1] =	stream.indirect.gather @!p0 [hbm4b:s5+s11], $0x80, s7, s11, $0xb8;
	[tilespmem:$0x1C080] =	vst v63  }
0xa4: {  	s11 =	simm.s32 @!p1 $0x80;
	s12 =	simm.s32 @!p1 $0xE080;
	_ =	swait.ge @!p1 [sflag:s13], $0x4000  }
.Ltmp7:
0xa5: {  	s18 =	sadd.s32 @!p1 $0x80, s1;
	[sflag:s13] =	ssyncset.done @!p1 $0x0;
	(pc) =	sbr.rel @p2 .LBB2_7-.Ltmp7, $4  }
0xa6: {  	s2 =	simm.s32 @!p1 $0x3;
	p0 =	sge.s32 @!p1 s16, s23;
	[sflag:s13] =	ssyncadd.s32 @!p1 $0xFFFFC000  }
0xa7: {  	[spmem:s3] =	stream.indirect.scatter.add.f32 @!p1 [tilespmem:s12], [sflag:$0x3], $0x80, s18, s11, $0xb8;
	[tilespmem:$0x1C080] =	vst v63  }
0xa8: {  	s1 =	sadd.s32 $0x100, s1;
	p0 =	por p0, p1;
	_ =	swait.ge @!p1 [sflag:s2], $0x4000  }
0xa9: {  	s16 =	simm.s32 @!p0 $0xE080;
	s18 =	sadd.s32 @!p0 $0x80, s7;
	[sflag:s2] =	ssyncset.done @!p1 $0x0  }
.Ltmp8:
0xaa: {  	_ = 	snop;
	(pc) =	sbr.rel .LBB2_8-.Ltmp8, $1  }
0xab: {  	_ =	sdelay $0x3  }
.LBB2_10:
0xac: {  	_ =	sfence.sel $0x180000  }
0xad: {  	[bflag:$0x0] =	sbarrier.arrive $0xFFFF  }
0xae: {  	_ =	strace $0x9000004D  }
0xaf: {  	[bflag:$0x2] =	sbarrier.arrive $0xFFFF  }
0xb0: {  	p0 =	sne.s32 s0, $0x0;
	s0 =	rddreg [dreg:$0x3]  }
0xb1: {  	s0 =	sadd.s32 @!p0 $0x100000, s0  }
0xb2: {  	[sflag:s0] =	ssyncadd.tile.s32 @!p0 $0x1;
	_ =	shalt  }
.Lfunc_end2:
_tile_overlayer_lowered:
.L_overlay_start_2:
0xb3: {  	(tag) =	ssettag $0x2  }
0xb4: {  	s0 =	rddreg [dreg:$0x0];
	s2 =	stileid.u32  }
0xb5: {  	s1 =	rddreg [dreg:$0x1];
	p0 =	sne.s32 s2, $0x0  }
0xb6: {  	s3 =	rddreg [dreg:$0x2];
	[bflag:$0x3] =	sbarrier.arrive $0xFFFF;
	s2 =	simm.s32 @!p0 $0x1C03  }
0xb7: {  	[timem:s3], [sflag:s2] =	dma.local @!p0 [hbm:s0], s1  }
0xb8: {  	s0 =	simm.s32 @!p0 $0x3  }
0xb9: {  	_ =	swait.ge @!p0 [sflag:s0], s1  }
0xba: {  	s1 =	ssub.s32 @!p0 $0x0, s1;
	[sflag:s0] =	ssyncset.done @!p0 $0x0  }
0xbb: {  	[sflag:s0] =	ssyncadd.s32 @!p0 s1  }
0xbc: {  	[bflag:$0x3] =	sbarrier.arrive $0xFFFF  }
0xbd: {  	_ =	shalt  }

// kernel: kernel.7.cloned.1.call-start
scs
__scs_entry_jumppad:
0x0: {  	(pc) =	sbr.rel $0x88, $3  }
0x1: {  	(tag) =	ssettag $0x0;
	lr =	simm.s32 $0x1  }
0x2: {  	[smem:$0x3F94] =	sst lr;
	_ =	strace $0xD0000000  }
0x3: {  	_ = 	snop  }
0x4: {  	_ = 	snop  }
0x5: {  	_ = 	snop  }
0x6: {  	_ = 	snop  }
0x7: {  	_ = 	snop  }
__scs_overlays_trampoline_lowered:
0x8: {  	[smem:$0x3FA3] =	sst s0  }
0x9: {  	[smem:$0x3FA4] =	sst s1  }
0xa: {  	[smem:$0x3FA5] =	sst s2  }
0xb: {  	[smem:$0x3FA6] =	sst s3  }
0xc: {  	[smem:$0x3FA7] =	sst s4  }
0xd: {  	[smem:$0x3FA8] =	sst s5  }
0xe: {  	[smem:$0x3FA9] =	sst s6  }
0xf: {  	[smem:$0x3FAA] =	sst s7  }
0x10: {  	[smem:$0x3FAB] =	sst s8  }
0x11: {  	[smem:$0x3FAC] =	sst s9;
	s0 =	simm.s32 @!p0 $0x0  }
0x12: {  	s1 =	sld [smem:$0x3F92];
	s0 =	simm.s32 @p0 $0x1  }
0x13: {  	[smem:$0x3FAD] =	sst s0;
	s0 =	simm.s32 @!p1 $0x0  }
0x14: {  	s2 =	sld [smem:$0x3F91];
	s0 =	simm.s32 @p1 $0x1  }
0x15: {  	[smem:$0x3FAE] =	sst s0;
	s0 =	simm.s32 @!p2 $0x0  }
0x16: {  	s3 =	sld [smem:$0x3FDB];
	s0 =	simm.s32 @p2 $0x1  }
0x17: {  	s4 =	simm.s32 $0x1BF5;
	[smem:$0x3FB0] =	sst s0  }
0x18: {  	s0 =	sld [smem:$0x3F93];
	_ =	swait.ge [sflag:s4], $0x0  }
0x19: {  	s7 =	sld [smem:$0x3F94]  }
0x1a: {  	s8 =	sadd.s32 $0xFFFFE003, lr  }
0x1b: {  	s9 =	sadd.s32 $0xFFFFFEF7, lr;
	s5 =	simm.s32 $0xFFFFFFFF;
	p2 =	slt.u32 s8, $0xFFFFF086  }
0x1c: {  	p1 =	slt.u32 s9, $0xF7A;
	s5 =	simm.s32 @!p2 $0x0  }
0x1d: {  	s5 =	simm.s32 @p1 $0x1;
	p0 =	seq.s32 s7, s2  }
0x1e: {  	s7 =	smul.u32 @!p0 $0xF7A, s2;
	p2 =	seq.s32 @!p0 s5, $0x0  }
0x1f: {  	s9 =	smul.u32 $0xF7A, s1;
	s8 =	simm.s32 @!p0 $0x1BF5;
	p2 =	por !p2, p0  }
0x20: {  	[sflag:s8] =	ssyncset.s32 @!p0 $0xFFFFF086;
	s6 =	sadd.s32 @!p0 s3, s7;
	s7 =	simm.s32 @!p0 $0x108  }
0x21: {  	s3 =	sadd.s32 s3, s9;
	s6 =	sadd.s32 @!p0 $0x88, s6;
	s7 =	simm.s32 @p2 $0x1082  }
0x22: {  	[simem:s7], [sflag:s8] =	dma.local @!p0 [hbm:s6], $0xF7A  }
0x23: {  	s9 =	sor.u32 $0xD0000000, s2;
	s6 =	simm.s32 $0x108;
	_ =	swait.ge @!p0 [sflag:s8], $0x0  }
0x24: {  	s3 =	sadd.s32 $0x88, s3;
	s6 =	simm.s32 @!p1 $0x1082;
	[sflag:s4] =	ssyncset.s32 $0xFFFFF086  }
0x25: {  	[simem:s6], [sflag:s4] =	dma.local [hbm:s3], $0xF7A  }
0x26: {  	[smem:$0x3F94] =	sst s1;
	(tag) =	ssettag s2;
	_ =	strace s9  }
0x27: {  	s1 =	sld [smem:$0x3FA4]  }
0x28: {  	s2 =	sld [smem:$0x3FA5]  }
0x29: {  	s4 =	sld [smem:$0x3FA7]  }
0x2a: {  	p0 =	seq.s32 s5, $0x0;
	s5 =	sld [smem:$0x3FA8]  }
0x2b: {  	s6 =	sld [smem:$0x3FA9]  }
0x2c: {  	s7 =	sld [smem:$0x3FAA]  }
0x2d: {  	s3 =	simm.s32 $0x108;
	s8 =	sld [smem:$0x3FAB]  }
0x2e: {  	s3 =	simm.s32 @!p0 $0x1082;
	s9 =	sld [smem:$0x3FAC]  }
0x2f: {  	lr =	sadd.s32 s0, s3;
	s0 =	sld [smem:$0x3FA3]  }
0x30: {  	s3 =	sld [smem:$0x3FA6]  }
0x31: {  	[smem:$0x3FAF] =	sst s10  }
0x32: {  	s10 =	sld [smem:$0x3FAD];
	_ =	sdelay $0x3  }
0x33: {  	p0 =	seq.s32 s10, $0x1;
	s10 =	sld [smem:$0x3FAF];
	_ =	sdelay $0x3  }
0x34: {  	[smem:$0x3FAF] =	sst s10  }
0x35: {  	s10 =	sld [smem:$0x3FAE];
	_ =	sdelay $0x3  }
0x36: {  	p1 =	seq.s32 s10, $0x1;
	s10 =	sld [smem:$0x3FAF];
	_ =	sdelay $0x3  }
0x37: {  	[smem:$0x3FAF] =	sst s10  }
0x38: {  	s10 =	sld [smem:$0x3FB0]  }
0x39: {  	_ = 	snop;
	(pc) =	sbr.ind lr, $3  }
0x3a: {  	_ = 	snop  }
0x3b: {  	_ = 	snop  }
0x3c: {  	p2 =	seq.s32 s10, $0x1;
	s10 =	sld [smem:$0x3FAF]  }
0x3d: {  	_ =	shalt  }
0x3e: {  	_ =	shalt  }
0x3f: {  	_ =	shalt  }
0x40: {  	_ =	shalt  }
0x41: {  	_ =	shalt  }
0x42: {  	_ =	shalt  }
0x43: {  	_ =	shalt  }
0x44: {  	_ =	shalt  }
0x45: {  	_ =	shalt  }
0x46: {  	_ =	shalt  }
0x47: {  	_ =	shalt  }
0x48: {  	_ =	shalt  }
0x49: {  	_ =	shalt  }
0x4a: {  	_ =	shalt  }
0x4b: {  	_ =	shalt  }
0x4c: {  	_ =	shalt  }
0x4d: {  	_ =	shalt  }
0x4e: {  	_ =	shalt  }
0x4f: {  	_ =	shalt  }
0x50: {  	_ =	shalt  }
0x51: {  	_ =	shalt  }
0x52: {  	_ =	shalt  }
0x53: {  	_ =	shalt  }
0x54: {  	_ =	shalt  }
0x55: {  	_ =	shalt  }
0x56: {  	_ =	shalt  }
0x57: {  	_ =	shalt  }
0x58: {  	_ =	shalt  }
0x59: {  	_ =	shalt  }
0x5a: {  	_ =	shalt  }
0x5b: {  	_ =	shalt  }
0x5c: {  	_ =	shalt  }
0x5d: {  	_ =	shalt  }
0x5e: {  	_ =	shalt  }
0x5f: {  	_ =	shalt  }
0x60: {  	_ =	shalt  }
0x61: {  	_ =	shalt  }
0x62: {  	_ =	shalt  }
0x63: {  	_ =	shalt  }
0x64: {  	_ =	shalt  }
0x65: {  	_ =	shalt  }
0x66: {  	_ =	shalt  }
0x67: {  	_ =	shalt  }
0x68: {  	_ =	shalt  }
0x69: {  	_ =	shalt  }
0x6a: {  	_ =	shalt  }
0x6b: {  	_ =	shalt  }
0x6c: {  	_ =	shalt  }
0x6d: {  	_ =	shalt  }
0x6e: {  	_ =	shalt  }
0x6f: {  	_ =	shalt  }
0x70: {  	_ =	shalt  }
0x71: {  	_ =	shalt  }
0x72: {  	_ =	shalt  }
0x73: {  	_ =	shalt  }
0x74: {  	_ =	shalt  }
0x75: {  	_ =	shalt  }
0x76: {  	_ =	shalt  }
0x77: {  	_ =	shalt  }
0x78: {  	_ =	shalt  }
0x79: {  	_ =	shalt  }
0x7a: {  	_ =	shalt  }
0x7b: {  	_ =	shalt  }
0x7c: {  	_ =	shalt  }
0x7d: {  	_ =	shalt  }
0x7e: {  	_ =	shalt  }
0x7f: {  	_ =	shalt  }
0x80: {  	_ =	shalt  }
0x81: {  	_ =	shalt  }
0x82: {  	_ =	shalt  }
0x83: {  	_ =	shalt  }
0x84: {  	_ =	shalt  }
0x85: {  	_ =	shalt  }
0x86: {  	_ =	shalt  }
0x87: {  	_ =	shalt  }
.Lfunc_end0:
.L_simem_size_0:
called_computation.1_lowered:
.L_overlay_start_0:
0x88: {  	s2 =	sld [smem:$0x3FD9]  }
0x89: {  	s3 =	sld [smem:$0x3FFE];
	_ =	sdelay $0x1  }
0x8a: {  	s1 =	srdreg.scid  }
0x8b: {  	s0 =	sand.u32 $0x1, s1  }
0x8c: {  	s17 =	sshll.u32 s0, $0xA;
	s2 =	sadd.s32 s3, s2  }
0x8d: {  	s2 =	sadd.s32 s2, s17  }
0x8e: {  	[smem:$0x3FBB] =	sst s2  }
0x8f: {  	_ = 	snop  }
0x90: {  	s2 =	sld [smem:$0x3FC9]  }
0x91: {  	s18 =	sld [smem:$0x3FD0];
	(tm) =	ssettm $0x1  }
0x92: {  	s4 =	sld [smem:$0x3FFB];
	_ =	sdelay $0x3  }
0x93: {  	_ =	strace s4  }
0x94: {  	s4 =	sld [smem:$0x3FFC];
	_ =	sdelay $0x3  }
0x95: {  	_ =	strace s4  }
0x96: {  	s4 =	sld [smem:$0x3FFD];
	_ =	sdelay $0x3  }
0x97: {  	_ =	strace s4  }
0x98: {  	_ =	strace $0x8FFFFFFF  }
0x99: {  	s19 =	sld [smem:$0x3FDB];
	_ =	sdelay $0x1  }
0x9a: {  	s5 =	simm.s32 $_scs_section_size  }
0x9b: {  	s6 =	simm.s32 $_size__tile_overlayer_lowered;
	s7 =	simm.s32 $_tile_overlayer_lowered  }
0x9c: {  	s22 =	simm.s32 $0x1BFF;
	s21 =	sshll.u32 s7, $0x1;
	s4 =	sadd.s32 s5, s19  }
0x9d: {  	s8 =	simm.s32 $0x0;
	s20 =	sshll.u32 s6, $0x1;
	s6 =	sadd.s32 s21, s4  }
0x9e: {  	[timem:s8], [sflag:s22] =	dma.local [hbm:s6], s20  }
0x9f: {  	_ =	swait.ge [sflag:s22], s20  }
0xa0: {  	s5 =	ssub.s32 $0x0, s20;
	[sflag:s22] =	ssyncset.done $0x0  }
0xa1: {  	[sflag:s22] =	ssyncadd.s32 s5;
	_ =	sdelay $0x1  }
0xa2: {  	s23 =	simm.s32 $0x1B8B  }
0xa3: {  	_ =	swait.ge [sflag:s23], $0x1  }
0xa4: {  	[sflag:s23] =	ssyncset.done $0x0  }
0xa5: {  	s25 =	simm.s32 $0x1B8E;
	s24 =	sld [smem:$0x3FFE];
	[sflag:s23] =	ssyncadd.s32 $0xFFFFFFFF  }
0xa6: {  	s26 =	simm.s32 $execute0_lowered;
	[smem:$0x3FD2] =	sst s25  }
0xa7: {  	s6 =	sshll.u32 s26, $0x1;
	_ =	strace $0x80000049;
	[dreg:$0x1] =	wrdreg $0xFFFFFFFF  }
0xa8: {  	s28 =	simm.s32 $_size_execute0_lowered;
	s4 =	sadd.s32 s4, s6;
	[dreg:$0x0] =	wrdreg $0x0  }
0xa9: {  	s6 =	sshll.u32 s28, $0x1;
	[dreg:$0x2] =	wrdreg s4  }
0xaa: {  	[dreg:$0x3] =	wrdreg s6  }
0xab: {  	[dreg:$0x4] =	wrdreg $0xC0  }
0xac: {  	_ =	task [dreg:s8], $0x5FFFF  }
0xad: {  	[dreg:$0x1] =	wrdreg $0xFFFFFFFF  }
0xae: {  	[dreg:$0x0] =	wrdreg $0x60  }
0xaf: {  	[dreg:$0x2] =	wrdreg s2  }
0xb0: {  	[dreg:$0x3] =	wrdreg s24  }
0xb1: {  	[dreg:$0x4] =	wrdreg s18  }
0xb2: {  	[dreg:$0x5] =	wrdreg $0x120800  }
0xb3: {  	[dreg:$0x6] =	wrdreg $0x9  }
0xb4: {  	_ =	task.clear_ibuf [dreg:s8], $0x7FFFF;
	_ =	strace $0x90000049  }
0xb5: {  	s29 =	simm.s32 $0x9;
	_ =	strace $0x8000004B  }
0xb6: {  	_ =	swait.ge [sflag:s29], $0x1  }
0xb7: {  	[sflag:s29] =	ssyncadd.s32 $0xFFFFFFFF  }
0xb8: {  	_ =	strace $0x9000004B  }
0xb9: {  	_ =	sfence  }
0xba: {  	s30 =	sld [smem:$0x0];
	_ =	sdelay $0x2  }
0xbb: {  	s31 =	sshll.u32 s1, $0xD;
	s1 =	sshrl.u32 s1, $0x2  }
0xbc: {  	s3 =	sand.u32 $0x4000, s31;
	s1 =	sadd.s32 s1, s30  }
0xbd: {  	s0 =	sor.u32 s3, s0;
	s1 =	sshll.u32 s1, $0x11  }
0xbe: {  	s0 =	sor.u32 s1, s0  }
0xbf: {  	s0 =	sadd.s32 $0x8F2B, s0  }
0xc0: {  	[sflag:s0] =	ssyncadd.remote.s32 $0x1  }
0xc1: {  	_ =	sfence.sel $0xFFFF  }
0xc2: {  	[dreg:$0x0] =	wrdreg $0xFFFFFFFF;
	(pc) =	sbr.abs _section_cstart, $3  }
0xc3: {  	[dreg:$0x1] =	wrdreg $0xFFFFFFFF  }
0xc4: {  	_ =	task.clear_ibuf [dreg:s8], $0x2FFFF;
	_ =	strace $0x9FFFFFFF  }
0xc5: {  	(tm) =	ssettm $0x7FFFFFFF  }
tec
execute0_lowered:
.L_overlay_start_1:
0x0: {  	(tag) =	ssettag $0x1  }
0x1: {  	s0 =	rddreg [dreg:$0x0]  }
0x2: {  	s7 =	rddreg [dreg:$0x1];
	s1 =	srdreg.scid  }
0x3: {  	s4 =	rddreg [dreg:$0x3];
	s14 =	sand.u32 $0x1, s1  }
0x4: {  	s5 =	simm.s32 $0x0;
	s1 =	stileid.u32;
	s6 =	smul.u32 $0x50000, s14  }
0x5: {  	s15 =	simm.s32 $0x3;
	s16 =	simm.s32 $0xA000;
	s8 =	smul.u32 $0x5000, s1  }
0x6: {  	s17 =	simm.s32 $0x1;
	s18 =	simm.s32 $0xA080;
	s9 =	smul.u32 $0xA0000, s14  }
0x7: {  	s19 =	simm.s32 $0x80;
	[smem:$0x7FF] =	sst s5;
	s29 =	smul.u32 $0xA000, s1  }
0x8: {  	s20 =	simm.s32 $0x0;
	_ =	strace $0x8000004A;
	s10 =	smul.u32 $0x28000, s1  }
0x9: {  	s30 =	ssub.s32 $0x2, s14;
	p0 =	seq.s32 s14, $0x0;
	s14 =	simm.s32 $0x5000  }
0xa: {  	s31 =	sshrl.u32 s30, $0x1;
	s6 =	sadd.s32 s8, s6;
	s8 =	sadd.s32 s29, s9  }
.Ltmp0:
0xb: {  	s10 =	sshrl.u32 s10, $0x2;
	s6 =	sshrl.u32 s6, $0x3;
	(pc) =	sbr.rel .LBB2_1-.Ltmp0, $4  }
0xc: {  	s13 =	ssub.s32 s30, s31;
	s8 =	sshrl.u32 s8, $0x3;
	s11 =	sadd.s32 s6, s7  }
0xd: {  	s6 =	sadd.s32 $0x28600, s7;
	s12 =	sadd.s32 s8, s7;
	s7 =	sadd.s32 s10, s4  }
0xe: {  	s13 =	smax.u32 s13, $0x1;
	s8 =	sadd.s32 $0x14600, s11;
	s9 =	sadd.s32 $0x4000, s7  }
0xf: {  	s10 =	sadd.s32 $0x8000, s7;
	s11 =	sadd.s32 $0x600, s11;
	s12 =	sadd.s32 $0x28E00, s12  }
.LBB2_4:
0x10: {  	[sflag:s26] =	ssyncadd.s32 @!p1 $0xFFFFC000;
	s2 =	simm.s32 @!p3 $0x80  }
0x11: {  	[tilespmem:s29], [sflag:$0x2] =	stream.indirect.gather @!p3 [hbm4b:s0+s2], $0x80, s28, s2, $0xb8;
	[tilespmem:$0x1C080] =	vst v63  }
.LBB2_5:
0x12: {  	s20 =	sadd.s32 $0x1, s20  }
0x13: {  	s2 =	sshll.u32 s1, $0x6;
	[bflag:$0x0] =	sbarrier.arrive $0xFFFF;
	p1 =	sne.s32 s20, s13  }
.Ltmp1:
0x14: {  	s3 =	sshrl.u32 s7, $0x3;
	s2 =	sor.u32 $0x1C03, s2;
	(pc) =	sbr.rel @!p1 .LBB2_6-.Ltmp1, $4  }
0x15: {  	[hbm:s12], [sflag:s2] =	dma.local [spmem:s3], $0x1400  }
0x16: {  	_ =	swait.ge [sflag:s15], $0x1400  }
0x17: {  	[sflag:s15] =	ssyncset.done $0x0  }
0x18: {  	[sflag:s15] =	ssyncadd.s32 $0xFFFFEC00  }
.LBB2_1:
0x19: {  	[tilespmem:s14], [sflag:$0x3] =	stream.linear.gather [hbm4b:s8+s5], $0x5000, $0x38;
	[tilespmem:$0x1C080] =	vst v63  }
0x1a: {  	_ =	swait.ge [sflag:s15], $0x5000  }
0x1b: {  	[sflag:s15] =	ssyncset.done $0x0  }
0x1c: {  	[sflag:s15] =	ssyncadd.s32 $0xFFFFB000  }
0x1d: {  	s2 =	rddreg [dreg:$0x2]  }
0x1e: {  	[tilespmem:s16], [sflag:$0x3] =	stream.linear.gather [hbm4b:s2+s5], $0x80, $0x38;
	[tilespmem:$0x1C080] =	vst v63  }
0x1f: {  	_ =	swait.ge [sflag:s15], $0x80  }
0x20: {  	[sflag:s15] =	ssyncset.done $0x0  }
0x21: {  	[sflag:s15] =	ssyncadd.s32 $0xFFFFFF80  }
0x22: {  	v0 =	vld [tilespmem:$0xA000];
	_ =	sdelay $0x4  }
0x23: {  	(v2sf) =	vpush v0, $0x0  }
0x24: {  	(v2sf) =	vpush v0, $0x1;
	_ =	sdelay $0xc  }
0x25: {  	[tilespmem:s18], [sflag:$0x3] =	stream.linear.gather [hbm4b:s6+s5], $0x4000, $0x38;
	[tilespmem:$0x1C080] =	vst v63  }
0x26: {  	s21 =	spop (v2sf)  }
0x27: {  	s22 =	spop (v2sf)  }
0x28: {  	_ =	swait.ge [sflag:s15], $0x4000  }
0x29: {  	[sflag:s15] =	ssyncset.done $0x0  }
0x2a: {  	s22 =	smov.u32 @p0 s21;
	[sflag:s15] =	ssyncadd.s32 $0xFFFFC000  }
0x2b: {  	[spmem:s7] =	stream.linear.scatter [tilespmem:s18], [sflag:$0x3], $0x4000, $0x38;
	[tilespmem:$0x1C080] =	vst v63  }
0x2c: {  	s21 =	sadd.s32 $0xF, s22;
	_ =	swait.ge [sflag:s15], $0x4000  }
0x2d: {  	s22 =	ssub.s32 s21, s1;
	p1 =	sne.s32 s21, s1;
	[sflag:s15] =	ssyncset.done $0x0  }
0x2e: {  	s21 =	simm.s32 $0x1;
	s23 =	sshra.s32 s22, $0x1F;
	[sflag:s15] =	ssyncadd.s32 $0xFFFFC000  }
0x2f: {  	[spmem:s9] =	stream.linear.scatter [tilespmem:s18], [sflag:$0x3], $0x4000, $0x38;
	[tilespmem:$0x1C080] =	vst v63  }
0x30: {  	s21 =	simm.s32 @!p1 $0x0;
	s26 =	sand.u32 $0xF, s22;
	_ =	swait.ge [sflag:s15], $0x4000  }
0x31: {  	s24 =	sshrl.u32 s23, $0x1C;
	s21 =	sor.u32 s21, s23;
	[sflag:s15] =	ssyncset.done $0x0  }
0x32: {  	p2 =	sne.s32 s26, $0x0;
	p4 =	sne.s32 s21, $0x1;
	[sflag:s15] =	ssyncadd.s32 $0xFFFFC000  }
0x33: {  	[spmem:s10] =	stream.linear.scatter [tilespmem:s18], [sflag:$0x3], $0x2000, $0x38;
	[tilespmem:$0x1C080] =	vst v63  }
0x34: {  	s28 =	sadd.s32 s24, s22;
	p1 =	por !p2, !p4;
	_ =	swait.ge [sflag:s15], $0x2000  }
0x35: {  	s22 =	simm.s32 $0x1;
	p1 =	por !p1, !p1;
	[sflag:s15] =	ssyncset.done $0x0  }
0x36: {  	s21 =	sshra.s32 s28, $0x4;
	s22 =	simm.s32 @!p1 $0x0;
	[sflag:s15] =	ssyncadd.s32 $0xFFFFE000  }
0x37: {  	[tilespmem:s5], [sflag:$0x3] =	stream.linear.gather [hbm4b:s11+s5], $0x5000, $0x38;
	[tilespmem:$0x1C080] =	vst v63  }
0x38: {  	s21 =	ssub.s32 s21, s22;
	_ =	swait.ge [sflag:s15], $0x5000  }
0x39: {  	p1 =	slt.s32 s21, $0x1;
	s29 =	sadd.s32 $0x1, s21;
	[sflag:s15] =	ssyncset.done $0x0  }
0x3a: {  	s22 =	simm.s32 @!p1 $0x80;
	s23 =	simm.s32 @!p1 $0x0;
	[sflag:s15] =	ssyncadd.s32 $0xFFFFB000  }
0x3b: {  	s24 =	simm.s32 @!p1 $0xA080;
	p2 =	seq.s32 @!p1 s21, $0x1;
	[bflag:$0x0] =	sbarrier.arrive $0xFFFF  }
0x3c: {  	[tilespmem:s24], [sflag:$0x1] =	stream.indirect.gather @!p1 [hbm4b:s0+s22], $0x80, s23, s22, $0xb8;
	[tilespmem:$0x1C080] =	vst v63  }
0x3d: {  	p5 =	slt.s32 s21, $0x0;
	s30 =	sand.u32 $0x1, s29;
	p1 =	por p2, p1  }
0x3e: {  	p6 =	seq.s32 s30, $0x1;
	s22 =	simm.s32 @!p1 $0x80;
	s23 =	simm.s32 @!p1 $0xE080  }
0x3f: {  	[tilespmem:s23], [sflag:$0x2] =	stream.indirect.gather @!p1 [hbm4b:s0+s22], $0x80, s22, s22, $0xb8;
	[tilespmem:$0x1C080] =	vst v63  }
0x40: {  	s31 =	sshrl.u32 s29, $0x1F;
	p1 =	por !p5, !p6  }
0x41: {  	s22 =	sadd.s32 s31, s29;
	s23 =	simm.s32 $0x1;
	p1 =	por !p1, !p1  }
0x42: {  	s22 =	sshra.s32 s22, $0x1;
	s23 =	simm.s32 @!p1 $0x0  }
0x43: {  	s22 =	ssub.s32 s22, s23  }
0x44: {  	p1 =	slt.s32 s22, $0x1  }
.Ltmp2:
0x45: {  	_ = 	snop;
	(pc) =	sbr.rel @p1 .LBB2_5-.Ltmp2, $2  }
0x46: {  	_ =	sdelay $0x2  }
0x47: {  	s24 =	simm.s32 $0x100  }
0x48: {  	_ =	swait.ge [sflag:s17], $0x4000  }
0x49: {  	s22 =	sadd.s32 $0xFFFFFFFF, s22;
	[sflag:s17] =	ssyncset.done $0x0  }
0x4a: {  	s23 =	simm.s32 $0x200;
	p3 =	sle.s32 s21, $0x2;
	[sflag:s17] =	ssyncadd.s32 $0xFFFFC000  }
0x4b: {  	[spmem:s4] =	stream.indirect.scatter.add.f32 [tilespmem:s18], [sflag:$0x3], $0x80, s14, s19, $0xb8;
	[tilespmem:$0x1C080] =	vst v63  }
0x4c: {  	p1 =	sle.s32 s21, $0x1;
	p2 =	sne.s32 s22, $0x0;
	_ =	swait.ge [sflag:s15], $0x4000  }
0x4d: {  	s25 =	simm.s32 @!p3 $0x80;
	s26 =	simm.s32 @!p3 $0xA080;
	[sflag:s15] =	ssyncset.done $0x0  }
0x4e: {  	s28 =	simm.s32 @!p1 $0x2;
	s29 =	simm.s32 @!p1 $0xE080;
	[sflag:s15] =	ssyncadd.s32 $0xFFFFC000  }
0x4f: {  	[tilespmem:s26], [sflag:$0x1] =	stream.indirect.gather @!p3 [hbm4b:s0+s25], $0x80, s24, s25, $0xb8;
	[tilespmem:$0x1C080] =	vst v63  }
0x50: {  	s30 =	simm.s32 @!p1 $0x5080;
	s25 =	simm.s32 @!p1 $0x80;
	_ =	swait.ge @!p1 [sflag:s28], $0x4000  }
.Ltmp3:
0x51: {  	p3 =	sle.s32 @!p1 s21, $0x3;
	[sflag:s28] =	ssyncset.done @!p1 $0x0;
	(pc) =	sbr.rel @!p2 .LBB2_4-.Ltmp3, $4  }
0x52: {  	s26 =	simm.s32 @!p1 $0x3;
	p3 =	por p3, p1;
	[sflag:s28] =	ssyncadd.s32 @!p1 $0xFFFFC000  }
0x53: {  	[spmem:s4] =	stream.indirect.scatter.add.f32 @!p1 [tilespmem:s29], [sflag:$0x3], $0x80, s30, s25, $0xb8;
	[tilespmem:$0x1C080] =	vst v63  }
0x54: {  	s24 =	simm.s32 $0x3;
	s28 =	simm.s32 @!p3 $0x180;
	_ =	swait.ge @!p1 [sflag:s26], $0x4000  }
0x55: {  	s25 =	simm.s32 $0x5100;
	s29 =	simm.s32 @!p3 $0xE080;
	[sflag:s26] =	ssyncset.done @!p1 $0x0  }
.LBB2_3:
0x56: {  	s22 =	sadd.s32 $0xFFFFFFFF, s22;
	[sflag:s26] =	ssyncadd.s32 @!p1 $0xFFFFC000;
	s26 =	simm.s32 @!p3 $0x80  }
0x57: {  	[tilespmem:s29], [sflag:$0x2] =	stream.indirect.gather @!p3 [hbm4b:s0+s26], $0x80, s28, s26, $0xb8;
	[tilespmem:$0x1C080] =	vst v63  }
0x58: {  	p2 =	sne.s32 s22, $0x0;
	s28 =	smov.u32 s23;
	_ =	swait.ge [sflag:s17], $0x4000  }
0x59: {  	s23 =	sadd.s32 $0x100, s23;
	s26 =	smov.u32 s24;
	[sflag:s17] =	ssyncset.done $0x0  }
0x5a: {  	s24 =	sadd.s32 $0x2, s24;
	s29 =	sadd.s32 $0x1, s26;
	[sflag:s17] =	ssyncadd.s32 $0xFFFFC000  }
0x5b: {  	[spmem:s4] =	stream.indirect.scatter.add.f32 [tilespmem:s18], [sflag:$0x3], $0x80, s25, s19, $0xb8;
	[tilespmem:$0x1C080] =	vst v63  }
0x5c: {  	p1 =	sge.s32 s26, s21;
	p3 =	sge.s32 s29, s21;
	_ =	swait.ge [sflag:s15], $0x4000  }
0x5d: {  	s29 =	simm.s32 @!p3 $0x80;
	s30 =	simm.s32 @!p3 $0xA080;
	[sflag:s15] =	ssyncset.done $0x0  }
0x5e: {  	s31 =	simm.s32 @!p1 $0x2;
	s2 =	sadd.s32 @!p1 $0x2, s26;
	[sflag:s15] =	ssyncadd.s32 $0xFFFFC000  }
0x5f: {  	[tilespmem:s30], [sflag:$0x1] =	stream.indirect.gather @!p3 [hbm4b:s0+s29], $0x80, s28, s29, $0xb8;
	[tilespmem:$0x1C080] =	vst v63  }
0x60: {  	s29 =	simm.s32 @!p1 $0x80;
	s30 =	simm.s32 @!p1 $0xE080;
	_ =	swait.ge @!p1 [sflag:s31], $0x4000  }
.Ltmp4:
0x61: {  	s3 =	sadd.s32 @!p1 $0x80, s25;
	[sflag:s31] =	ssyncset.done @!p1 $0x0;
	(pc) =	sbr.rel @p2 .LBB2_3-.Ltmp4, $4  }
0x62: {  	s26 =	simm.s32 @!p1 $0x3;
	p3 =	sge.s32 @!p1 s2, s21;
	[sflag:s31] =	ssyncadd.s32 @!p1 $0xFFFFC000  }
0x63: {  	[spmem:s4] =	stream.indirect.scatter.add.f32 @!p1 [tilespmem:s30], [sflag:$0x3], $0x80, s3, s29, $0xb8;
	[tilespmem:$0x1C080] =	vst v63  }
0x64: {  	s25 =	sadd.s32 $0x100, s25;
	p3 =	por p3, p1;
	_ =	swait.ge @!p1 [sflag:s26], $0x4000  }
0x65: {  	s28 =	sadd.s32 @!p3 $0x80, s28;
	s29 =	simm.s32 @!p3 $0xE080;
	[sflag:s26] =	ssyncset.done @!p1 $0x0  }
.Ltmp5:
0x66: {  	_ = 	snop;
	(pc) =	sbr.rel .LBB2_4-.Ltmp5, $1  }
0x67: {  	_ =	sdelay $0x3  }
.LBB2_6:
0x68: {  	_ =	sfence.sel $0x180000  }
0x69: {  	[bflag:$0x0] =	sbarrier.arrive $0xFFFF  }
0x6a: {  	_ =	strace $0x9000004A  }
0x6b: {  	[bflag:$0x2] =	sbarrier.arrive $0xFFFF  }
0x6c: {  	p0 =	sne.s32 s1, $0x0;
	s0 =	rddreg [dreg:$0x4]  }
0x6d: {  	s0 =	sadd.s32 @!p0 $0x100000, s0  }
0x6e: {  	[sflag:s0] =	ssyncadd.tile.s32 @!p0 $0x1;
	_ =	shalt  }
.Lfunc_end2:
_tile_overlayer_lowered:
.L_overlay_start_2:
0x6f: {  	(tag) =	ssettag $0x2  }
0x70: {  	s0 =	rddreg [dreg:$0x0];
	s2 =	stileid.u32  }
0x71: {  	s1 =	rddreg [dreg:$0x1];
	p0 =	sne.s32 s2, $0x0  }
0x72: {  	s3 =	rddreg [dreg:$0x2];
	[bflag:$0x3] =	sbarrier.arrive $0xFFFF;
	s2 =	simm.s32 @!p0 $0x1C03  }
0x73: {  	[timem:s3], [sflag:s2] =	dma.local @!p0 [hbm:s0], s1  }
0x74: {  	s0 =	simm.s32 @!p0 $0x3  }
0x75: {  	_ =	swait.ge @!p0 [sflag:s0], s1  }
0x76: {  	s1 =	ssub.s32 @!p0 $0x0, s1;
	[sflag:s0] =	ssyncset.done @!p0 $0x0  }
0x77: {  	[sflag:s0] =	ssyncadd.s32 @!p0 s1  }
0x78: {  	[bflag:$0x3] =	sbarrier.arrive $0xFFFF  }
0x79: {  	_ =	shalt  }

// kernel: scatter_offload_async_start
scs
__scs_entry_jumppad:
0x0: {  	(pc) =	sbr.rel $0x88, $3  }
0x1: {  	(tag) =	ssettag $0x0;
	lr =	simm.s32 $0x1  }
0x2: {  	[smem:$0x3F94] =	sst lr;
	_ =	strace $0xD0000000  }
0x3: {  	_ = 	snop  }
0x4: {  	_ = 	snop  }
0x5: {  	_ = 	snop  }
0x6: {  	_ = 	snop  }
0x7: {  	_ = 	snop  }
__scs_overlays_trampoline_lowered:
0x8: {  	[smem:$0x3FA3] =	sst s0  }
0x9: {  	[smem:$0x3FA4] =	sst s1  }
0xa: {  	[smem:$0x3FA5] =	sst s2  }
0xb: {  	[smem:$0x3FA6] =	sst s3  }
0xc: {  	[smem:$0x3FA7] =	sst s4  }
0xd: {  	[smem:$0x3FA8] =	sst s5  }
0xe: {  	[smem:$0x3FA9] =	sst s6  }
0xf: {  	[smem:$0x3FAA] =	sst s7  }
0x10: {  	[smem:$0x3FAB] =	sst s8  }
0x11: {  	[smem:$0x3FAC] =	sst s9;
	s0 =	simm.s32 @!p0 $0x0  }
0x12: {  	s1 =	sld [smem:$0x3F92];
	s0 =	simm.s32 @p0 $0x1  }
0x13: {  	[smem:$0x3FAD] =	sst s0;
	s0 =	simm.s32 @!p1 $0x0  }
0x14: {  	s2 =	sld [smem:$0x3F91];
	s0 =	simm.s32 @p1 $0x1  }
0x15: {  	[smem:$0x3FAE] =	sst s0;
	s0 =	simm.s32 @!p2 $0x0  }
0x16: {  	s3 =	sld [smem:$0x3FDB];
	s0 =	simm.s32 @p2 $0x1  }
0x17: {  	s4 =	simm.s32 $0x1BF5;
	[smem:$0x3FB0] =	sst s0  }
0x18: {  	s0 =	sld [smem:$0x3F93];
	_ =	swait.ge [sflag:s4], $0x0  }
0x19: {  	s7 =	sld [smem:$0x3F94]  }
0x1a: {  	s8 =	sadd.s32 $0xFFFFE003, lr  }
0x1b: {  	s9 =	sadd.s32 $0xFFFFFEF7, lr;
	s5 =	simm.s32 $0xFFFFFFFF;
	p2 =	slt.u32 s8, $0xFFFFF086  }
0x1c: {  	p1 =	slt.u32 s9, $0xF7A;
	s5 =	simm.s32 @!p2 $0x0  }
0x1d: {  	s5 =	simm.s32 @p1 $0x1;
	p0 =	seq.s32 s7, s2  }
0x1e: {  	s7 =	smul.u32 @!p0 $0xF7A, s2;
	p2 =	seq.s32 @!p0 s5, $0x0  }
0x1f: {  	s9 =	smul.u32 $0xF7A, s1;
	s8 =	simm.s32 @!p0 $0x1BF5;
	p2 =	por !p2, p0  }
0x20: {  	[sflag:s8] =	ssyncset.s32 @!p0 $0xFFFFF086;
	s6 =	sadd.s32 @!p0 s3, s7;
	s7 =	simm.s32 @!p0 $0x108  }
0x21: {  	s3 =	sadd.s32 s3, s9;
	s6 =	sadd.s32 @!p0 $0x88, s6;
	s7 =	simm.s32 @p2 $0x1082  }
0x22: {  	[simem:s7], [sflag:s8] =	dma.local @!p0 [hbm:s6], $0xF7A  }
0x23: {  	s9 =	sor.u32 $0xD0000000, s2;
	s6 =	simm.s32 $0x108;
	_ =	swait.ge @!p0 [sflag:s8], $0x0  }
0x24: {  	s3 =	sadd.s32 $0x88, s3;
	s6 =	simm.s32 @!p1 $0x1082;
	[sflag:s4] =	ssyncset.s32 $0xFFFFF086  }
0x25: {  	[simem:s6], [sflag:s4] =	dma.local [hbm:s3], $0xF7A  }
0x26: {  	[smem:$0x3F94] =	sst s1;
	(tag) =	ssettag s2;
	_ =	strace s9  }
0x27: {  	s1 =	sld [smem:$0x3FA4]  }
0x28: {  	s2 =	sld [smem:$0x3FA5]  }
0x29: {  	s4 =	sld [smem:$0x3FA7]  }
0x2a: {  	p0 =	seq.s32 s5, $0x0;
	s5 =	sld [smem:$0x3FA8]  }
0x2b: {  	s6 =	sld [smem:$0x3FA9]  }
0x2c: {  	s7 =	sld [smem:$0x3FAA]  }
0x2d: {  	s3 =	simm.s32 $0x108;
	s8 =	sld [smem:$0x3FAB]  }
0x2e: {  	s3 =	simm.s32 @!p0 $0x1082;
	s9 =	sld [smem:$0x3FAC]  }
0x2f: {  	lr =	sadd.s32 s0, s3;
	s0 =	sld [smem:$0x3FA3]  }
0x30: {  	s3 =	sld [smem:$0x3FA6]  }
0x31: {  	[smem:$0x3FAF] =	sst s10  }
0x32: {  	s10 =	sld [smem:$0x3FAD];
	_ =	sdelay $0x3  }
0x33: {  	p0 =	seq.s32 s10, $0x1;
	s10 =	sld [smem:$0x3FAF];
	_ =	sdelay $0x3  }
0x34: {  	[smem:$0x3FAF] =	sst s10  }
0x35: {  	s10 =	sld [smem:$0x3FAE];
	_ =	sdelay $0x3  }
0x36: {  	p1 =	seq.s32 s10, $0x1;
	s10 =	sld [smem:$0x3FAF];
	_ =	sdelay $0x3  }
0x37: {  	[smem:$0x3FAF] =	sst s10  }
0x38: {  	s10 =	sld [smem:$0x3FB0]  }
0x39: {  	_ = 	snop;
	(pc) =	sbr.ind lr, $3  }
0x3a: {  	_ = 	snop  }
0x3b: {  	_ = 	snop  }
0x3c: {  	p2 =	seq.s32 s10, $0x1;
	s10 =	sld [smem:$0x3FAF]  }
0x3d: {  	_ =	shalt  }
0x3e: {  	_ =	shalt  }
0x3f: {  	_ =	shalt  }
0x40: {  	_ =	shalt  }
0x41: {  	_ =	shalt  }
0x42: {  	_ =	shalt  }
0x43: {  	_ =	shalt  }
0x44: {  	_ =	shalt  }
0x45: {  	_ =	shalt  }
0x46: {  	_ =	shalt  }
0x47: {  	_ =	shalt  }
0x48: {  	_ =	shalt  }
0x49: {  	_ =	shalt  }
0x4a: {  	_ =	shalt  }
0x4b: {  	_ =	shalt  }
0x4c: {  	_ =	shalt  }
0x4d: {  	_ =	shalt  }
0x4e: {  	_ =	shalt  }
0x4f: {  	_ =	shalt  }
0x50: {  	_ =	shalt  }
0x51: {  	_ =	shalt  }
0x52: {  	_ =	shalt  }
0x53: {  	_ =	shalt  }
0x54: {  	_ =	shalt  }
0x55: {  	_ =	shalt  }
0x56: {  	_ =	shalt  }
0x57: {  	_ =	shalt  }
0x58: {  	_ =	shalt  }
0x59: {  	_ =	shalt  }
0x5a: {  	_ =	shalt  }
0x5b: {  	_ =	shalt  }
0x5c: {  	_ =	shalt  }
0x5d: {  	_ =	shalt  }
0x5e: {  	_ =	shalt  }
0x5f: {  	_ =	shalt  }
0x60: {  	_ =	shalt  }
0x61: {  	_ =	shalt  }
0x62: {  	_ =	shalt  }
0x63: {  	_ =	shalt  }
0x64: {  	_ =	shalt  }
0x65: {  	_ =	shalt  }
0x66: {  	_ =	shalt  }
0x67: {  	_ =	shalt  }
0x68: {  	_ =	shalt  }
0x69: {  	_ =	shalt  }
0x6a: {  	_ =	shalt  }
0x6b: {  	_ =	shalt  }
0x6c: {  	_ =	shalt  }
0x6d: {  	_ =	shalt  }
0x6e: {  	_ =	shalt  }
0x6f: {  	_ =	shalt  }
0x70: {  	_ =	shalt  }
0x71: {  	_ =	shalt  }
0x72: {  	_ =	shalt  }
0x73: {  	_ =	shalt  }
0x74: {  	_ =	shalt  }
0x75: {  	_ =	shalt  }
0x76: {  	_ =	shalt  }
0x77: {  	_ =	shalt  }
0x78: {  	_ =	shalt  }
0x79: {  	_ =	shalt  }
0x7a: {  	_ =	shalt  }
0x7b: {  	_ =	shalt  }
0x7c: {  	_ =	shalt  }
0x7d: {  	_ =	shalt  }
0x7e: {  	_ =	shalt  }
0x7f: {  	_ =	shalt  }
0x80: {  	_ =	shalt  }
0x81: {  	_ =	shalt  }
0x82: {  	_ =	shalt  }
0x83: {  	_ =	shalt  }
0x84: {  	_ =	shalt  }
0x85: {  	_ =	shalt  }
0x86: {  	_ =	shalt  }
0x87: {  	_ =	shalt  }
.Lfunc_end0:
.L_simem_size_0:
called_computation_lowered:
.L_overlay_start_0:
0x88: {  	s0 =	sld [smem:$0x3FD9]  }
0x89: {  	s1 =	sld [smem:$0x3FFE];
	_ =	sdelay $0x3  }
0x8a: {  	s0 =	sadd.s32 s1, s0  }
0x8b: {  	[smem:$0x3FBB] =	sst s0  }
0x8c: {  	_ = 	snop  }
0x8d: {  	(tm) =	ssettm $0x1  }
0x8e: {  	s15 =	sld [smem:$0x3FFB];
	_ =	sdelay $0x3  }
0x8f: {  	_ =	strace s15  }
0x90: {  	s0 =	sld [smem:$0x3FFC];
	_ =	sdelay $0x3  }
0x91: {  	_ =	strace s0  }
0x92: {  	s0 =	sld [smem:$0x3FFD];
	_ =	sdelay $0x3  }
0x93: {  	_ =	strace s0  }
0x94: {  	_ =	strace $0x8FFFFFFF  }
0x95: {  	s16 =	sld [smem:$0x3FDB];
	_ =	sdelay $0x1  }
0x96: {  	s17 =	simm.s32 $_scs_section_size  }
0x97: {  	s2 =	simm.s32 $_size__tile_overlayer_lowered;
	s3 =	simm.s32 $_tile_overlayer_lowered  }
0x98: {  	s20 =	simm.s32 $0x1BFF;
	s19 =	sshll.u32 s3, $0x1;
	s0 =	sadd.s32 s17, s16  }
0x99: {  	s4 =	simm.s32 $0x0;
	s18 =	sshll.u32 s2, $0x1;
	s2 =	sadd.s32 s19, s0  }
0x9a: {  	[timem:s4], [sflag:s20] =	dma.local [hbm:s2], s18  }
0x9b: {  	_ =	swait.ge [sflag:s20], s18  }
0x9c: {  	s1 =	ssub.s32 $0x0, s18;
	[sflag:s20] =	ssyncset.done $0x0  }
0x9d: {  	[sflag:s20] =	ssyncadd.s32 s1;
	_ =	sdelay $0x1  }
0x9e: {  	s21 =	simm.s32 $0x1B8B  }
0x9f: {  	_ =	swait.ge [sflag:s21], $0x1  }
0xa0: {  	[sflag:s21] =	ssyncset.done $0x0  }
0xa1: {  	s23 =	simm.s32 $0x1B8E;
	s22 =	sld [smem:$0x3FFE];
	[sflag:s21] =	ssyncadd.s32 $0xFFFFFFFF  }
0xa2: {  	s24 =	simm.s32 $execute0_lowered;
	[smem:$0x3FD2] =	sst s23  }
0xa3: {  	s2 =	sshll.u32 s24, $0x1;
	_ =	strace $0x80000046;
	[dreg:$0x1] =	wrdreg $0xFFFFFFFF  }
0xa4: {  	s25 =	simm.s32 $_size_execute0_lowered;
	s0 =	sadd.s32 s0, s2;
	[dreg:$0x0] =	wrdreg $0x0  }
0xa5: {  	s2 =	sshll.u32 s25, $0x1;
	[dreg:$0x2] =	wrdreg s0  }
0xa6: {  	[dreg:$0x3] =	wrdreg s2  }
0xa7: {  	[dreg:$0x4] =	wrdreg $0xC0  }
0xa8: {  	_ =	task [dreg:s4], $0x5FFFF  }
0xa9: {  	[dreg:$0x1] =	wrdreg $0xFFFFFFFF  }
0xaa: {  	[dreg:$0x0] =	wrdreg $0x60  }
0xab: {  	[dreg:$0x2] =	wrdreg s22  }
0xac: {  	[dreg:$0x3] =	wrdreg $0x9  }
0xad: {  	_ =	task.clear_ibuf [dreg:s4], $0x4FFFF;
	_ =	strace $0x90000046  }
0xae: {  	s26 =	simm.s32 $0x9;
	_ =	strace $0x80000048  }
0xaf: {  	_ =	swait.ge [sflag:s26], $0x1  }
0xb0: {  	[sflag:s26] =	ssyncadd.s32 $0xFFFFFFFF  }
0xb1: {  	_ =	strace $0x90000048  }
0xb2: {  	_ =	sfence  }
0xb3: {  	s28 =	sld [smem:$0x0];
	_ =	sdelay $0x1  }
0xb4: {  	s29 =	srdreg.scid  }
0xb5: {  	s30 =	sshll.u32 s29, $0xD;
	s31 =	sshrl.u32 s29, $0x2  }
0xb6: {  	s1 =	sand.u32 $0x1, s29;
	s2 =	sand.u32 $0x4000, s30;
	s0 =	sadd.s32 s31, s28  }
0xb7: {  	s1 =	sor.u32 s2, s1;
	s0 =	sshll.u32 s0, $0x11  }
0xb8: {  	s0 =	sor.u32 s0, s1  }
0xb9: {  	s0 =	sadd.s32 $0x8F2B, s0  }
0xba: {  	[sflag:s0] =	ssyncadd.remote.s32 $0x1  }
0xbb: {  	_ =	sfence.sel $0xFFFF  }
0xbc: {  	[dreg:$0x0] =	wrdreg $0xFFFFFFFF;
	(pc) =	sbr.abs _section_cstart, $3  }
0xbd: {  	[dreg:$0x1] =	wrdreg $0xFFFFFFFF  }
0xbe: {  	_ =	task.clear_ibuf [dreg:s4], $0x2FFFF;
	_ =	strace $0x9FFFFFFF  }
0xbf: {  	(tm) =	ssettm $0x7FFFFFFF  }
tec
execute0_lowered:
.L_overlay_start_1:
0x0: {  	(tag) =	ssettag $0x1  }
0x1: {  	s7 =	rddreg [dreg:$0x0]  }
0x2: {  	s0 =	rddreg [dreg:$0x1];
	_ =	strace $0x80000047  }
0x3: {  	s3 =	stileid.u32;
	s4 =	simm.s32 $0x3E;
	s1 =	sadd.s32 $0x600, s7  }
0x4: {  	p0 =	sne.s32 s3, $0x0;
	[sflag:s4] =	ssyncpa.u1 $0x0;
	s29 =	smin.u32 s3, $0x8  }
0x5: {  	s30 =	sshll.u32 s3, $0x1;
	s2 =	simm.s32 @!p0 $0x1C3E;
	s5 =	simm.s32 @!p0 $0x0  }
0x6: {  	[spmem:s5], [sflag:s2] =	dma.local @!p0 [hbm:s1], $0x14000  }
0x7: {  	s2 =	sadd.s32 s29, s30  }
0x8: {  	p1 =	slt.u32 s3, $0x8;
	s3 =	simm.s32 $0x5DC0;
	s2 =	smul.u32 $0x1F40, s2  }
0x9: {  	s3 =	simm.s32 @!p1 $0x3E80  }
0xa: {  	s3 =	sadd.s32 s3, s2  }
0xb: {  	s3 =	smin.u32 s3, $0x4E200  }
0xc: {  	s8 =	ssub.s32 s3, s2  }
0xd: {  	p1 =	sgt.s32 s8, $0x0  }
0xe: {  	s8 =	simm.s32 @!p1 $0x0  }
0xf: {  	s5 =	simm.s32 @!p0 $0x3E;
	s31 =	smulhi.u32 $0x10624DD3, s8  }
0x10: {  	_ =	swait.ge @!p0 [sflag:s5], $0x14000  }
0x11: {  	s6 =	simm.s32 $0x2;
	[sflag:s5] =	ssyncset.done @!p0 $0x0;
	s9 =	sshrl.u32 s31, $0x9  }
0x12: {  	s11 =	simm.s32 $0x0;
	[sflag:s5] =	ssyncadd.s32 @!p0 $0xFFFEC000;
	s10 =	smul.u32 $0x1F40, s9  }
.Ltmp0:
0x13: {  	s5 =	sadd.s32 $0x14600, s7;
	[bflag:$0x0] =	sbarrier.arrive $0xFFFF;
	(pc) =	sbr.rel .LBB2_1-.Ltmp0, $4  }
0x14: {  	s7 =	sadd.s32 $0x1E600, s7;
	[sflag:s4] =	ssyncpa.u1 $0x1;
	s4 =	simm.s32 $0x1  }
0x15: {  	[sflag:s4] =	ssyncpa.u1 $0x0;
	p1 =	sne.s32 s8, s10;
	s8 =	simm.s32 $0x1  }
0x16: {  	(ifvalue) =	ssetifvalue $0xA0000;
	[sflag:s6] =	ssyncpa.u1 $0x0;
	s8 =	simm.s32 @!p1 $0x0  }
0x17: {  	vm0 =	vmmov $0xffff;
	s10 =	smov.u32 s2;
	s8 =	sadd.s32 s8, s9;
	s9 =	simm.s32 $0x0  }
.LBB2_5:
0x18: {  	p2 =	sne.s32 s11, s8  }
.Ltmp1:
0x19: {  	_ = 	snop;
	(pc) =	sbr.rel @!p2 .LBB2_6-.Ltmp1, $4  }
0x1a: {  	_ = 	snop  }
0x1b: {  	s12 =	sadd.s32 $0x1F40, s10  }
0x1c: {  	s10 =	smov.u32 s2;
	s13 =	sadd.s32 $0x1, s11;
	p1 =	slt.s32 s12, s3  }
0x1d: {  	s11 =	smov.u32 s13;
	s10 =	smov.u32 @p1 s12  }
.LBB2_1:
0x1e: {  	p1 =	sge.u32 s11, s8  }
0x1f: {  	s12 =	sxor.u32 @!p1 $0xFFFFFFFF, s11  }
0x20: {  	s12 =	sand.u32 @!p1 $0x1, s12  }
0x21: {  	s12 =	smul.u32 @!p1 $0x1F40, s12  }
0x22: {  	s13 =	sshrl.u32 @!p1 s10, $0x3  }
0x23: {  	s16 =	sand.u32 @!p1 $0x7, s10;
	s14 =	sadd.s32 @!p1 s5, s13;
	s15 =	sor.u32 @!p1 $0xA000, s12  }
0x24: {  	[tilespmem:s15], [sflag:$0x2] =	stream.linear.gather @!p1 [hbm4b:s14+s16], $0x1F40, $0x38;
	[tilespmem:$0x11D00] =	vst v63  }
0x25: {  	s13 =	sadd.s32 @!p1 s7, s13;
	s12 =	sadd.s32 @!p1 $0xDE80, s12  }
0x26: {  	[tilespmem:s12], [sflag:$0x2] =	stream.linear.gather @!p1 [hbm4b:s13+s16], $0x1F40, $0x38;
	[tilespmem:$0x11D00] =	vst v63  }
0x27: {  	p1 =	seq.s32 s11, $0x0  }
.Ltmp2:
0x28: {  	_ = 	snop;
	(pc) =	sbr.rel @p1 .LBB2_5-.Ltmp2, $1  }
0x29: {  	_ =	sdelay $0x3  }
0x2a: {  	s12 =	sand.u32 $0x1, s11  }
0x2b: {  	_ =	swait.ge [sflag:s6], $0x3E80;
	p1 =	seq.s32 s12, $0x1;
	s12 =	simm.s32 $0x1F40  }
0x2c: {  	[sflag:s6] =	ssyncset.done $0x0;
	s12 =	simm.s32 @!p1 $0x0  }
0x2d: {  	[sflag:s6] =	ssyncadd.s32 $0xFFFFC180;
	s14 =	sor.u32 $0xA000, s12  }
0x2e: {  	v0 =	vld.msk [tilespmem:s14+$0x0 ss:$0x1], $0xffff;
	_ =	sdelay $0x4  }
0x2f: {  	v0 =	vmin.u32 v0, $0xA0000;
	_ =	sdelay $0x3  }
0x30: {  	s13 =	simm.s32 $0x0;
	s12 =	sadd.s32 $0xDE80, s12;
	s14 =	sadd.s32 $0x10, s14  }
0x31: {  	[spmem:s9] =	stream.indirect_vreg.scatter.add.s32 [tilespmem:s12], [sflag:$0x1], $0x1, v0, vm0, $0x4038;
	[tilespmem:$0x11D00] =	vst v63  }
.LBB2_3:
0x32: {  	v0 =	vld.msk [tilespmem:s14+$0x0 ss:$0x1], $0xffff;
	s13 =	sadd.s32 $0x10, s13  }
0x33: {  	p1 =	slt.u32 s13, $0x1F30;
	_ =	sdelay $0x4  }
0x34: {  	v0 =	vmin.u32 v0, $0xA0000  }
.Ltmp3:
0x35: {  	(pc) =	sbr.rel @p1 .LBB2_3-.Ltmp3, $3  }
0x36: {  	_ =	sdelay $0x1  }
0x37: {  	s14 =	sadd.s32 $0x10, s14;
	s12 =	sadd.s32 $0x10, s12  }
0x38: {  	[spmem:s9] =	stream.indirect_vreg.scatter.add.s32 [tilespmem:s12], [sflag:$0x1], $0x1, v0, vm0, $0x4038;
	[tilespmem:$0x11D00] =	vst v63  }
.Ltmp4:
0x39: {  	(pc) =	sbr.rel .LBB2_5-.Ltmp4, $4  }
0x3a: {  	_ = 	snop  }
0x3b: {  	_ =	swait.ge [sflag:s4], $0x1F40  }
0x3c: {  	[sflag:s4] =	ssyncset.done $0x0  }
0x3d: {  	[sflag:s4] =	ssyncadd.s32 $0xFFFFE0C0  }
.LBB2_6:
0x3e: {  	_ =	sfence.sel $0x180000  }
0x3f: {  	s2 =	simm.s32 $0x2;
	[bflag:$0x0] =	sbarrier.arrive $0xFFFF  }
0x40: {  	s30 =	simm.s32 $0x1;
	[sflag:s2] =	ssyncpa.u1 $0x1  }
0x41: {  	[sflag:s30] =	ssyncpa.u1 $0x1  }
0x42: {  	_ =	sfence.stream.spmem  }
0x43: {  	s31 =	simm.s32 $0x3D;
	[bflag:$0x0] =	sbarrier.arrive $0xFFFF  }
0x44: {  	s2 =	simm.s32 @p0 $0x3D;
	[sflag:s31] =	ssyncpa.u1 $0x0  }
0x45: {  	[sflag:s2] =	ssyncpa.u1 @p0 $0x1  }
0x46: {  	[bflag:$0x0] =	sbarrier.arrive @p0 $0xFFFF  }
0x47: {  	_ =	strace @p0 $0x90000047  }
0x48: {  	s3 =	simm.s32 @!p0 $0x1C3D;
	s2 =	simm.s32 @!p0 $0x0;
	[bflag:$0x2] =	sbarrier.arrive @p0 $0xFFFF  }
0x49: {  	[hbm:s1], [sflag:s3] =	dma.local @!p0 [spmem:s2], $0x14000  }
0x4a: {  	s1 =	simm.s32 @!p0 $0x3D  }
0x4b: {  	_ =	swait.ge @!p0 [sflag:s1], $0x14000  }
0x4c: {  	[sflag:s1] =	ssyncset.done @!p0 $0x0  }
0x4d: {  	[sflag:s1] =	ssyncadd.s32 @!p0 $0xFFFEC000  }
0x4e: {  	[sflag:s1] =	ssyncpa.u1 @!p0 $0x1  }
0x4f: {  	[bflag:$0x0] =	sbarrier.arrive @!p0 $0xFFFF  }
0x50: {  	_ =	strace @!p0 $0x90000047  }
0x51: {  	s0 =	sadd.s32 @!p0 $0x100000, s0;
	[bflag:$0x2] =	sbarrier.arrive @!p0 $0xFFFF  }
0x52: {  	[sflag:s0] =	ssyncadd.tile.s32 @!p0 $0x1;
	_ =	shalt  }
.Lfunc_end2:
_tile_overlayer_lowered:
.L_overlay_start_2:
0x53: {  	(tag) =	ssettag $0x2  }
0x54: {  	s0 =	rddreg [dreg:$0x0];
	s2 =	stileid.u32  }
0x55: {  	s1 =	rddreg [dreg:$0x1];
	p0 =	sne.s32 s2, $0x0  }
0x56: {  	s3 =	rddreg [dreg:$0x2];
	[bflag:$0x3] =	sbarrier.arrive $0xFFFF;
	s2 =	simm.s32 @!p0 $0x1C01  }
0x57: {  	[timem:s3], [sflag:s2] =	dma.local @!p0 [hbm:s0], s1  }
0x58: {  	s0 =	simm.s32 @!p0 $0x1  }
0x59: {  	_ =	swait.ge @!p0 [sflag:s0], s1  }
0x5a: {  	s1 =	ssub.s32 @!p0 $0x0, s1;
	[sflag:s0] =	ssyncset.done @!p0 $0x0  }
0x5b: {  	[sflag:s0] =	ssyncadd.s32 @!p0 s1  }
0x5c: {  	[bflag:$0x3] =	sbarrier.arrive $0xFFFF  }
0x5d: {  	_ =	shalt  }

</sc_bundles>
